<compile_context>
chip_gen: v7x
topology: tpu7x:2x2x1
jax: 0.10.2.dev20260603
libtpu: 0.0.44.dev20260713+nightly
codegen_flags: <defaults>
</compile_context>

<pallas_src>
import jax
import jax.numpy as jnp
from jax import lax
from jax.experimental import pallas as pl
from jax.experimental.pallas import tpu as pltpu
from jax.experimental.pallas import tpu_sc as plsc

_N = 10000
_E = 320000
_D = 128
_G = 64
_BLK = 128
_NP = 10240
_NB = _NP // _BLK
_NC = 2
_NS = 16
_NW = _NC * _NS
_K = 128
_NCH = _E // _K
_NCHP = 2560
_CPW = _NCHP // _NW
_SINK = _N
_RPT = _NP // _NS
_NBUF = 2
_HCH = _CPW // 2



def _sc_mesh():
  return plsc.VectorSubcoreMesh(core_axis_name="c", subcore_axis_name="s",
                                num_cores=_NC, num_subcores=_NS)


def _make_agg():
  out_type = jax.ShapeDtypeStruct((_NC * _NP, _D), jnp.float32)
  scratch = [
      pltpu.VMEM((_HCH, _K), jnp.int32),
      pltpu.VMEM((_HCH, _K), jnp.int32),
      pltpu.VMEM((_NBUF, _K, _D), jnp.float32),
      pltpu.VMEM_SHARED((_NP, _D), jnp.float32),
  ] + [pltpu.SemaphoreType.DMA] * (2 * _NBUF)

  def body(h_hbm, src_hbm, dst_hbm, zrow_hbm, cnt_hbm, acc_out, srcv, dstv,
           msgv, accs, *sems):
    del cnt_hbm
    gsem = sems[:_NBUF]
    ssem = sems[_NBUF:]
    cid = lax.axis_index("c")
    sid = lax.axis_index("s")
    wid = sid * _NC + cid
    row0 = sid * _RPT

    pltpu.sync_copy(zrow_hbm, accs.at[pl.ds(row0, _RPT)])
    plsc.subcore_barrier()

    def gather(c, b):
      pltpu.async_copy(h_hbm.at[srcv.at[c]], msgv.at[b], gsem[b])

    def gather_wait(c, b):
      pltpu.make_async_copy(h_hbm.at[srcv.at[c]], msgv.at[b], gsem[b]).wait()

    def scatter(c, b):
      pltpu.async_copy(msgv.at[b], accs.at[dstv.at[c]], ssem[b], add=True)

    def scatter_wait(c, b):
      pltpu.make_async_copy(msgv.at[b], accs.at[dstv.at[c]], ssem[b]).wait()

    for half in range(2):
      base = wid * _CPW + half * _HCH
      pltpu.sync_copy(src_hbm.at[pl.ds(base, _HCH)], srcv)
      pltpu.sync_copy(dst_hbm.at[pl.ds(base, _HCH)], dstv)

      for b in range(_NBUF):
        gather(b, b)

      @pl.loop(0, _HCH, step=_NBUF)
      def _(j):
        for b in range(_NBUF):
          gather_wait(j + b, b)
          scatter(j + b, b)
        for b in range(_NBUF):
          scatter_wait(j + b, b)
          nxt = j + b + _NBUF

          @pl.when(nxt < _HCH)
          def _():
            gather(nxt, b)

    plsc.subcore_barrier()
    out_row0 = cid * _NP + row0
    pltpu.sync_copy(accs.at[pl.ds(row0, _RPT)],
                    acc_out.at[pl.ds(out_row0, _RPT)])

  return pl.kernel(body, out_type=out_type, mesh=_sc_mesh(),
                   scratch_types=scratch)


def _make_count():
  out_type = jax.ShapeDtypeStruct((_NC * _NP, _D), jnp.float32)
  scratch = [
      pltpu.VMEM((_CPW, _K), jnp.int32),
      pltpu.VMEM((_K, _D), jnp.float32),
      pltpu.VMEM_SHARED((_NP, _D), jnp.float32),
  ] + [pltpu.SemaphoreType.DMA] * _NBUF

  def body(dst_hbm, ones_hbm, zrow_hbm, cnt_out, dstv, onesv, accs, *ssem):
    cid = lax.axis_index("c")
    sid = lax.axis_index("s")
    wid = sid * _NC + cid
    row0 = sid * _RPT

    pltpu.sync_copy(zrow_hbm, accs.at[pl.ds(row0, _RPT)])
    pltpu.sync_copy(ones_hbm, onesv)
    base = wid * _CPW
    pltpu.sync_copy(dst_hbm.at[pl.ds(base, _CPW)], dstv)
    plsc.subcore_barrier()

    def scatter(c, b):
      pltpu.async_copy(onesv, accs.at[dstv.at[c]], ssem[b], add=True)

    def scatter_wait(c, b):
      pltpu.make_async_copy(onesv, accs.at[dstv.at[c]], ssem[b]).wait()

    @pl.loop(0, _CPW, step=_NBUF)
    def _(j):
      for b in range(_NBUF):
        @pl.when(j > 0)
        def _():
          scatter_wait(j + b - _NBUF, b)
        scatter(j + b, b)

    for b in range(_NBUF):
      scatter_wait(_CPW - _NBUF + b, b)

    plsc.subcore_barrier()
    out_row0 = cid * _NP + row0
    pltpu.sync_copy(accs.at[pl.ds(row0, _RPT)],
                    cnt_out.at[pl.ds(out_row0, _RPT)])

  return pl.kernel(body, out_type=out_type, mesh=_sc_mesh(),
                   scratch_types=scratch)


_AGG_CACHE = {}


def _get_agg(name):
  if name not in _AGG_CACHE:
    _AGG_CACHE[name] = _make_agg() if name == "agg" else _make_count()
  return _AGG_CACHE[name]



def _mm(a, w):
  return lax.dot_general(a, w, (((1,), (1,)), ((), ())),
                         preferred_element_type=jnp.float32,
                         precision=lax.Precision.DEFAULT)


def _lrelu(v):
  return jnp.where(v > 0, v, 0.01 * v)


_BLKC = 2048
_NBC = _NP // _BLKC


def _wspec(shape=(_D, _D)):
  return pl.BlockSpec(shape, lambda i: tuple(0 for _ in shape))


def _combine_mean(a0, a1, rcp):
  return (a0[...] + a1[...]) * rcp[...]



def _pre_body(x_ref, w_ref, b_ref, wrn_ref, oh_ref, orn_ref):
  h = _mm(x_ref[...], w_ref[...]) + b_ref[...]
  oh_ref[...] = h
  orn_ref[...] = _mm(h, wrn_ref[...])


_pre = pl.pallas_call(
    _pre_body,
    grid=(_NBC,),
    in_specs=[pl.BlockSpec((_BLKC, _D), lambda i: (i, 0)),
              _wspec(), _wspec((1, _D)), _wspec()],
    out_specs=[pl.BlockSpec((_BLKC, _D), lambda i: (i, 0)),
               pl.BlockSpec((_BLKC, _D), lambda i: (i, 0))],
    out_shape=[jax.ShapeDtypeStruct((_NP, _D), jnp.float32),
               jax.ShapeDtypeStruct((_NP, _D), jnp.float32)],
)


def _comb_body(a0, a1, rcp, r_ref, wl_ref, bl_ref, wh_ref, bh_ref,
               wrn_ref, oh_ref, orn_ref):
  mean = _combine_mean(a0, a1, rcp)
  s = jnp.maximum(_mm(mean, wl_ref[...]) + bl_ref[...] + r_ref[...], 0.0)
  h = _lrelu(_mm(s, wh_ref[...]) + bh_ref[...])
  oh_ref[...] = h
  orn_ref[...] = _mm(h, wrn_ref[...])


def _make_comb():
  return pl.pallas_call(
      _comb_body,
      grid=(_NBC,),
      in_specs=[pl.BlockSpec((_BLKC, _D), lambda i: (i, 0)),
                pl.BlockSpec((_BLKC, _D), lambda i: (_NBC + i, 0)),
                pl.BlockSpec((_BLKC, 1), lambda i: (i, 0)),
                pl.BlockSpec((_BLKC, _D), lambda i: (i, 0)),
                _wspec(), _wspec((1, _D)), _wspec(), _wspec((1, _D)),
                _wspec()],
      out_specs=[pl.BlockSpec((_BLKC, _D), lambda i: (i, 0)),
                 pl.BlockSpec((_BLKC, _D), lambda i: (i, 0))],
      out_shape=[jax.ShapeDtypeStruct((_NP, _D), jnp.float32),
                 jax.ShapeDtypeStruct((_NP, _D), jnp.float32)],
  )


_comb1 = _make_comb()
_comb2 = _make_comb()


def _l3_body(a0, a1, rcp, r_ref, b_ref, wl_ref, bl_ref, wo_ref, bo_ref,
             woh_ref, boh_ref, gam_ref, bet_ref, rm_ref, rv_ref, wh1_ref,
             bh1_ref, o_ref, ps_ref, gc_ref):
  @pl.when(pl.program_id(0) == 0)
  def _():
    ps_ref[...] = jnp.zeros_like(ps_ref)
    gc_ref[...] = jnp.zeros_like(gc_ref)

  mean = _combine_mean(a0, a1, rcp)
  s = jnp.maximum(_mm(mean, wl_ref[...]) + bl_ref[...] + r_ref[...], 0.0)
  t = _lrelu(_mm(s, wo_ref[...]) + bo_ref[...])
  oh = (b_ref[0] == lax.broadcasted_iota(jnp.int32, (_G, 1), 0)
        ).astype(jnp.float32)
  ps_ref[...] += lax.dot_general(oh, t, (((1,), (0,)), ((), ())),
                                 preferred_element_type=jnp.float32,
                                 precision=lax.Precision.HIGHEST)
  gc_ref[...] += jnp.sum(oh, axis=1, keepdims=True)

  @pl.when(pl.program_id(0) == _NBC - 1)
  def _():
    pooled = ps_ref[...] / jnp.maximum(gc_ref[...][:, :1], 1.0)
    hh = _mm(pooled, woh_ref[...]) + boh_ref[...]
    hh = (hh - rm_ref[...]) / jnp.sqrt(rv_ref[...] + 1e-5) * gam_ref[...] \
        + bet_ref[...]
    hh = _lrelu(hh)
    hw = jnp.sum(hh * wh1_ref[...], axis=1, keepdims=True)
    o_ref[...] = jnp.maximum(hw + bh1_ref[0, 0], 0.0)


_layer3_pool_head = pl.pallas_call(
    _l3_body,
    grid=(_NBC,),
    in_specs=[pl.BlockSpec((_BLKC, _D), lambda i: (i, 0)),
              pl.BlockSpec((_BLKC, _D), lambda i: (_NBC + i, 0)),
              pl.BlockSpec((_BLKC, 1), lambda i: (i, 0)),
              pl.BlockSpec((_BLKC, _D), lambda i: (i, 0)),
              pl.BlockSpec((1, 1, _BLKC), lambda i: (i, 0, 0)),
              _wspec(), _wspec((1, _D)), _wspec(), _wspec((1, _D)),
              _wspec(), _wspec((1, _D)), _wspec((1, _D)), _wspec((1, _D)),
              _wspec((1, _D)), _wspec((1, _D)), _wspec((1, _D)),
              _wspec((1, 1))],
    out_specs=pl.BlockSpec((_G, 1), lambda i: (0, 0)),
    out_shape=jax.ShapeDtypeStruct((_G, 1), jnp.float32),
    scratch_shapes=[pltpu.VMEM((_G, _D), jnp.float32),
                    pltpu.VMEM((_G, 1), jnp.float32)],
)



def kernel(x, edge_index, batch, W_pre, b_pre, Wl1, bl1, Wr1, Wl2, bl2, Wr2,
           Wl3, bl3, Wr3, W_hh1, b_hh1, W_hh2, b_hh2, W_oo, b_oo,
           W_oh, b_oh, gamma_h, beta_h, rm_h, rv_h, W_h1, b_h1):
  npad = (_NCHP - _NCH) * _K
  sink = _SINK + (jnp.arange(npad, dtype=jnp.int32) % (_NP - _N))
  src = jnp.concatenate([edge_index[0], sink]).reshape(_NCHP, _K)
  dst = jnp.concatenate([edge_index[1], sink]).reshape(_NCHP, _K)
  xp = jnp.pad(x, ((0, _NP - _N), (0, 0)))
  batch_p = jnp.pad(batch, (0, _NP - _N),
                    constant_values=_G).reshape(_NBC, 1, _BLKC)
  zrow = jnp.zeros((_RPT, _D), jnp.float32)

  r1 = lambda v: v.reshape(1, -1)

  ones = jnp.ones((_K, _D), jnp.float32)
  cnt2 = _get_agg("count")(dst, ones, zrow)
  rcp = 1.0 / jnp.maximum(cnt2[:_NP, :1] + cnt2[_NP:, :1], 1.0)
  h0, rn1 = _pre(xp, W_pre, r1(b_pre), Wr1)
  acc1 = _get_agg("agg")(h0, src, dst, zrow, rcp)
  h1, rn2 = _comb1(acc1, acc1, rcp, rn1, Wl1, r1(bl1),
                   W_hh1, r1(b_hh1), Wr2)
  acc2 = _get_agg("agg")(h1, src, dst, zrow, rcp)
  h2, rn3 = _comb2(acc2, acc2, rcp, rn2, Wl2, r1(bl2),
                   W_hh2, r1(b_hh2), Wr3)
  acc3 = _get_agg("agg")(h2, src, dst, zrow, rcp)
  return _layer3_pool_head(acc3, acc3, rcp, rn3, batch_p,
                           Wl3, r1(bl3), W_oo, r1(b_oo),
                           W_oh, r1(b_oh), r1(gamma_h), r1(beta_h),
                           r1(rm_h), r1(rv_h), W_h1, b_h1.reshape(1, 1))

# --- scband reference (transcript-rebuilt; emitter-appended) ---
"""Pipeline reference for scband-sage-dsp-26843545600704 (READ-ONLY COPY).

The authoritative reference and input builder live on the scoring server;
editing this copy changes nothing except your own understanding.
"""

import jax, jax.numpy as jnp
import numpy as np

N = 10000
E = 320000
D_IN = 128
D_H = 128
D_OUT = 128
G = 64


def _lin_init(key, out_d, in_d, bias=True):
    k1, k2 = jax.random.split(key)
    bound = 1.0 / np.sqrt(in_d)
    W = jax.random.uniform(k1, (out_d, in_d), minval=-bound, maxval=bound, dtype=jnp.float32)
    if bias:
        b = jax.random.uniform(k2, (out_d,), minval=-bound, maxval=bound, dtype=jnp.float32)
        return W, b
    return W


def setup_inputs(seed: int = 0):
    key = jax.random.key(seed)
    ks = jax.random.split(key, 32)
    x = jax.random.normal(ks[0], (N, D_IN), dtype=jnp.float32)
    edge_index = jax.random.randint(ks[1], (2, E), 0, N, dtype=jnp.int32)
    batch = jnp.sort(jax.random.randint(ks[2], (N,), 0, G, dtype=jnp.int32))
    W_pre, b_pre = _lin_init(ks[3], D_H, D_IN)
    Wl1, bl1 = _lin_init(ks[4], D_H, D_H)
    Wr1 = _lin_init(ks[5], D_H, D_H, bias=False)
    Wl2, bl2 = _lin_init(ks[6], D_H, D_H)
    Wr2 = _lin_init(ks[7], D_H, D_H, bias=False)
    Wl3, bl3 = _lin_init(ks[8], D_OUT, D_H)
    Wr3 = _lin_init(ks[9], D_OUT, D_H, bias=False)
    W_hh1, b_hh1 = _lin_init(ks[10], D_H, D_H)
    W_hh2, b_hh2 = _lin_init(ks[11], D_H, D_H)
    W_oo, b_oo = _lin_init(ks[12], D_OUT, D_OUT)
    W_oh, b_oh = _lin_init(ks[13], D_H, D_OUT)
    W_h1, b_h1 = _lin_init(ks[14], 1, D_H)
    gamma_h = jnp.ones((D_H,), jnp.float32)
    beta_h = jnp.zeros((D_H,), jnp.float32)
    rm_h = jnp.zeros((D_H,), jnp.float32)
    rv_h = jnp.ones((D_H,), jnp.float32)
    return {"x": x, "edge_index": edge_index, "batch": batch,
            "W_pre": W_pre, "b_pre": b_pre,
            "Wl1": Wl1, "bl1": bl1, "Wr1": Wr1,
            "Wl2": Wl2, "bl2": bl2, "Wr2": Wr2,
            "Wl3": Wl3, "bl3": bl3, "Wr3": Wr3,
            "W_hh1": W_hh1, "b_hh1": b_hh1,
            "W_hh2": W_hh2, "b_hh2": b_hh2,
            "W_oo": W_oo, "b_oo": b_oo,
            "W_oh": W_oh, "b_oh": b_oh,
            "gamma_h": gamma_h, "beta_h": beta_h, "rm_h": rm_h, "rv_h": rv_h,
            "W_h1": W_h1, "b_h1": b_h1}


def _leaky(v):
    return jnp.where(v > 0, v, 0.01 * v)


def _sage(x, src, dst, Wl, bl, Wr):
    # PyG SAGEConv (aggr='mean'): lin_l(mean_j x_j) + lin_r(x)
    msg = x[src]
    agg = jax.ops.segment_sum(msg, dst, num_segments=N)
    cnt = jax.ops.segment_sum(jnp.ones((src.shape[0],), x.dtype), dst, num_segments=N)
    mean = agg / jnp.clip(cnt, 1.0)[:, None]
    return mean @ Wl.T + bl + x @ Wr.T


def reference(x, edge_index, batch, W_pre, b_pre, Wl1, bl1, Wr1, Wl2, bl2, Wr2,
              Wl3, bl3, Wr3, W_hh1, b_hh1, W_hh2, b_hh2, W_oo, b_oo,
              W_oh, b_oh, gamma_h, beta_h, rm_h, rv_h, W_h1, b_h1):
    src, dst = edge_index[0], edge_index[1]
    h = x @ W_pre.T + b_pre
    h = jax.nn.relu(_sage(h, src, dst, Wl1, bl1, Wr1))
    h = _leaky(h @ W_hh1.T + b_hh1)  # dropout p=0.1 -> identity (eval mode)
    h = jax.nn.relu(_sage(h, src, dst, Wl2, bl2, Wr2))
    h = _leaky(h @ W_hh2.T + b_hh2)
    h = jax.nn.relu(_sage(h, src, dst, Wl3, bl3, Wr3))
    h = _leaky(h @ W_oo.T + b_oo)
    pooled_sum = jax.ops.segment_sum(h, batch, num_segments=G)
    cnt = jax.ops.segment_sum(jnp.ones((N,), h.dtype), batch, num_segments=G)
    pooled = pooled_sum / jnp.clip(cnt, 1.0)[:, None]
    h = pooled @ W_oh.T + b_oh
    h = (h - rm_h) / jnp.sqrt(rv_h + 1e-5) * gamma_h + beta_h  # BatchNorm1d eval
    h = _leaky(h)
    h = jax.nn.relu(h @ W_h1.T + b_h1)
    return h

if __name__ == "__main__":
    import jax
    _d = setup_inputs()
    print(jax.jit(kernel)(*tuple(_d.values())))

</pallas_src>

<mosaic_0001>
#map = affine_map<(d0, d1) -> (0, 0)>
module attributes {stable_mosaic.version = 14 : i64} {
  func.func @body(%arg0: i32, %arg1: i32, %arg2: memref<2560x128xi32, #tpu.memory_space<hbm>>, %arg3: memref<128x128xf32, #tpu.memory_space<hbm>>, %arg4: memref<640x128xf32, #tpu.memory_space<hbm>>, %arg5: memref<20480x128xf32, #tpu.memory_space<hbm>>, %arg6: memref<80x128xi32, #tpu.memory_space<vmem>>, %arg7: memref<128x128xf32, #tpu.memory_space<vmem>>, %arg8: memref<10240x128xf32, #tpu.memory_space<vmem_shared>>, %arg9: memref<!tpu.dma_semaphore, #tpu.memory_space<semaphore_mem>>, %arg10: memref<!tpu.dma_semaphore, #tpu.memory_space<semaphore_mem>>) attributes {dimension_semantics = [#tpu.dimension_semantics<core_parallel>, #tpu.dimension_semantics<subcore_parallel>], iteration_bounds = array<i64: 2, 16>, scalar_prefetch = 0 : i64, scratch_operands = 5 : i64, tpu.core_type = #tpu.core_type<sc_vector_subcore>, window_params = [{transform_indices = #map}, {transform_indices = #map}, {transform_indices = #map}, {transform_indices = #map}]} {
    %mul3A = arith.constant 2 : i32
    %mul3A_0 = arith.muli %arg1, %mul3A : i32
    %add3A = arith.addi %mul3A_0, %arg0 : i32
    %mul3A_1 = arith.constant 640 : i32
    %mul3A_2 = arith.muli %arg1, %mul3A_1 : i32
    "tpu.region"() ({
      %run_scoped3A = tpu.sem_alloc : memref<!tpu.dma_semaphore, #tpu.memory_space<semaphore_mem>>
      %dma_start3A = arith.constant 0 : i32
      %dma_start3A_26 = tpu.memref_slice %arg8[%mul3A_2, %dma_start3A] : memref<10240x128xf32, #tpu.memory_space<vmem_shared>> -> memref<640x128xf32, #tpu.memory_space<vmem_shared>>
      tpu.enqueue_dma source(%arg4 : memref<640x128xf32, #tpu.memory_space<hbm>>) target(%dma_start3A_26 : memref<640x128xf32, #tpu.memory_space<vmem_shared>>) target_semaphore(%run_scoped3A : memref<!tpu.dma_semaphore, #tpu.memory_space<semaphore_mem>>)
      %dma_wait3A_27 = arith.constant 0 : i32
      %dma_wait3A_28 = tpu.memref_slice %arg8[%mul3A_2, %dma_wait3A_27] : memref<10240x128xf32, #tpu.memory_space<vmem_shared>> -> memref<640x128xf32, #tpu.memory_space<vmem_shared>>
      tpu.wait_dma2 semaphore(%run_scoped3A : memref<!tpu.dma_semaphore, #tpu.memory_space<semaphore_mem>>) src(%arg4 : memref<640x128xf32, #tpu.memory_space<hbm>>) dst(%dma_wait3A_28 : memref<640x128xf32, #tpu.memory_space<vmem_shared>>)
      tpu.yield
    }) : () -> ()
    "tpu.region"() ({
      %run_scoped3A = tpu.sem_alloc : memref<!tpu.dma_semaphore, #tpu.memory_space<semaphore_mem>>
      tpu.enqueue_dma source(%arg3 : memref<128x128xf32, #tpu.memory_space<hbm>>) target(%arg7 : memref<128x128xf32, #tpu.memory_space<vmem>>) target_semaphore(%run_scoped3A : memref<!tpu.dma_semaphore, #tpu.memory_space<semaphore_mem>>)
      tpu.wait_dma2 semaphore(%run_scoped3A : memref<!tpu.dma_semaphore, #tpu.memory_space<semaphore_mem>>) src(%arg3 : memref<128x128xf32, #tpu.memory_space<hbm>>) dst(%arg7 : memref<128x128xf32, #tpu.memory_space<vmem>>)
      tpu.yield
    }) : () -> ()
    %mul3A_3 = arith.constant 80 : i32
    %mul3A_4 = arith.muli %add3A, %mul3A_3 : i32
    "tpu.region"() ({
      %run_scoped3A = tpu.sem_alloc : memref<!tpu.dma_semaphore, #tpu.memory_space<semaphore_mem>>
      %dma_start3A = arith.constant 0 : i32
      %dma_start3A_26 = tpu.memref_slice %arg2[%mul3A_4, %dma_start3A] : memref<2560x128xi32, #tpu.memory_space<hbm>> -> memref<80x128xi32, #tpu.memory_space<hbm>>
      %dma_start3A_27 = arith.constant 0 : i32
      %dma_start3A_28 = tpu.memref_slice %arg2[%mul3A_4, %dma_start3A_27] : memref<2560x128xi32, #tpu.memory_space<hbm>> -> memref<80x128xi32, #tpu.memory_space<hbm>>
      tpu.enqueue_dma source(%dma_start3A_28 : memref<80x128xi32, #tpu.memory_space<hbm>>) target(%arg6 : memref<80x128xi32, #tpu.memory_space<vmem>>) target_semaphore(%run_scoped3A : memref<!tpu.dma_semaphore, #tpu.memory_space<semaphore_mem>>)
      %dma_wait3A_29 = arith.constant 0 : i32
      %dma_wait3A_30 = tpu.memref_slice %arg2[%mul3A_4, %dma_wait3A_29] : memref<2560x128xi32, #tpu.memory_space<hbm>> -> memref<80x128xi32, #tpu.memory_space<hbm>>
      %dma_wait3A_31 = arith.constant 0 : i32
      %dma_wait3A_32 = tpu.memref_slice %arg2[%mul3A_4, %dma_wait3A_31] : memref<2560x128xi32, #tpu.memory_space<hbm>> -> memref<80x128xi32, #tpu.memory_space<hbm>>
      tpu.wait_dma2 semaphore(%run_scoped3A : memref<!tpu.dma_semaphore, #tpu.memory_space<semaphore_mem>>) src(%dma_wait3A_32 : memref<80x128xi32, #tpu.memory_space<hbm>>) dst(%arg6 : memref<80x128xi32, #tpu.memory_space<vmem>>)
      tpu.yield
    }) : () -> ()
    %barrier3A = arith.constant 0 : index
    tpu.barrier barrier_id(%barrier3A)
    %scan3A = arith.constant 0 : i32
    %scan3A_5 = arith.constant 40 : i32
    %scan3A_6 = arith.addi %scan3A, %scan3A_5 : i32
    %scan3A_7 = arith.constant 1 : i32
    scf.for %scan3A_26 = %scan3A to %scan3A_6 step %scan3A_7  : i32 {
      %mul3A_27 = arith.constant 2 : i32
      %mul3A_28 = arith.muli %scan3A_26, %mul3A_27 : i32
      %add3A_29 = arith.constant 0 : i32
      %add3A_30 = arith.addi %add3A_29, %mul3A_28 : i32
      %gt3A = arith.constant 0 : i32
      %gt3A_31 = arith.cmpi sgt, %add3A_30, %gt3A : i32
      %convert_element_type3A = arith.extui %gt3A_31 : i1 to i32
      %cond3A = arith.constant 0 : i32
      %cond3A_32 = arith.cmpi ne, %convert_element_type3A, %cond3A : i32
      scf.if %cond3A_32 {
        %add3A_53 = arith.constant 0 : i32
        %add3A_54 = arith.addi %add3A_30, %add3A_53 : i32
        %sub3A = arith.constant 2 : i32
        %sub3A_55 = arith.subi %add3A_54, %sub3A : i32
        %dma_wait3A_56 = arith.constant 0 : i32
        %dma_wait3A_57 = tpu.memref_slice %arg6[%sub3A_55, %dma_wait3A_56] : memref<80x128xi32, #tpu.memory_space<vmem>> -> memref<1x128xi32, #tpu.memory_space<vmem>>
        %dma_wait3A_58 = tpu.memref_squeeze %dma_wait3A_57 : memref<1x128xi32, #tpu.memory_space<vmem>> -> memref<128xi32, #tpu.memory_space<vmem>>
        %dma_wait3A_59 = arith.constant 0 : i32
        %dma_wait3A_60 = arith.constant 0 : i32
        %dma_wait3A_61 = tpu.memref_slice %arg8[%dma_wait3A_59, %dma_wait3A_60] : memref<10240x128xf32, #tpu.memory_space<vmem_shared>> -> memref<10240x128xf32, #tpu.memory_space<vmem_shared>>
        tpu.wait_indirect_dma semaphore(%arg9 : memref<!tpu.dma_semaphore, #tpu.memory_space<semaphore_mem>>) src(%arg7 : memref<128x128xf32, #tpu.memory_space<vmem>>) dst(%dma_wait3A_61 : memref<10240x128xf32, #tpu.memory_space<vmem_shared>>)
      } else {
      }
      %add3A_33 = arith.constant 0 : i32
      %add3A_34 = arith.addi %add3A_30, %add3A_33 : i32
      %dma_start3A = arith.constant 0 : i32
      %dma_start3A_35 = tpu.memref_slice %arg6[%add3A_34, %dma_start3A] : memref<80x128xi32, #tpu.memory_space<vmem>> -> memref<1x128xi32, #tpu.memory_space<vmem>>
      %dma_start3A_36 = tpu.memref_squeeze %dma_start3A_35 : memref<1x128xi32, #tpu.memory_space<vmem>> -> memref<128xi32, #tpu.memory_space<vmem>>
      %dma_start3A_37 = arith.constant 0 : i32
      %dma_start3A_38 = arith.constant 0 : i32
      %dma_start3A_39 = tpu.memref_slice %arg8[%dma_start3A_37, %dma_start3A_38] : memref<10240x128xf32, #tpu.memory_space<vmem_shared>> -> memref<10240x128xf32, #tpu.memory_space<vmem_shared>>
      tpu.enqueue_indirect_dma source(%arg7 : memref<128x128xf32, #tpu.memory_space<vmem>>) target(%dma_start3A_39 : memref<10240x128xf32, #tpu.memory_space<vmem_shared>>) offsets(%dma_start3A_36 : memref<128xi32, #tpu.memory_space<vmem>>) semaphore(%arg9 : memref<!tpu.dma_semaphore, #tpu.memory_space<semaphore_mem>>) {add = true}
      %gt3A_40 = arith.constant 0 : i32
      %gt3A_41 = arith.cmpi sgt, %add3A_30, %gt3A_40 : i32
      %convert_element_type3A_42 = arith.extui %gt3A_41 : i1 to i32
      %cond3A_43 = arith.constant 0 : i32
      %cond3A_44 = arith.cmpi ne, %convert_element_type3A_42, %cond3A_43 : i32
      scf.if %cond3A_44 {
        %add3A_53 = arith.constant 1 : i32
        %add3A_54 = arith.addi %add3A_30, %add3A_53 : i32
        %sub3A = arith.constant 2 : i32
        %sub3A_55 = arith.subi %add3A_54, %sub3A : i32
        %dma_wait3A_56 = arith.constant 0 : i32
        %dma_wait3A_57 = tpu.memref_slice %arg6[%sub3A_55, %dma_wait3A_56] : memref<80x128xi32, #tpu.memory_space<vmem>> -> memref<1x128xi32, #tpu.memory_space<vmem>>
        %dma_wait3A_58 = tpu.memref_squeeze %dma_wait3A_57 : memref<1x128xi32, #tpu.memory_space<vmem>> -> memref<128xi32, #tpu.memory_space<vmem>>
        %dma_wait3A_59 = arith.constant 0 : i32
        %dma_wait3A_60 = arith.constant 0 : i32
        %dma_wait3A_61 = tpu.memref_slice %arg8[%dma_wait3A_59, %dma_wait3A_60] : memref<10240x128xf32, #tpu.memory_space<vmem_shared>> -> memref<10240x128xf32, #tpu.memory_space<vmem_shared>>
        tpu.wait_indirect_dma semaphore(%arg10 : memref<!tpu.dma_semaphore, #tpu.memory_space<semaphore_mem>>) src(%arg7 : memref<128x128xf32, #tpu.memory_space<vmem>>) dst(%dma_wait3A_61 : memref<10240x128xf32, #tpu.memory_space<vmem_shared>>)
      } else {
      }
      %add3A_45 = arith.constant 1 : i32
      %add3A_46 = arith.addi %add3A_30, %add3A_45 : i32
      %dma_start3A_47 = arith.constant 0 : i32
      %dma_start3A_48 = tpu.memref_slice %arg6[%add3A_46, %dma_start3A_47] : memref<80x128xi32, #tpu.memory_space<vmem>> -> memref<1x128xi32, #tpu.memory_space<vmem>>
      %dma_start3A_49 = tpu.memref_squeeze %dma_start3A_48 : memref<1x128xi32, #tpu.memory_space<vmem>> -> memref<128xi32, #tpu.memory_space<vmem>>
      %dma_start3A_50 = arith.constant 0 : i32
      %dma_start3A_51 = arith.constant 0 : i32
      %dma_start3A_52 = tpu.memref_slice %arg8[%dma_start3A_50, %dma_start3A_51] : memref<10240x128xf32, #tpu.memory_space<vmem_shared>> -> memref<10240x128xf32, #tpu.memory_space<vmem_shared>>
      tpu.enqueue_indirect_dma source(%arg7 : memref<128x128xf32, #tpu.memory_space<vmem>>) target(%dma_start3A_52 : memref<10240x128xf32, #tpu.memory_space<vmem_shared>>) offsets(%dma_start3A_49 : memref<128xi32, #tpu.memory_space<vmem>>) semaphore(%arg10 : memref<!tpu.dma_semaphore, #tpu.memory_space<semaphore_mem>>) {add = true}
    }
    %scan3A_8 = arith.constant 40 : i32
    %dma_wait3A = arith.constant 78 : i32
    %dma_wait3A_9 = arith.constant 0 : i32
    %dma_wait3A_10 = tpu.memref_slice %arg6[%dma_wait3A, %dma_wait3A_9] : memref<80x128xi32, #tpu.memory_space<vmem>> -> memref<1x128xi32, #tpu.memory_space<vmem>>
    %dma_wait3A_11 = tpu.memref_squeeze %dma_wait3A_10 : memref<1x128xi32, #tpu.memory_space<vmem>> -> memref<128xi32, #tpu.memory_space<vmem>>
    %dma_wait3A_12 = arith.constant 0 : i32
    %dma_wait3A_13 = arith.constant 0 : i32
    %dma_wait3A_14 = tpu.memref_slice %arg8[%dma_wait3A_12, %dma_wait3A_13] : memref<10240x128xf32, #tpu.memory_space<vmem_shared>> -> memref<10240x128xf32, #tpu.memory_space<vmem_shared>>
    tpu.wait_indirect_dma semaphore(%arg9 : memref<!tpu.dma_semaphore, #tpu.memory_space<semaphore_mem>>) src(%arg7 : memref<128x128xf32, #tpu.memory_space<vmem>>) dst(%dma_wait3A_14 : memref<10240x128xf32, #tpu.memory_space<vmem_shared>>)
    %dma_wait3A_15 = arith.constant 79 : i32
    %dma_wait3A_16 = arith.constant 0 : i32
    %dma_wait3A_17 = tpu.memref_slice %arg6[%dma_wait3A_15, %dma_wait3A_16] : memref<80x128xi32, #tpu.memory_space<vmem>> -> memref<1x128xi32, #tpu.memory_space<vmem>>
    %dma_wait3A_18 = tpu.memref_squeeze %dma_wait3A_17 : memref<1x128xi32, #tpu.memory_space<vmem>> -> memref<128xi32, #tpu.memory_space<vmem>>
    %dma_wait3A_19 = arith.constant 0 : i32
    %dma_wait3A_20 = arith.constant 0 : i32
    %dma_wait3A_21 = tpu.memref_slice %arg8[%dma_wait3A_19, %dma_wait3A_20] : memref<10240x128xf32, #tpu.memory_space<vmem_shared>> -> memref<10240x128xf32, #tpu.memory_space<vmem_shared>>
    tpu.wait_indirect_dma semaphore(%arg10 : memref<!tpu.dma_semaphore, #tpu.memory_space<semaphore_mem>>) src(%arg7 : memref<128x128xf32, #tpu.memory_space<vmem>>) dst(%dma_wait3A_21 : memref<10240x128xf32, #tpu.memory_space<vmem_shared>>)
    %barrier3A_22 = arith.constant 0 : index
    tpu.barrier barrier_id(%barrier3A_22)
    %mul3A_23 = arith.constant 10240 : i32
    %mul3A_24 = arith.muli %arg0, %mul3A_23 : i32
    %add3A_25 = arith.addi %mul3A_24, %mul3A_2 : i32
    "tpu.region"() ({
      %run_scoped3A = tpu.sem_alloc : memref<!tpu.dma_semaphore, #tpu.memory_space<semaphore_mem>>
      %dma_start3A = arith.constant 0 : i32
      %dma_start3A_26 = tpu.memref_slice %arg5[%add3A_25, %dma_start3A] : memref<20480x128xf32, #tpu.memory_space<hbm>> -> memref<640x128xf32, #tpu.memory_space<hbm>>
      %dma_start3A_27 = arith.constant 0 : i32
      %dma_start3A_28 = tpu.memref_slice %arg8[%mul3A_2, %dma_start3A_27] : memref<10240x128xf32, #tpu.memory_space<vmem_shared>> -> memref<640x128xf32, #tpu.memory_space<vmem_shared>>
      tpu.enqueue_dma source(%dma_start3A_28 : memref<640x128xf32, #tpu.memory_space<vmem_shared>>) target(%dma_start3A_26 : memref<640x128xf32, #tpu.memory_space<hbm>>) target_semaphore(%run_scoped3A : memref<!tpu.dma_semaphore, #tpu.memory_space<semaphore_mem>>)
      %dma_wait3A_29 = arith.constant 0 : i32
      %dma_wait3A_30 = tpu.memref_slice %arg5[%add3A_25, %dma_wait3A_29] : memref<20480x128xf32, #tpu.memory_space<hbm>> -> memref<640x128xf32, #tpu.memory_space<hbm>>
      %dma_wait3A_31 = arith.constant 0 : i32
      %dma_wait3A_32 = tpu.memref_slice %arg8[%mul3A_2, %dma_wait3A_31] : memref<10240x128xf32, #tpu.memory_space<vmem_shared>> -> memref<640x128xf32, #tpu.memory_space<vmem_shared>>
      tpu.wait_dma2 semaphore(%run_scoped3A : memref<!tpu.dma_semaphore, #tpu.memory_space<semaphore_mem>>) src(%dma_wait3A_32 : memref<640x128xf32, #tpu.memory_space<vmem_shared>>) dst(%dma_wait3A_30 : memref<640x128xf32, #tpu.memory_space<hbm>>)
      tpu.yield
    }) : () -> ()
    return
  }
}

#map = affine_map<(d0, d1) -> (0, 0)>
module attributes {stable_mosaic.version = 14 : i64} {
  func.func @body(%arg0: i32, %arg1: i32, %arg2: memref<10240x128xf32, #tpu.memory_space<hbm>>, %arg3: memref<2560x128xi32, #tpu.memory_space<hbm>>, %arg4: memref<2560x128xi32, #tpu.memory_space<hbm>>, %arg5: memref<640x128xf32, #tpu.memory_space<hbm>>, %arg6: memref<10240x1xf32, #tpu.memory_space<hbm>>, %arg7: memref<20480x128xf32, #tpu.memory_space<hbm>>, %arg8: memref<40x128xi32, #tpu.memory_space<vmem>>, %arg9: memref<40x128xi32, #tpu.memory_space<vmem>>, %arg10: memref<2x128x128xf32, #tpu.memory_space<vmem>>, %arg11: memref<10240x128xf32, #tpu.memory_space<vmem_shared>>, %arg12: memref<!tpu.dma_semaphore, #tpu.memory_space<semaphore_mem>>, %arg13: memref<!tpu.dma_semaphore, #tpu.memory_space<semaphore_mem>>, %arg14: memref<!tpu.dma_semaphore, #tpu.memory_space<semaphore_mem>>, %arg15: memref<!tpu.dma_semaphore, #tpu.memory_space<semaphore_mem>>) attributes {dimension_semantics = [#tpu.dimension_semantics<core_parallel>, #tpu.dimension_semantics<subcore_parallel>], iteration_bounds = array<i64: 2, 16>, scalar_prefetch = 0 : i64, scratch_operands = 8 : i64, tpu.core_type = #tpu.core_type<sc_vector_subcore>, window_params = [{transform_indices = #map}, {transform_indices = #map}, {transform_indices = #map}, {transform_indices = #map}, {transform_indices = #map}, {transform_indices = #map}]} {
    %mul3A = arith.constant 2 : i32
    %mul3A_0 = arith.muli %arg1, %mul3A : i32
    %add3A = arith.addi %mul3A_0, %arg0 : i32
    %mul3A_1 = arith.constant 640 : i32
    %mul3A_2 = arith.muli %arg1, %mul3A_1 : i32
    "tpu.region"() ({
      %run_scoped3A = tpu.sem_alloc : memref<!tpu.dma_semaphore, #tpu.memory_space<semaphore_mem>>
      %dma_start3A_71 = arith.constant 0 : i32
      %dma_start3A_72 = tpu.memref_slice %arg11[%mul3A_2, %dma_start3A_71] : memref<10240x128xf32, #tpu.memory_space<vmem_shared>> -> memref<640x128xf32, #tpu.memory_space<vmem_shared>>
      tpu.enqueue_dma source(%arg5 : memref<640x128xf32, #tpu.memory_space<hbm>>) target(%dma_start3A_72 : memref<640x128xf32, #tpu.memory_space<vmem_shared>>) target_semaphore(%run_scoped3A : memref<!tpu.dma_semaphore, #tpu.memory_space<semaphore_mem>>)
      %dma_wait3A = arith.constant 0 : i32
      %dma_wait3A_73 = tpu.memref_slice %arg11[%mul3A_2, %dma_wait3A] : memref<10240x128xf32, #tpu.memory_space<vmem_shared>> -> memref<640x128xf32, #tpu.memory_space<vmem_shared>>
      tpu.wait_dma2 semaphore(%run_scoped3A : memref<!tpu.dma_semaphore, #tpu.memory_space<semaphore_mem>>) src(%arg5 : memref<640x128xf32, #tpu.memory_space<hbm>>) dst(%dma_wait3A_73 : memref<640x128xf32, #tpu.memory_space<vmem_shared>>)
      tpu.yield
    }) : () -> ()
    %barrier3A = arith.constant 0 : index
    tpu.barrier barrier_id(%barrier3A)
    %mul3A_3 = arith.constant 80 : i32
    %mul3A_4 = arith.muli %add3A, %mul3A_3 : i32
    %add3A_5 = arith.constant 0 : i32
    %add3A_6 = arith.addi %mul3A_4, %add3A_5 : i32
    "tpu.region"() ({
      %run_scoped3A = tpu.sem_alloc : memref<!tpu.dma_semaphore, #tpu.memory_space<semaphore_mem>>
      %dma_start3A_71 = arith.constant 0 : i32
      %dma_start3A_72 = tpu.memref_slice %arg3[%add3A_6, %dma_start3A_71] : memref<2560x128xi32, #tpu.memory_space<hbm>> -> memref<40x128xi32, #tpu.memory_space<hbm>>
      %dma_start3A_73 = arith.constant 0 : i32
      %dma_start3A_74 = tpu.memref_slice %arg3[%add3A_6, %dma_start3A_73] : memref<2560x128xi32, #tpu.memory_space<hbm>> -> memref<40x128xi32, #tpu.memory_space<hbm>>
      tpu.enqueue_dma source(%dma_start3A_74 : memref<40x128xi32, #tpu.memory_space<hbm>>) target(%arg8 : memref<40x128xi32, #tpu.memory_space<vmem>>) target_semaphore(%run_scoped3A : memref<!tpu.dma_semaphore, #tpu.memory_space<semaphore_mem>>)
      %dma_wait3A = arith.constant 0 : i32
      %dma_wait3A_75 = tpu.memref_slice %arg3[%add3A_6, %dma_wait3A] : memref<2560x128xi32, #tpu.memory_space<hbm>> -> memref<40x128xi32, #tpu.memory_space<hbm>>
      %dma_wait3A_76 = arith.constant 0 : i32
      %dma_wait3A_77 = tpu.memref_slice %arg3[%add3A_6, %dma_wait3A_76] : memref<2560x128xi32, #tpu.memory_space<hbm>> -> memref<40x128xi32, #tpu.memory_space<hbm>>
      tpu.wait_dma2 semaphore(%run_scoped3A : memref<!tpu.dma_semaphore, #tpu.memory_space<semaphore_mem>>) src(%dma_wait3A_77 : memref<40x128xi32, #tpu.memory_space<hbm>>) dst(%arg8 : memref<40x128xi32, #tpu.memory_space<vmem>>)
      tpu.yield
    }) : () -> ()
    "tpu.region"() ({
      %run_scoped3A = tpu.sem_alloc : memref<!tpu.dma_semaphore, #tpu.memory_space<semaphore_mem>>
      %dma_start3A_71 = arith.constant 0 : i32
      %dma_start3A_72 = tpu.memref_slice %arg4[%add3A_6, %dma_start3A_71] : memref<2560x128xi32, #tpu.memory_space<hbm>> -> memref<40x128xi32, #tpu.memory_space<hbm>>
      %dma_start3A_73 = arith.constant 0 : i32
      %dma_start3A_74 = tpu.memref_slice %arg4[%add3A_6, %dma_start3A_73] : memref<2560x128xi32, #tpu.memory_space<hbm>> -> memref<40x128xi32, #tpu.memory_space<hbm>>
      tpu.enqueue_dma source(%dma_start3A_74 : memref<40x128xi32, #tpu.memory_space<hbm>>) target(%arg9 : memref<40x128xi32, #tpu.memory_space<vmem>>) target_semaphore(%run_scoped3A : memref<!tpu.dma_semaphore, #tpu.memory_space<semaphore_mem>>)
      %dma_wait3A = arith.constant 0 : i32
      %dma_wait3A_75 = tpu.memref_slice %arg4[%add3A_6, %dma_wait3A] : memref<2560x128xi32, #tpu.memory_space<hbm>> -> memref<40x128xi32, #tpu.memory_space<hbm>>
      %dma_wait3A_76 = arith.constant 0 : i32
      %dma_wait3A_77 = tpu.memref_slice %arg4[%add3A_6, %dma_wait3A_76] : memref<2560x128xi32, #tpu.memory_space<hbm>> -> memref<40x128xi32, #tpu.memory_space<hbm>>
      tpu.wait_dma2 semaphore(%run_scoped3A : memref<!tpu.dma_semaphore, #tpu.memory_space<semaphore_mem>>) src(%dma_wait3A_77 : memref<40x128xi32, #tpu.memory_space<hbm>>) dst(%arg9 : memref<40x128xi32, #tpu.memory_space<vmem>>)
      tpu.yield
    }) : () -> ()
    %dma_start3A = arith.constant 0 : i32
    %dma_start3A_7 = arith.constant 0 : i32
    %dma_start3A_8 = arith.constant 0 : i32
    %dma_start3A_9 = arith.constant 0 : i32
    %dma_start3A_10 = tpu.memref_slice %arg10[%dma_start3A_7, %dma_start3A_8, %dma_start3A_9] : memref<2x128x128xf32, #tpu.memory_space<vmem>> -> memref<1x128x128xf32, #tpu.memory_space<vmem>>
    %dma_start3A_11 = tpu.memref_squeeze %dma_start3A_10 : memref<1x128x128xf32, #tpu.memory_space<vmem>> -> memref<128x128xf32, #tpu.memory_space<vmem>>
    %dma_start3A_12 = arith.constant 0 : i32
    %dma_start3A_13 = tpu.memref_slice %arg8[%dma_start3A, %dma_start3A_12] : memref<40x128xi32, #tpu.memory_space<vmem>> -> memref<1x128xi32, #tpu.memory_space<vmem>>
    %dma_start3A_14 = tpu.memref_squeeze %dma_start3A_13 : memref<1x128xi32, #tpu.memory_space<vmem>> -> memref<128xi32, #tpu.memory_space<vmem>>
    %dma_start3A_15 = arith.constant 0 : i32
    %dma_start3A_16 = arith.constant 0 : i32
    %dma_start3A_17 = tpu.memref_slice %arg2[%dma_start3A_15, %dma_start3A_16] : memref<10240x128xf32, #tpu.memory_space<hbm>> -> memref<10240x128xf32, #tpu.memory_space<hbm>>
    tpu.enqueue_indirect_dma source(%dma_start3A_17 : memref<10240x128xf32, #tpu.memory_space<hbm>>) target(%dma_start3A_11 : memref<128x128xf32, #tpu.memory_space<vmem>>) offsets(%dma_start3A_14 : memref<128xi32, #tpu.memory_space<vmem>>) semaphore(%arg12 : memref<!tpu.dma_semaphore, #tpu.memory_space<semaphore_mem>>)
    %dma_start3A_18 = arith.constant 1 : i32
    %dma_start3A_19 = arith.constant 1 : i32
    %dma_start3A_20 = arith.constant 0 : i32
    %dma_start3A_21 = arith.constant 0 : i32
    %dma_start3A_22 = tpu.memref_slice %arg10[%dma_start3A_19, %dma_start3A_20, %dma_start3A_21] : memref<2x128x128xf32, #tpu.memory_space<vmem>> -> memref<1x128x128xf32, #tpu.memory_space<vmem>>
    %dma_start3A_23 = tpu.memref_squeeze %dma_start3A_22 : memref<1x128x128xf32, #tpu.memory_space<vmem>> -> memref<128x128xf32, #tpu.memory_space<vmem>>
    %dma_start3A_24 = arith.constant 0 : i32
    %dma_start3A_25 = tpu.memref_slice %arg8[%dma_start3A_18, %dma_start3A_24] : memref<40x128xi32, #tpu.memory_space<vmem>> -> memref<1x128xi32, #tpu.memory_space<vmem>>
    %dma_start3A_26 = tpu.memref_squeeze %dma_start3A_25 : memref<1x128xi32, #tpu.memory_space<vmem>> -> memref<128xi32, #tpu.memory_space<vmem>>
    %dma_start3A_27 = arith.constant 0 : i32
    %dma_start3A_28 = arith.constant 0 : i32
    %dma_start3A_29 = tpu.memref_slice %arg2[%dma_start3A_27, %dma_start3A_28] : memref<10240x128xf32, #tpu.memory_space<hbm>> -> memref<10240x128xf32, #tpu.memory_space<hbm>>
    tpu.enqueue_indirect_dma source(%dma_start3A_29 : memref<10240x128xf32, #tpu.memory_space<hbm>>) target(%dma_start3A_23 : memref<128x128xf32, #tpu.memory_space<vmem>>) offsets(%dma_start3A_26 : memref<128xi32, #tpu.memory_space<vmem>>) semaphore(%arg13 : memref<!tpu.dma_semaphore, #tpu.memory_space<semaphore_mem>>)
    %scan3A = arith.constant 0 : i32
    %scan3A_30 = arith.constant 20 : i32
    %scan3A_31 = arith.addi %scan3A, %scan3A_30 : i32
    %scan3A_32 = arith.constant 1 : i32
    scf.for %scan3A_71 = %scan3A to %scan3A_31 step %scan3A_32  : i32 {
      %mul3A_72 = arith.constant 2 : i32
      %mul3A_73 = arith.muli %scan3A_71, %mul3A_72 : i32
      %add3A_74 = arith.constant 0 : i32
      %add3A_75 = arith.addi %add3A_74, %mul3A_73 : i32
      %add3A_76 = arith.constant 0 : i32
      %add3A_77 = arith.addi %add3A_75, %add3A_76 : i32
      %dma_wait3A = arith.constant 0 : i32
      %dma_wait3A_78 = arith.constant 0 : i32
      %dma_wait3A_79 = arith.constant 0 : i32
      %dma_wait3A_80 = tpu.memref_slice %arg10[%dma_wait3A, %dma_wait3A_78, %dma_wait3A_79] : memref<2x128x128xf32, #tpu.memory_space<vmem>> -> memref<1x128x128xf32, #tpu.memory_space<vmem>>
      %dma_wait3A_81 = tpu.memref_squeeze %dma_wait3A_80 : memref<1x128x128xf32, #tpu.memory_space<vmem>> -> memref<128x128xf32, #tpu.memory_space<vmem>>
      %dma_wait3A_82 = arith.constant 0 : i32
      %dma_wait3A_83 = tpu.memref_slice %arg8[%add3A_77, %dma_wait3A_82] : memref<40x128xi32, #tpu.memory_space<vmem>> -> memref<1x128xi32, #tpu.memory_space<vmem>>
      %dma_wait3A_84 = tpu.memref_squeeze %dma_wait3A_83 : memref<1x128xi32, #tpu.memory_space<vmem>> -> memref<128xi32, #tpu.memory_space<vmem>>
      %dma_wait3A_85 = arith.constant 0 : i32
      %dma_wait3A_86 = arith.constant 0 : i32
      %dma_wait3A_87 = tpu.memref_slice %arg2[%dma_wait3A_85, %dma_wait3A_86] : memref<10240x128xf32, #tpu.memory_space<hbm>> -> memref<10240x128xf32, #tpu.memory_space<hbm>>
      tpu.wait_indirect_dma semaphore(%arg12 : memref<!tpu.dma_semaphore, #tpu.memory_space<semaphore_mem>>) src(%dma_wait3A_87 : memref<10240x128xf32, #tpu.memory_space<hbm>>) dst(%dma_wait3A_81 : memref<128x128xf32, #tpu.memory_space<vmem>>)
      %add3A_88 = arith.constant 0 : i32
      %add3A_89 = arith.addi %add3A_75, %add3A_88 : i32
      %dma_start3A_90 = arith.constant 0 : i32
      %dma_start3A_91 = arith.constant 0 : i32
      %dma_start3A_92 = arith.constant 0 : i32
      %dma_start3A_93 = tpu.memref_slice %arg10[%dma_start3A_90, %dma_start3A_91, %dma_start3A_92] : memref<2x128x128xf32, #tpu.memory_space<vmem>> -> memref<1x128x128xf32, #tpu.memory_space<vmem>>
      %dma_start3A_94 = tpu.memref_squeeze %dma_start3A_93 : memref<1x128x128xf32, #tpu.memory_space<vmem>> -> memref<128x128xf32, #tpu.memory_space<vmem>>
      %dma_start3A_95 = arith.constant 0 : i32
      %dma_start3A_96 = tpu.memref_slice %arg9[%add3A_89, %dma_start3A_95] : memref<40x128xi32, #tpu.memory_space<vmem>> -> memref<1x128xi32, #tpu.memory_space<vmem>>
      %dma_start3A_97 = tpu.memref_squeeze %dma_start3A_96 : memref<1x128xi32, #tpu.memory_space<vmem>> -> memref<128xi32, #tpu.memory_space<vmem>>
      %dma_start3A_98 = arith.constant 0 : i32
      %dma_start3A_99 = arith.constant 0 : i32
      %dma_start3A_100 = tpu.memref_slice %arg11[%dma_start3A_98, %dma_start3A_99] : memref<10240x128xf32, #tpu.memory_space<vmem_shared>> -> memref<10240x128xf32, #tpu.memory_space<vmem_shared>>
      tpu.enqueue_indirect_dma source(%dma_start3A_94 : memref<128x128xf32, #tpu.memory_space<vmem>>) target(%dma_start3A_100 : memref<10240x128xf32, #tpu.memory_space<vmem_shared>>) offsets(%dma_start3A_97 : memref<128xi32, #tpu.memory_space<vmem>>) semaphore(%arg14 : memref<!tpu.dma_semaphore, #tpu.memory_space<semaphore_mem>>) {add = true}
      %add3A_101 = arith.constant 1 : i32
      %add3A_102 = arith.addi %add3A_75, %add3A_101 : i32
      %dma_wait3A_103 = arith.constant 1 : i32
      %dma_wait3A_104 = arith.constant 0 : i32
      %dma_wait3A_105 = arith.constant 0 : i32
      %dma_wait3A_106 = tpu.memref_slice %arg10[%dma_wait3A_103, %dma_wait3A_104, %dma_wait3A_105] : memref<2x128x128xf32, #tpu.memory_space<vmem>> -> memref<1x128x128xf32, #tpu.memory_space<vmem>>
      %dma_wait3A_107 = tpu.memref_squeeze %dma_wait3A_106 : memref<1x128x128xf32, #tpu.memory_space<vmem>> -> memref<128x128xf32, #tpu.memory_space<vmem>>
      %dma_wait3A_108 = arith.constant 0 : i32
      %dma_wait3A_109 = tpu.memref_slice %arg8[%add3A_102, %dma_wait3A_108] : memref<40x128xi32, #tpu.memory_space<vmem>> -> memref<1x128xi32, #tpu.memory_space<vmem>>
      %dma_wait3A_110 = tpu.memref_squeeze %dma_wait3A_109 : memref<1x128xi32, #tpu.memory_space<vmem>> -> memref<128xi32, #tpu.memory_space<vmem>>
      %dma_wait3A_111 = arith.constant 0 : i32
      %dma_wait3A_112 = arith.constant 0 : i32
      %dma_wait3A_113 = tpu.memref_slice %arg2[%dma_wait3A_111, %dma_wait3A_112] : memref<10240x128xf32, #tpu.memory_space<hbm>> -> memref<10240x128xf32, #tpu.memory_space<hbm>>
      tpu.wait_indirect_dma semaphore(%arg13 : memref<!tpu.dma_semaphore, #tpu.memory_space<semaphore_mem>>) src(%dma_wait3A_113 : memref<10240x128xf32, #tpu.memory_space<hbm>>) dst(%dma_wait3A_107 : memref<128x128xf32, #tpu.memory_space<vmem>>)
      %add3A_114 = arith.constant 1 : i32
      %add3A_115 = arith.addi %add3A_75, %add3A_114 : i32
      %dma_start3A_116 = arith.constant 1 : i32
      %dma_start3A_117 = arith.constant 0 : i32
      %dma_start3A_118 = arith.constant 0 : i32
      %dma_start3A_119 = tpu.memref_slice %arg10[%dma_start3A_116, %dma_start3A_117, %dma_start3A_118] : memref<2x128x128xf32, #tpu.memory_space<vmem>> -> memref<1x128x128xf32, #tpu.memory_space<vmem>>
      %dma_start3A_120 = tpu.memref_squeeze %dma_start3A_119 : memref<1x128x128xf32, #tpu.memory_space<vmem>> -> memref<128x128xf32, #tpu.memory_space<vmem>>
      %dma_start3A_121 = arith.constant 0 : i32
      %dma_start3A_122 = tpu.memref_slice %arg9[%add3A_115, %dma_start3A_121] : memref<40x128xi32, #tpu.memory_space<vmem>> -> memref<1x128xi32, #tpu.memory_space<vmem>>
      %dma_start3A_123 = tpu.memref_squeeze %dma_start3A_122 : memref<1x128xi32, #tpu.memory_space<vmem>> -> memref<128xi32, #tpu.memory_space<vmem>>
      %dma_start3A_124 = arith.constant 0 : i32
      %dma_start3A_125 = arith.constant 0 : i32
      %dma_start3A_126 = tpu.memref_slice %arg11[%dma_start3A_124, %dma_start3A_125] : memref<10240x128xf32, #tpu.memory_space<vmem_shared>> -> memref<10240x128xf32, #tpu.memory_space<vmem_shared>>
      tpu.enqueue_indirect_dma source(%dma_start3A_120 : memref<128x128xf32, #tpu.memory_space<vmem>>) target(%dma_start3A_126 : memref<10240x128xf32, #tpu.memory_space<vmem_shared>>) offsets(%dma_start3A_123 : memref<128xi32, #tpu.memory_space<vmem>>) semaphore(%arg15 : memref<!tpu.dma_semaphore, #tpu.memory_space<semaphore_mem>>) {add = true}
      %add3A_127 = arith.constant 0 : i32
      %add3A_128 = arith.addi %add3A_75, %add3A_127 : i32
      %dma_wait3A_129 = arith.constant 0 : i32
      %dma_wait3A_130 = arith.constant 0 : i32
      %dma_wait3A_131 = arith.constant 0 : i32
      %dma_wait3A_132 = tpu.memref_slice %arg10[%dma_wait3A_129, %dma_wait3A_130, %dma_wait3A_131] : memref<2x128x128xf32, #tpu.memory_space<vmem>> -> memref<1x128x128xf32, #tpu.memory_space<vmem>>
      %dma_wait3A_133 = tpu.memref_squeeze %dma_wait3A_132 : memref<1x128x128xf32, #tpu.memory_space<vmem>> -> memref<128x128xf32, #tpu.memory_space<vmem>>
      %dma_wait3A_134 = arith.constant 0 : i32
      %dma_wait3A_135 = tpu.memref_slice %arg9[%add3A_128, %dma_wait3A_134] : memref<40x128xi32, #tpu.memory_space<vmem>> -> memref<1x128xi32, #tpu.memory_space<vmem>>
      %dma_wait3A_136 = tpu.memref_squeeze %dma_wait3A_135 : memref<1x128xi32, #tpu.memory_space<vmem>> -> memref<128xi32, #tpu.memory_space<vmem>>
      %dma_wait3A_137 = arith.constant 0 : i32
      %dma_wait3A_138 = arith.constant 0 : i32
      %dma_wait3A_139 = tpu.memref_slice %arg11[%dma_wait3A_137, %dma_wait3A_138] : memref<10240x128xf32, #tpu.memory_space<vmem_shared>> -> memref<10240x128xf32, #tpu.memory_space<vmem_shared>>
      tpu.wait_indirect_dma semaphore(%arg14 : memref<!tpu.dma_semaphore, #tpu.memory_space<semaphore_mem>>) src(%dma_wait3A_133 : memref<128x128xf32, #tpu.memory_space<vmem>>) dst(%dma_wait3A_139 : memref<10240x128xf32, #tpu.memory_space<vmem_shared>>)
      %add3A_140 = arith.constant 0 : i32
      %add3A_141 = arith.addi %add3A_75, %add3A_140 : i32
      %add3A_142 = arith.constant 2 : i32
      %add3A_143 = arith.addi %add3A_141, %add3A_142 : i32
      %lt3A = arith.constant 40 : i32
      %lt3A_144 = arith.cmpi slt, %add3A_143, %lt3A : i32
      %convert_element_type3A = arith.extui %lt3A_144 : i1 to i32
      %cond3A = arith.constant 0 : i32
      %cond3A_145 = arith.cmpi ne, %convert_element_type3A, %cond3A : i32
      scf.if %cond3A_145 {
        %dma_start3A_168 = arith.constant 0 : i32
        %dma_start3A_169 = arith.constant 0 : i32
        %dma_start3A_170 = arith.constant 0 : i32
        %dma_start3A_171 = tpu.memref_slice %arg10[%dma_start3A_168, %dma_start3A_169, %dma_start3A_170] : memref<2x128x128xf32, #tpu.memory_space<vmem>> -> memref<1x128x128xf32, #tpu.memory_space<vmem>>
        %dma_start3A_172 = tpu.memref_squeeze %dma_start3A_171 : memref<1x128x128xf32, #tpu.memory_space<vmem>> -> memref<128x128xf32, #tpu.memory_space<vmem>>
        %dma_start3A_173 = arith.constant 0 : i32
        %dma_start3A_174 = tpu.memref_slice %arg8[%add3A_143, %dma_start3A_173] : memref<40x128xi32, #tpu.memory_space<vmem>> -> memref<1x128xi32, #tpu.memory_space<vmem>>
        %dma_start3A_175 = tpu.memref_squeeze %dma_start3A_174 : memref<1x128xi32, #tpu.memory_space<vmem>> -> memref<128xi32, #tpu.memory_space<vmem>>
        %dma_start3A_176 = arith.constant 0 : i32
        %dma_start3A_177 = arith.constant 0 : i32
        %dma_start3A_178 = tpu.memref_slice %arg2[%dma_start3A_176, %dma_start3A_177] : memref<10240x128xf32, #tpu.memory_space<hbm>> -> memref<10240x128xf32, #tpu.memory_space<hbm>>
        tpu.enqueue_indirect_dma source(%dma_start3A_178 : memref<10240x128xf32, #tpu.memory_space<hbm>>) target(%dma_start3A_172 : memref<128x128xf32, #tpu.memory_space<vmem>>) offsets(%dma_start3A_175 : memref<128xi32, #tpu.memory_space<vmem>>) semaphore(%arg12 : memref<!tpu.dma_semaphore, #tpu.memory_space<semaphore_mem>>)
      } else {
      }
      %add3A_146 = arith.constant 1 : i32
      %add3A_147 = arith.addi %add3A_75, %add3A_146 : i32
      %dma_wait3A_148 = arith.constant 1 : i32
      %dma_wait3A_149 = arith.constant 0 : i32
      %dma_wait3A_150 = arith.constant 0 : i32
      %dma_wait3A_151 = tpu.memref_slice %arg10[%dma_wait3A_148, %dma_wait3A_149, %dma_wait3A_150] : memref<2x128x128xf32, #tpu.memory_space<vmem>> -> memref<1x128x128xf32, #tpu.memory_space<vmem>>
      %dma_wait3A_152 = tpu.memref_squeeze %dma_wait3A_151 : memref<1x128x128xf32, #tpu.memory_space<vmem>> -> memref<128x128xf32, #tpu.memory_space<vmem>>
      %dma_wait3A_153 = arith.constant 0 : i32
      %dma_wait3A_154 = tpu.memref_slice %arg9[%add3A_147, %dma_wait3A_153] : memref<40x128xi32, #tpu.memory_space<vmem>> -> memref<1x128xi32, #tpu.memory_space<vmem>>
      %dma_wait3A_155 = tpu.memref_squeeze %dma_wait3A_154 : memref<1x128xi32, #tpu.memory_space<vmem>> -> memref<128xi32, #tpu.memory_space<vmem>>
      %dma_wait3A_156 = arith.constant 0 : i32
      %dma_wait3A_157 = arith.constant 0 : i32
      %dma_wait3A_158 = tpu.memref_slice %arg11[%dma_wait3A_156, %dma_wait3A_157] : memref<10240x128xf32, #tpu.memory_space<vmem_shared>> -> memref<10240x128xf32, #tpu.memory_space<vmem_shared>>
      tpu.wait_indirect_dma semaphore(%arg15 : memref<!tpu.dma_semaphore, #tpu.memory_space<semaphore_mem>>) src(%dma_wait3A_152 : memref<128x128xf32, #tpu.memory_space<vmem>>) dst(%dma_wait3A_158 : memref<10240x128xf32, #tpu.memory_space<vmem_shared>>)
      %add3A_159 = arith.constant 1 : i32
      %add3A_160 = arith.addi %add3A_75, %add3A_159 : i32
      %add3A_161 = arith.constant 2 : i32
      %add3A_162 = arith.addi %add3A_160, %add3A_161 : i32
      %lt3A_163 = arith.constant 40 : i32
      %lt3A_164 = arith.cmpi slt, %add3A_162, %lt3A_163 : i32
      %convert_element_type3A_165 = arith.extui %lt3A_164 : i1 to i32
      %cond3A_166 = arith.constant 0 : i32
      %cond3A_167 = arith.cmpi ne, %convert_element_type3A_165, %cond3A_166 : i32
      scf.if %cond3A_167 {
        %dma_start3A_168 = arith.constant 1 : i32
        %dma_start3A_169 = arith.constant 0 : i32
        %dma_start3A_170 = arith.constant 0 : i32
        %dma_start3A_171 = tpu.memref_slice %arg10[%dma_start3A_168, %dma_start3A_169, %dma_start3A_170] : memref<2x128x128xf32, #tpu.memory_space<vmem>> -> memref<1x128x128xf32, #tpu.memory_space<vmem>>
        %dma_start3A_172 = tpu.memref_squeeze %dma_start3A_171 : memref<1x128x128xf32, #tpu.memory_space<vmem>> -> memref<128x128xf32, #tpu.memory_space<vmem>>
        %dma_start3A_173 = arith.constant 0 : i32
        %dma_start3A_174 = tpu.memref_slice %arg8[%add3A_162, %dma_start3A_173] : memref<40x128xi32, #tpu.memory_space<vmem>> -> memref<1x128xi32, #tpu.memory_space<vmem>>
        %dma_start3A_175 = tpu.memref_squeeze %dma_start3A_174 : memref<1x128xi32, #tpu.memory_space<vmem>> -> memref<128xi32, #tpu.memory_space<vmem>>
        %dma_start3A_176 = arith.constant 0 : i32
        %dma_start3A_177 = arith.constant 0 : i32
        %dma_start3A_178 = tpu.memref_slice %arg2[%dma_start3A_176, %dma_start3A_177] : memref<10240x128xf32, #tpu.memory_space<hbm>> -> memref<10240x128xf32, #tpu.memory_space<hbm>>
        tpu.enqueue_indirect_dma source(%dma_start3A_178 : memref<10240x128xf32, #tpu.memory_space<hbm>>) target(%dma_start3A_172 : memref<128x128xf32, #tpu.memory_space<vmem>>) offsets(%dma_start3A_175 : memref<128xi32, #tpu.memory_space<vmem>>) semaphore(%arg13 : memref<!tpu.dma_semaphore, #tpu.memory_space<semaphore_mem>>)
      } else {
      }
    }
    %scan3A_33 = arith.constant 20 : i32
    %mul3A_34 = arith.constant 80 : i32
    %mul3A_35 = arith.muli %add3A, %mul3A_34 : i32
    %add3A_36 = arith.constant 40 : i32
    %add3A_37 = arith.addi %mul3A_35, %add3A_36 : i32
    "tpu.region"() ({
      %run_scoped3A = tpu.sem_alloc : memref<!tpu.dma_semaphore, #tpu.memory_space<semaphore_mem>>
      %dma_start3A_71 = arith.constant 0 : i32
      %dma_start3A_72 = tpu.memref_slice %arg3[%add3A_37, %dma_start3A_71] : memref<2560x128xi32, #tpu.memory_space<hbm>> -> memref<40x128xi32, #tpu.memory_space<hbm>>
      %dma_start3A_73 = arith.constant 0 : i32
      %dma_start3A_74 = tpu.memref_slice %arg3[%add3A_37, %dma_start3A_73] : memref<2560x128xi32, #tpu.memory_space<hbm>> -> memref<40x128xi32, #tpu.memory_space<hbm>>
      tpu.enqueue_dma source(%dma_start3A_74 : memref<40x128xi32, #tpu.memory_space<hbm>>) target(%arg8 : memref<40x128xi32, #tpu.memory_space<vmem>>) target_semaphore(%run_scoped3A : memref<!tpu.dma_semaphore, #tpu.memory_space<semaphore_mem>>)
      %dma_wait3A = arith.constant 0 : i32
      %dma_wait3A_75 = tpu.memref_slice %arg3[%add3A_37, %dma_wait3A] : memref<2560x128xi32, #tpu.memory_space<hbm>> -> memref<40x128xi32, #tpu.memory_space<hbm>>
      %dma_wait3A_76 = arith.constant 0 : i32
      %dma_wait3A_77 = tpu.memref_slice %arg3[%add3A_37, %dma_wait3A_76] : memref<2560x128xi32, #tpu.memory_space<hbm>> -> memref<40x128xi32, #tpu.memory_space<hbm>>
      tpu.wait_dma2 semaphore(%run_scoped3A : memref<!tpu.dma_semaphore, #tpu.memory_space<semaphore_mem>>) src(%dma_wait3A_77 : memref<40x128xi32, #tpu.memory_space<hbm>>) dst(%arg8 : memref<40x128xi32, #tpu.memory_space<vmem>>)
      tpu.yield
    }) : () -> ()
    "tpu.region"() ({
      %run_scoped3A = tpu.sem_alloc : memref<!tpu.dma_semaphore, #tpu.memory_space<semaphore_mem>>
      %dma_start3A_71 = arith.constant 0 : i32
      %dma_start3A_72 = tpu.memref_slice %arg4[%add3A_37, %dma_start3A_71] : memref<2560x128xi32, #tpu.memory_space<hbm>> -> memref<40x128xi32, #tpu.memory_space<hbm>>
      %dma_start3A_73 = arith.constant 0 : i32
      %dma_start3A_74 = tpu.memref_slice %arg4[%add3A_37, %dma_start3A_73] : memref<2560x128xi32, #tpu.memory_space<hbm>> -> memref<40x128xi32, #tpu.memory_space<hbm>>
      tpu.enqueue_dma source(%dma_start3A_74 : memref<40x128xi32, #tpu.memory_space<hbm>>) target(%arg9 : memref<40x128xi32, #tpu.memory_space<vmem>>) target_semaphore(%run_scoped3A : memref<!tpu.dma_semaphore, #tpu.memory_space<semaphore_mem>>)
      %dma_wait3A = arith.constant 0 : i32
      %dma_wait3A_75 = tpu.memref_slice %arg4[%add3A_37, %dma_wait3A] : memref<2560x128xi32, #tpu.memory_space<hbm>> -> memref<40x128xi32, #tpu.memory_space<hbm>>
      %dma_wait3A_76 = arith.constant 0 : i32
      %dma_wait3A_77 = tpu.memref_slice %arg4[%add3A_37, %dma_wait3A_76] : memref<2560x128xi32, #tpu.memory_space<hbm>> -> memref<40x128xi32, #tpu.memory_space<hbm>>
      tpu.wait_dma2 semaphore(%run_scoped3A : memref<!tpu.dma_semaphore, #tpu.memory_space<semaphore_mem>>) src(%dma_wait3A_77 : memref<40x128xi32, #tpu.memory_space<hbm>>) dst(%arg9 : memref<40x128xi32, #tpu.memory_space<vmem>>)
      tpu.yield
    }) : () -> ()
    %dma_start3A_38 = arith.constant 0 : i32
    %dma_start3A_39 = arith.constant 0 : i32
    %dma_start3A_40 = arith.constant 0 : i32
    %dma_start3A_41 = arith.constant 0 : i32
    %dma_start3A_42 = tpu.memref_slice %arg10[%dma_start3A_39, %dma_start3A_40, %dma_start3A_41] : memref<2x128x128xf32, #tpu.memory_space<vmem>> -> memref<1x128x128xf32, #tpu.memory_space<vmem>>
    %dma_start3A_43 = tpu.memref_squeeze %dma_start3A_42 : memref<1x128x128xf32, #tpu.memory_space<vmem>> -> memref<128x128xf32, #tpu.memory_space<vmem>>
    %dma_start3A_44 = arith.constant 0 : i32
    %dma_start3A_45 = tpu.memref_slice %arg8[%dma_start3A_38, %dma_start3A_44] : memref<40x128xi32, #tpu.memory_space<vmem>> -> memref<1x128xi32, #tpu.memory_space<vmem>>
    %dma_start3A_46 = tpu.memref_squeeze %dma_start3A_45 : memref<1x128xi32, #tpu.memory_space<vmem>> -> memref<128xi32, #tpu.memory_space<vmem>>
    %dma_start3A_47 = arith.constant 0 : i32
    %dma_start3A_48 = arith.constant 0 : i32
    %dma_start3A_49 = tpu.memref_slice %arg2[%dma_start3A_47, %dma_start3A_48] : memref<10240x128xf32, #tpu.memory_space<hbm>> -> memref<10240x128xf32, #tpu.memory_space<hbm>>
    tpu.enqueue_indirect_dma source(%dma_start3A_49 : memref<10240x128xf32, #tpu.memory_space<hbm>>) target(%dma_start3A_43 : memref<128x128xf32, #tpu.memory_space<vmem>>) offsets(%dma_start3A_46 : memref<128xi32, #tpu.memory_space<vmem>>) semaphore(%arg12 : memref<!tpu.dma_semaphore, #tpu.memory_space<semaphore_mem>>)
    %dma_start3A_50 = arith.constant 1 : i32
    %dma_start3A_51 = arith.constant 1 : i32
    %dma_start3A_52 = arith.constant 0 : i32
    %dma_start3A_53 = arith.constant 0 : i32
    %dma_start3A_54 = tpu.memref_slice %arg10[%dma_start3A_51, %dma_start3A_52, %dma_start3A_53] : memref<2x128x128xf32, #tpu.memory_space<vmem>> -> memref<1x128x128xf32, #tpu.memory_space<vmem>>
    %dma_start3A_55 = tpu.memref_squeeze %dma_start3A_54 : memref<1x128x128xf32, #tpu.memory_space<vmem>> -> memref<128x128xf32, #tpu.memory_space<vmem>>
    %dma_start3A_56 = arith.constant 0 : i32
    %dma_start3A_57 = tpu.memref_slice %arg8[%dma_start3A_50, %dma_start3A_56] : memref<40x128xi32, #tpu.memory_space<vmem>> -> memref<1x128xi32, #tpu.memory_space<vmem>>
    %dma_start3A_58 = tpu.memref_squeeze %dma_start3A_57 : memref<1x128xi32, #tpu.memory_space<vmem>> -> memref<128xi32, #tpu.memory_space<vmem>>
    %dma_start3A_59 = arith.constant 0 : i32
    %dma_start3A_60 = arith.constant 0 : i32
    %dma_start3A_61 = tpu.memref_slice %arg2[%dma_start3A_59, %dma_start3A_60] : memref<10240x128xf32, #tpu.memory_space<hbm>> -> memref<10240x128xf32, #tpu.memory_space<hbm>>
    tpu.enqueue_indirect_dma source(%dma_start3A_61 : memref<10240x128xf32, #tpu.memory_space<hbm>>) target(%dma_start3A_55 : memref<128x128xf32, #tpu.memory_space<vmem>>) offsets(%dma_start3A_58 : memref<128xi32, #tpu.memory_space<vmem>>) semaphore(%arg13 : memref<!tpu.dma_semaphore, #tpu.memory_space<semaphore_mem>>)
    %scan3A_62 = arith.constant 0 : i32
    %scan3A_63 = arith.constant 20 : i32
    %scan3A_64 = arith.addi %scan3A_62, %scan3A_63 : i32
    %scan3A_65 = arith.constant 1 : i32
    scf.for %scan3A_71 = %scan3A_62 to %scan3A_64 step %scan3A_65  : i32 {
      %mul3A_72 = arith.constant 2 : i32
      %mul3A_73 = arith.muli %scan3A_71, %mul3A_72 : i32
      %add3A_74 = arith.constant 0 : i32
      %add3A_75 = arith.addi %add3A_74, %mul3A_73 : i32
      %add3A_76 = arith.constant 0 : i32
      %add3A_77 = arith.addi %add3A_75, %add3A_76 : i32
      %dma_wait3A = arith.constant 0 : i32
      %dma_wait3A_78 = arith.constant 0 : i32
      %dma_wait3A_79 = arith.constant 0 : i32
      %dma_wait3A_80 = tpu.memref_slice %arg10[%dma_wait3A, %dma_wait3A_78, %dma_wait3A_79] : memref<2x128x128xf32, #tpu.memory_space<vmem>> -> memref<1x128x128xf32, #tpu.memory_space<vmem>>
      %dma_wait3A_81 = tpu.memref_squeeze %dma_wait3A_80 : memref<1x128x128xf32, #tpu.memory_space<vmem>> -> memref<128x128xf32, #tpu.memory_space<vmem>>
      %dma_wait3A_82 = arith.constant 0 : i32
      %dma_wait3A_83 = tpu.memref_slice %arg8[%add3A_77, %dma_wait3A_82] : memref<40x128xi32, #tpu.memory_space<vmem>> -> memref<1x128xi32, #tpu.memory_space<vmem>>
      %dma_wait3A_84 = tpu.memref_squeeze %dma_wait3A_83 : memref<1x128xi32, #tpu.memory_space<vmem>> -> memref<128xi32, #tpu.memory_space<vmem>>
      %dma_wait3A_85 = arith.constant 0 : i32
      %dma_wait3A_86 = arith.constant 0 : i32
      %dma_wait3A_87 = tpu.memref_slice %arg2[%dma_wait3A_85, %dma_wait3A_86] : memref<10240x128xf32, #tpu.memory_space<hbm>> -> memref<10240x128xf32, #tpu.memory_space<hbm>>
      tpu.wait_indirect_dma semaphore(%arg12 : memref<!tpu.dma_semaphore, #tpu.memory_space<semaphore_mem>>) src(%dma_wait3A_87 : memref<10240x128xf32, #tpu.memory_space<hbm>>) dst(%dma_wait3A_81 : memref<128x128xf32, #tpu.memory_space<vmem>>)
      %add3A_88 = arith.constant 0 : i32
      %add3A_89 = arith.addi %add3A_75, %add3A_88 : i32
      %dma_start3A_90 = arith.constant 0 : i32
      %dma_start3A_91 = arith.constant 0 : i32
      %dma_start3A_92 = arith.constant 0 : i32
      %dma_start3A_93 = tpu.memref_slice %arg10[%dma_start3A_90, %dma_start3A_91, %dma_start3A_92] : memref<2x128x128xf32, #tpu.memory_space<vmem>> -> memref<1x128x128xf32, #tpu.memory_space<vmem>>
      %dma_start3A_94 = tpu.memref_squeeze %dma_start3A_93 : memref<1x128x128xf32, #tpu.memory_space<vmem>> -> memref<128x128xf32, #tpu.memory_space<vmem>>
      %dma_start3A_95 = arith.constant 0 : i32
      %dma_start3A_96 = tpu.memref_slice %arg9[%add3A_89, %dma_start3A_95] : memref<40x128xi32, #tpu.memory_space<vmem>> -> memref<1x128xi32, #tpu.memory_space<vmem>>
      %dma_start3A_97 = tpu.memref_squeeze %dma_start3A_96 : memref<1x128xi32, #tpu.memory_space<vmem>> -> memref<128xi32, #tpu.memory_space<vmem>>
      %dma_start3A_98 = arith.constant 0 : i32
      %dma_start3A_99 = arith.constant 0 : i32
      %dma_start3A_100 = tpu.memref_slice %arg11[%dma_start3A_98, %dma_start3A_99] : memref<10240x128xf32, #tpu.memory_space<vmem_shared>> -> memref<10240x128xf32, #tpu.memory_space<vmem_shared>>
      tpu.enqueue_indirect_dma source(%dma_start3A_94 : memref<128x128xf32, #tpu.memory_space<vmem>>) target(%dma_start3A_100 : memref<10240x128xf32, #tpu.memory_space<vmem_shared>>) offsets(%dma_start3A_97 : memref<128xi32, #tpu.memory_space<vmem>>) semaphore(%arg14 : memref<!tpu.dma_semaphore, #tpu.memory_space<semaphore_mem>>) {add = true}
      %add3A_101 = arith.constant 1 : i32
      %add3A_102 = arith.addi %add3A_75, %add3A_101 : i32
      %dma_wait3A_103 = arith.constant 1 : i32
      %dma_wait3A_104 = arith.constant 0 : i32
      %dma_wait3A_105 = arith.constant 0 : i32
      %dma_wait3A_106 = tpu.memref_slice %arg10[%dma_wait3A_103, %dma_wait3A_104, %dma_wait3A_105] : memref<2x128x128xf32, #tpu.memory_space<vmem>> -> memref<1x128x128xf32, #tpu.memory_space<vmem>>
      %dma_wait3A_107 = tpu.memref_squeeze %dma_wait3A_106 : memref<1x128x128xf32, #tpu.memory_space<vmem>> -> memref<128x128xf32, #tpu.memory_space<vmem>>
      %dma_wait3A_108 = arith.constant 0 : i32
      %dma_wait3A_109 = tpu.memref_slice %arg8[%add3A_102, %dma_wait3A_108] : memref<40x128xi32, #tpu.memory_space<vmem>> -> memref<1x128xi32, #tpu.memory_space<vmem>>
      %dma_wait3A_110 = tpu.memref_squeeze %dma_wait3A_109 : memref<1x128xi32, #tpu.memory_space<vmem>> -> memref<128xi32, #tpu.memory_space<vmem>>
      %dma_wait3A_111 = arith.constant 0 : i32
      %dma_wait3A_112 = arith.constant 0 : i32
      %dma_wait3A_113 = tpu.memref_slice %arg2[%dma_wait3A_111, %dma_wait3A_112] : memref<10240x128xf32, #tpu.memory_space<hbm>> -> memref<10240x128xf32, #tpu.memory_space<hbm>>
      tpu.wait_indirect_dma semaphore(%arg13 : memref<!tpu.dma_semaphore, #tpu.memory_space<semaphore_mem>>) src(%dma_wait3A_113 : memref<10240x128xf32, #tpu.memory_space<hbm>>) dst(%dma_wait3A_107 : memref<128x128xf32, #tpu.memory_space<vmem>>)
      %add3A_114 = arith.constant 1 : i32
      %add3A_115 = arith.addi %add3A_75, %add3A_114 : i32
      %dma_start3A_116 = arith.constant 1 : i32
      %dma_start3A_117 = arith.constant 0 : i32
      %dma_start3A_118 = arith.constant 0 : i32
      %dma_start3A_119 = tpu.memref_slice %arg10[%dma_start3A_116, %dma_start3A_117, %dma_start3A_118] : memref<2x128x128xf32, #tpu.memory_space<vmem>> -> memref<1x128x128xf32, #tpu.memory_space<vmem>>
      %dma_start3A_120 = tpu.memref_squeeze %dma_start3A_119 : memref<1x128x128xf32, #tpu.memory_space<vmem>> -> memref<128x128xf32, #tpu.memory_space<vmem>>
      %dma_start3A_121 = arith.constant 0 : i32
      %dma_start3A_122 = tpu.memref_slice %arg9[%add3A_115, %dma_start3A_121] : memref<40x128xi32, #tpu.memory_space<vmem>> -> memref<1x128xi32, #tpu.memory_space<vmem>>
      %dma_start3A_123 = tpu.memref_squeeze %dma_start3A_122 : memref<1x128xi32, #tpu.memory_space<vmem>> -> memref<128xi32, #tpu.memory_space<vmem>>
      %dma_start3A_124 = arith.constant 0 : i32
      %dma_start3A_125 = arith.constant 0 : i32
      %dma_start3A_126 = tpu.memref_slice %arg11[%dma_start3A_124, %dma_start3A_125] : memref<10240x128xf32, #tpu.memory_space<vmem_shared>> -> memref<10240x128xf32, #tpu.memory_space<vmem_shared>>
      tpu.enqueue_indirect_dma source(%dma_start3A_120 : memref<128x128xf32, #tpu.memory_space<vmem>>) target(%dma_start3A_126 : memref<10240x128xf32, #tpu.memory_space<vmem_shared>>) offsets(%dma_start3A_123 : memref<128xi32, #tpu.memory_space<vmem>>) semaphore(%arg15 : memref<!tpu.dma_semaphore, #tpu.memory_space<semaphore_mem>>) {add = true}
      %add3A_127 = arith.constant 0 : i32
      %add3A_128 = arith.addi %add3A_75, %add3A_127 : i32
      %dma_wait3A_129 = arith.constant 0 : i32
      %dma_wait3A_130 = arith.constant 0 : i32
      %dma_wait3A_131 = arith.constant 0 : i32
      %dma_wait3A_132 = tpu.memref_slice %arg10[%dma_wait3A_129, %dma_wait3A_130, %dma_wait3A_131] : memref<2x128x128xf32, #tpu.memory_space<vmem>> -> memref<1x128x128xf32, #tpu.memory_space<vmem>>
      %dma_wait3A_133 = tpu.memref_squeeze %dma_wait3A_132 : memref<1x128x128xf32, #tpu.memory_space<vmem>> -> memref<128x128xf32, #tpu.memory_space<vmem>>
      %dma_wait3A_134 = arith.constant 0 : i32
      %dma_wait3A_135 = tpu.memref_slice %arg9[%add3A_128, %dma_wait3A_134] : memref<40x128xi32, #tpu.memory_space<vmem>> -> memref<1x128xi32, #tpu.memory_space<vmem>>
      %dma_wait3A_136 = tpu.memref_squeeze %dma_wait3A_135 : memref<1x128xi32, #tpu.memory_space<vmem>> -> memref<128xi32, #tpu.memory_space<vmem>>
      %dma_wait3A_137 = arith.constant 0 : i32
      %dma_wait3A_138 = arith.constant 0 : i32
      %dma_wait3A_139 = tpu.memref_slice %arg11[%dma_wait3A_137, %dma_wait3A_138] : memref<10240x128xf32, #tpu.memory_space<vmem_shared>> -> memref<10240x128xf32, #tpu.memory_space<vmem_shared>>
      tpu.wait_indirect_dma semaphore(%arg14 : memref<!tpu.dma_semaphore, #tpu.memory_space<semaphore_mem>>) src(%dma_wait3A_133 : memref<128x128xf32, #tpu.memory_space<vmem>>) dst(%dma_wait3A_139 : memref<10240x128xf32, #tpu.memory_space<vmem_shared>>)
      %add3A_140 = arith.constant 0 : i32
      %add3A_141 = arith.addi %add3A_75, %add3A_140 : i32
      %add3A_142 = arith.constant 2 : i32
      %add3A_143 = arith.addi %add3A_141, %add3A_142 : i32
      %lt3A = arith.constant 40 : i32
      %lt3A_144 = arith.cmpi slt, %add3A_143, %lt3A : i32
      %convert_element_type3A = arith.extui %lt3A_144 : i1 to i32
      %cond3A = arith.constant 0 : i32
      %cond3A_145 = arith.cmpi ne, %convert_element_type3A, %cond3A : i32
      scf.if %cond3A_145 {
        %dma_start3A_168 = arith.constant 0 : i32
        %dma_start3A_169 = arith.constant 0 : i32
        %dma_start3A_170 = arith.constant 0 : i32
        %dma_start3A_171 = tpu.memref_slice %arg10[%dma_start3A_168, %dma_start3A_169, %dma_start3A_170] : memref<2x128x128xf32, #tpu.memory_space<vmem>> -> memref<1x128x128xf32, #tpu.memory_space<vmem>>
        %dma_start3A_172 = tpu.memref_squeeze %dma_start3A_171 : memref<1x128x128xf32, #tpu.memory_space<vmem>> -> memref<128x128xf32, #tpu.memory_space<vmem>>
        %dma_start3A_173 = arith.constant 0 : i32
        %dma_start3A_174 = tpu.memref_slice %arg8[%add3A_143, %dma_start3A_173] : memref<40x128xi32, #tpu.memory_space<vmem>> -> memref<1x128xi32, #tpu.memory_space<vmem>>
        %dma_start3A_175 = tpu.memref_squeeze %dma_start3A_174 : memref<1x128xi32, #tpu.memory_space<vmem>> -> memref<128xi32, #tpu.memory_space<vmem>>
        %dma_start3A_176 = arith.constant 0 : i32
        %dma_start3A_177 = arith.constant 0 : i32
        %dma_start3A_178 = tpu.memref_slice %arg2[%dma_start3A_176, %dma_start3A_177] : memref<10240x128xf32, #tpu.memory_space<hbm>> -> memref<10240x128xf32, #tpu.memory_space<hbm>>
        tpu.enqueue_indirect_dma source(%dma_start3A_178 : memref<10240x128xf32, #tpu.memory_space<hbm>>) target(%dma_start3A_172 : memref<128x128xf32, #tpu.memory_space<vmem>>) offsets(%dma_start3A_175 : memref<128xi32, #tpu.memory_space<vmem>>) semaphore(%arg12 : memref<!tpu.dma_semaphore, #tpu.memory_space<semaphore_mem>>)
      } else {
      }
      %add3A_146 = arith.constant 1 : i32
      %add3A_147 = arith.addi %add3A_75, %add3A_146 : i32
      %dma_wait3A_148 = arith.constant 1 : i32
      %dma_wait3A_149 = arith.constant 0 : i32
      %dma_wait3A_150 = arith.constant 0 : i32
      %dma_wait3A_151 = tpu.memref_slice %arg10[%dma_wait3A_148, %dma_wait3A_149, %dma_wait3A_150] : memref<2x128x128xf32, #tpu.memory_space<vmem>> -> memref<1x128x128xf32, #tpu.memory_space<vmem>>
      %dma_wait3A_152 = tpu.memref_squeeze %dma_wait3A_151 : memref<1x128x128xf32, #tpu.memory_space<vmem>> -> memref<128x128xf32, #tpu.memory_space<vmem>>
      %dma_wait3A_153 = arith.constant 0 : i32
      %dma_wait3A_154 = tpu.memref_slice %arg9[%add3A_147, %dma_wait3A_153] : memref<40x128xi32, #tpu.memory_space<vmem>> -> memref<1x128xi32, #tpu.memory_space<vmem>>
      %dma_wait3A_155 = tpu.memref_squeeze %dma_wait3A_154 : memref<1x128xi32, #tpu.memory_space<vmem>> -> memref<128xi32, #tpu.memory_space<vmem>>
      %dma_wait3A_156 = arith.constant 0 : i32
      %dma_wait3A_157 = arith.constant 0 : i32
      %dma_wait3A_158 = tpu.memref_slice %arg11[%dma_wait3A_156, %dma_wait3A_157] : memref<10240x128xf32, #tpu.memory_space<vmem_shared>> -> memref<10240x128xf32, #tpu.memory_space<vmem_shared>>
      tpu.wait_indirect_dma semaphore(%arg15 : memref<!tpu.dma_semaphore, #tpu.memory_space<semaphore_mem>>) src(%dma_wait3A_152 : memref<128x128xf32, #tpu.memory_space<vmem>>) dst(%dma_wait3A_158 : memref<10240x128xf32, #tpu.memory_space<vmem_shared>>)
      %add3A_159 = arith.constant 1 : i32
      %add3A_160 = arith.addi %add3A_75, %add3A_159 : i32
      %add3A_161 = arith.constant 2 : i32
      %add3A_162 = arith.addi %add3A_160, %add3A_161 : i32
      %lt3A_163 = arith.constant 40 : i32
      %lt3A_164 = arith.cmpi slt, %add3A_162, %lt3A_163 : i32
      %convert_element_type3A_165 = arith.extui %lt3A_164 : i1 to i32
      %cond3A_166 = arith.constant 0 : i32
      %cond3A_167 = arith.cmpi ne, %convert_element_type3A_165, %cond3A_166 : i32
      scf.if %cond3A_167 {
        %dma_start3A_168 = arith.constant 1 : i32
        %dma_start3A_169 = arith.constant 0 : i32
        %dma_start3A_170 = arith.constant 0 : i32
        %dma_start3A_171 = tpu.memref_slice %arg10[%dma_start3A_168, %dma_start3A_169, %dma_start3A_170] : memref<2x128x128xf32, #tpu.memory_space<vmem>> -> memref<1x128x128xf32, #tpu.memory_space<vmem>>
        %dma_start3A_172 = tpu.memref_squeeze %dma_start3A_171 : memref<1x128x128xf32, #tpu.memory_space<vmem>> -> memref<128x128xf32, #tpu.memory_space<vmem>>
        %dma_start3A_173 = arith.constant 0 : i32
        %dma_start3A_174 = tpu.memref_slice %arg8[%add3A_162, %dma_start3A_173] : memref<40x128xi32, #tpu.memory_space<vmem>> -> memref<1x128xi32, #tpu.memory_space<vmem>>
        %dma_start3A_175 = tpu.memref_squeeze %dma_start3A_174 : memref<1x128xi32, #tpu.memory_space<vmem>> -> memref<128xi32, #tpu.memory_space<vmem>>
        %dma_start3A_176 = arith.constant 0 : i32
        %dma_start3A_177 = arith.constant 0 : i32
        %dma_start3A_178 = tpu.memref_slice %arg2[%dma_start3A_176, %dma_start3A_177] : memref<10240x128xf32, #tpu.memory_space<hbm>> -> memref<10240x128xf32, #tpu.memory_space<hbm>>
        tpu.enqueue_indirect_dma source(%dma_start3A_178 : memref<10240x128xf32, #tpu.memory_space<hbm>>) target(%dma_start3A_172 : memref<128x128xf32, #tpu.memory_space<vmem>>) offsets(%dma_start3A_175 : memref<128xi32, #tpu.memory_space<vmem>>) semaphore(%arg13 : memref<!tpu.dma_semaphore, #tpu.memory_space<semaphore_mem>>)
      } else {
      }
    }
    %scan3A_66 = arith.constant 20 : i32
    %barrier3A_67 = arith.constant 0 : index
    tpu.barrier barrier_id(%barrier3A_67)
    %mul3A_68 = arith.constant 10240 : i32
    %mul3A_69 = arith.muli %arg0, %mul3A_68 : i32
    %add3A_70 = arith.addi %mul3A_69, %mul3A_2 : i32
    "tpu.region"() ({
      %run_scoped3A = tpu.sem_alloc : memref<!tpu.dma_semaphore, #tpu.memory_space<semaphore_mem>>
      %dma_start3A_71 = arith.constant 0 : i32
      %dma_start3A_72 = tpu.memref_slice %arg7[%add3A_70, %dma_start3A_71] : memref<20480x128xf32, #tpu.memory_space<hbm>> -> memref<640x128xf32, #tpu.memory_space<hbm>>
      %dma_start3A_73 = arith.constant 0 : i32
      %dma_start3A_74 = tpu.memref_slice %arg11[%mul3A_2, %dma_start3A_73] : memref<10240x128xf32, #tpu.memory_space<vmem_shared>> -> memref<640x128xf32, #tpu.memory_space<vmem_shared>>
      tpu.enqueue_dma source(%dma_start3A_74 : memref<640x128xf32, #tpu.memory_space<vmem_shared>>) target(%dma_start3A_72 : memref<640x128xf32, #tpu.memory_space<hbm>>) target_semaphore(%run_scoped3A : memref<!tpu.dma_semaphore, #tpu.memory_space<semaphore_mem>>)
      %dma_wait3A = arith.constant 0 : i32
      %dma_wait3A_75 = tpu.memref_slice %arg7[%add3A_70, %dma_wait3A] : memref<20480x128xf32, #tpu.memory_space<hbm>> -> memref<640x128xf32, #tpu.memory_space<hbm>>
      %dma_wait3A_76 = arith.constant 0 : i32
      %dma_wait3A_77 = tpu.memref_slice %arg11[%mul3A_2, %dma_wait3A_76] : memref<10240x128xf32, #tpu.memory_space<vmem_shared>> -> memref<640x128xf32, #tpu.memory_space<vmem_shared>>
      tpu.wait_dma2 semaphore(%run_scoped3A : memref<!tpu.dma_semaphore, #tpu.memory_space<semaphore_mem>>) src(%dma_wait3A_77 : memref<640x128xf32, #tpu.memory_space<vmem_shared>>) dst(%dma_wait3A_75 : memref<640x128xf32, #tpu.memory_space<hbm>>)
      tpu.yield
    }) : () -> ()
    return
  }
}

#map = affine_map<(d0, d1) -> (0, 0)>
module attributes {stable_mosaic.version = 14 : i64} {
  func.func @body(%arg0: i32, %arg1: i32, %arg2: memref<10240x128xf32, #tpu.memory_space<hbm>>, %arg3: memref<2560x128xi32, #tpu.memory_space<hbm>>, %arg4: memref<2560x128xi32, #tpu.memory_space<hbm>>, %arg5: memref<640x128xf32, #tpu.memory_space<hbm>>, %arg6: memref<10240x1xf32, #tpu.memory_space<hbm>>, %arg7: memref<20480x128xf32, #tpu.memory_space<hbm>>, %arg8: memref<40x128xi32, #tpu.memory_space<vmem>>, %arg9: memref<40x128xi32, #tpu.memory_space<vmem>>, %arg10: memref<2x128x128xf32, #tpu.memory_space<vmem>>, %arg11: memref<10240x128xf32, #tpu.memory_space<vmem_shared>>, %arg12: memref<!tpu.dma_semaphore, #tpu.memory_space<semaphore_mem>>, %arg13: memref<!tpu.dma_semaphore, #tpu.memory_space<semaphore_mem>>, %arg14: memref<!tpu.dma_semaphore, #tpu.memory_space<semaphore_mem>>, %arg15: memref<!tpu.dma_semaphore, #tpu.memory_space<semaphore_mem>>) attributes {dimension_semantics = [#tpu.dimension_semantics<core_parallel>, #tpu.dimension_semantics<subcore_parallel>], iteration_bounds = array<i64: 2, 16>, scalar_prefetch = 0 : i64, scratch_operands = 8 : i64, tpu.core_type = #tpu.core_type<sc_vector_subcore>, window_params = [{transform_indices = #map}, {transform_indices = #map}, {transform_indices = #map}, {transform_indices = #map}, {transform_indices = #map}, {transform_indices = #map}]} {
    %mul3A = arith.constant 2 : i32
    %mul3A_0 = arith.muli %arg1, %mul3A : i32
    %add3A = arith.addi %mul3A_0, %arg0 : i32
    %mul3A_1 = arith.constant 640 : i32
    %mul3A_2 = arith.muli %arg1, %mul3A_1 : i32
    "tpu.region"() ({
      %run_scoped3A = tpu.sem_alloc : memref<!tpu.dma_semaphore, #tpu.memory_space<semaphore_mem>>
      %dma_start3A_71 = arith.constant 0 : i32
      %dma_start3A_72 = tpu.memref_slice %arg11[%mul3A_2, %dma_start3A_71] : memref<10240x128xf32, #tpu.memory_space<vmem_shared>> -> memref<640x128xf32, #tpu.memory_space<vmem_shared>>
      tpu.enqueue_dma source(%arg5 : memref<640x128xf32, #tpu.memory_space<hbm>>) target(%dma_start3A_72 : memref<640x128xf32, #tpu.memory_space<vmem_shared>>) target_semaphore(%run_scoped3A : memref<!tpu.dma_semaphore, #tpu.memory_space<semaphore_mem>>)
      %dma_wait3A = arith.constant 0 : i32
      %dma_wait3A_73 = tpu.memref_slice %arg11[%mul3A_2, %dma_wait3A] : memref<10240x128xf32, #tpu.memory_space<vmem_shared>> -> memref<640x128xf32, #tpu.memory_space<vmem_shared>>
      tpu.wait_dma2 semaphore(%run_scoped3A : memref<!tpu.dma_semaphore, #tpu.memory_space<semaphore_mem>>) src(%arg5 : memref<640x128xf32, #tpu.memory_space<hbm>>) dst(%dma_wait3A_73 : memref<640x128xf32, #tpu.memory_space<vmem_shared>>)
      tpu.yield
    }) : () -> ()
    %barrier3A = arith.constant 0 : index
    tpu.barrier barrier_id(%barrier3A)
    %mul3A_3 = arith.constant 80 : i32
    %mul3A_4 = arith.muli %add3A, %mul3A_3 : i32
    %add3A_5 = arith.constant 0 : i32
    %add3A_6 = arith.addi %mul3A_4, %add3A_5 : i32
    "tpu.region"() ({
      %run_scoped3A = tpu.sem_alloc : memref<!tpu.dma_semaphore, #tpu.memory_space<semaphore_mem>>
      %dma_start3A_71 = arith.constant 0 : i32
      %dma_start3A_72 = tpu.memref_slice %arg3[%add3A_6, %dma_start3A_71] : memref<2560x128xi32, #tpu.memory_space<hbm>> -> memref<40x128xi32, #tpu.memory_space<hbm>>
      %dma_start3A_73 = arith.constant 0 : i32
      %dma_start3A_74 = tpu.memref_slice %arg3[%add3A_6, %dma_start3A_73] : memref<2560x128xi32, #tpu.memory_space<hbm>> -> memref<40x128xi32, #tpu.memory_space<hbm>>
      tpu.enqueue_dma source(%dma_start3A_74 : memref<40x128xi32, #tpu.memory_space<hbm>>) target(%arg8 : memref<40x128xi32, #tpu.memory_space<vmem>>) target_semaphore(%run_scoped3A : memref<!tpu.dma_semaphore, #tpu.memory_space<semaphore_mem>>)
      %dma_wait3A = arith.constant 0 : i32
      %dma_wait3A_75 = tpu.memref_slice %arg3[%add3A_6, %dma_wait3A] : memref<2560x128xi32, #tpu.memory_space<hbm>> -> memref<40x128xi32, #tpu.memory_space<hbm>>
      %dma_wait3A_76 = arith.constant 0 : i32
      %dma_wait3A_77 = tpu.memref_slice %arg3[%add3A_6, %dma_wait3A_76] : memref<2560x128xi32, #tpu.memory_space<hbm>> -> memref<40x128xi32, #tpu.memory_space<hbm>>
      tpu.wait_dma2 semaphore(%run_scoped3A : memref<!tpu.dma_semaphore, #tpu.memory_space<semaphore_mem>>) src(%dma_wait3A_77 : memref<40x128xi32, #tpu.memory_space<hbm>>) dst(%arg8 : memref<40x128xi32, #tpu.memory_space<vmem>>)
      tpu.yield
    }) : () -> ()
    "tpu.region"() ({
      %run_scoped3A = tpu.sem_alloc : memref<!tpu.dma_semaphore, #tpu.memory_space<semaphore_mem>>
      %dma_start3A_71 = arith.constant 0 : i32
      %dma_start3A_72 = tpu.memref_slice %arg4[%add3A_6, %dma_start3A_71] : memref<2560x128xi32, #tpu.memory_space<hbm>> -> memref<40x128xi32, #tpu.memory_space<hbm>>
      %dma_start3A_73 = arith.constant 0 : i32
      %dma_start3A_74 = tpu.memref_slice %arg4[%add3A_6, %dma_start3A_73] : memref<2560x128xi32, #tpu.memory_space<hbm>> -> memref<40x128xi32, #tpu.memory_space<hbm>>
      tpu.enqueue_dma source(%dma_start3A_74 : memref<40x128xi32, #tpu.memory_space<hbm>>) target(%arg9 : memref<40x128xi32, #tpu.memory_space<vmem>>) target_semaphore(%run_scoped3A : memref<!tpu.dma_semaphore, #tpu.memory_space<semaphore_mem>>)
      %dma_wait3A = arith.constant 0 : i32
      %dma_wait3A_75 = tpu.memref_slice %arg4[%add3A_6, %dma_wait3A] : memref<2560x128xi32, #tpu.memory_space<hbm>> -> memref<40x128xi32, #tpu.memory_space<hbm>>
      %dma_wait3A_76 = arith.constant 0 : i32
      %dma_wait3A_77 = tpu.memref_slice %arg4[%add3A_6, %dma_wait3A_76] : memref<2560x128xi32, #tpu.memory_space<hbm>> -> memref<40x128xi32, #tpu.memory_space<hbm>>
      tpu.wait_dma2 semaphore(%run_scoped3A : memref<!tpu.dma_semaphore, #tpu.memory_space<semaphore_mem>>) src(%dma_wait3A_77 : memref<40x128xi32, #tpu.memory_space<hbm>>) dst(%arg9 : memref<40x128xi32, #tpu.memory_space<vmem>>)
      tpu.yield
    }) : () -> ()
    %dma_start3A = arith.constant 0 : i32
    %dma_start3A_7 = arith.constant 0 : i32
    %dma_start3A_8 = arith.constant 0 : i32
    %dma_start3A_9 = arith.constant 0 : i32
    %dma_start3A_10 = tpu.memref_slice %arg10[%dma_start3A_7, %dma_start3A_8, %dma_start3A_9] : memref<2x128x128xf32, #tpu.memory_space<vmem>> -> memref<1x128x128xf32, #tpu.memory_space<vmem>>
    %dma_start3A_11 = tpu.memref_squeeze %dma_start3A_10 : memref<1x128x128xf32, #tpu.memory_space<vmem>> -> memref<128x128xf32, #tpu.memory_space<vmem>>
    %dma_start3A_12 = arith.constant 0 : i32
    %dma_start3A_13 = tpu.memref_slice %arg8[%dma_start3A, %dma_start3A_12] : memref<40x128xi32, #tpu.memory_space<vmem>> -> memref<1x128xi32, #tpu.memory_space<vmem>>
    %dma_start3A_14 = tpu.memref_squeeze %dma_start3A_13 : memref<1x128xi32, #tpu.memory_space<vmem>> -> memref<128xi32, #tpu.memory_space<vmem>>
    %dma_start3A_15 = arith.constant 0 : i32
    %dma_start3A_16 = arith.constant 0 : i32
    %dma_start3A_17 = tpu.memref_slice %arg2[%dma_start3A_15, %dma_start3A_16] : memref<10240x128xf32, #tpu.memory_space<hbm>> -> memref<10240x128xf32, #tpu.memory_space<hbm>>
    tpu.enqueue_indirect_dma source(%dma_start3A_17 : memref<10240x128xf32, #tpu.memory_space<hbm>>) target(%dma_start3A_11 : memref<128x128xf32, #tpu.memory_space<vmem>>) offsets(%dma_start3A_14 : memref<128xi32, #tpu.memory_space<vmem>>) semaphore(%arg12 : memref<!tpu.dma_semaphore, #tpu.memory_space<semaphore_mem>>)
    %dma_start3A_18 = arith.constant 1 : i32
    %dma_start3A_19 = arith.constant 1 : i32
    %dma_start3A_20 = arith.constant 0 : i32
    %dma_start3A_21 = arith.constant 0 : i32
    %dma_start3A_22 = tpu.memref_slice %arg10[%dma_start3A_19, %dma_start3A_20, %dma_start3A_21] : memref<2x128x128xf32, #tpu.memory_space<vmem>> -> memref<1x128x128xf32, #tpu.memory_space<vmem>>
    %dma_start3A_23 = tpu.memref_squeeze %dma_start3A_22 : memref<1x128x128xf32, #tpu.memory_space<vmem>> -> memref<128x128xf32, #tpu.memory_space<vmem>>
    %dma_start3A_24 = arith.constant 0 : i32
    %dma_start3A_25 = tpu.memref_slice %arg8[%dma_start3A_18, %dma_start3A_24] : memref<40x128xi32, #tpu.memory_space<vmem>> -> memref<1x128xi32, #tpu.memory_space<vmem>>
    %dma_start3A_26 = tpu.memref_squeeze %dma_start3A_25 : memref<1x128xi32, #tpu.memory_space<vmem>> -> memref<128xi32, #tpu.memory_space<vmem>>
    %dma_start3A_27 = arith.constant 0 : i32
    %dma_start3A_28 = arith.constant 0 : i32
    %dma_start3A_29 = tpu.memref_slice %arg2[%dma_start3A_27, %dma_start3A_28] : memref<10240x128xf32, #tpu.memory_space<hbm>> -> memref<10240x128xf32, #tpu.memory_space<hbm>>
    tpu.enqueue_indirect_dma source(%dma_start3A_29 : memref<10240x128xf32, #tpu.memory_space<hbm>>) target(%dma_start3A_23 : memref<128x128xf32, #tpu.memory_space<vmem>>) offsets(%dma_start3A_26 : memref<128xi32, #tpu.memory_space<vmem>>) semaphore(%arg13 : memref<!tpu.dma_semaphore, #tpu.memory_space<semaphore_mem>>)
    %scan3A = arith.constant 0 : i32
    %scan3A_30 = arith.constant 20 : i32
    %scan3A_31 = arith.addi %scan3A, %scan3A_30 : i32
    %scan3A_32 = arith.constant 1 : i32
    scf.for %scan3A_71 = %scan3A to %scan3A_31 step %scan3A_32  : i32 {
      %mul3A_72 = arith.constant 2 : i32
      %mul3A_73 = arith.muli %scan3A_71, %mul3A_72 : i32
      %add3A_74 = arith.constant 0 : i32
      %add3A_75 = arith.addi %add3A_74, %mul3A_73 : i32
      %add3A_76 = arith.constant 0 : i32
      %add3A_77 = arith.addi %add3A_75, %add3A_76 : i32
      %dma_wait3A = arith.constant 0 : i32
      %dma_wait3A_78 = arith.constant 0 : i32
      %dma_wait3A_79 = arith.constant 0 : i32
      %dma_wait3A_80 = tpu.memref_slice %arg10[%dma_wait3A, %dma_wait3A_78, %dma_wait3A_79] : memref<2x128x128xf32, #tpu.memory_space<vmem>> -> memref<1x128x128xf32, #tpu.memory_space<vmem>>
      %dma_wait3A_81 = tpu.memref_squeeze %dma_wait3A_80 : memref<1x128x128xf32, #tpu.memory_space<vmem>> -> memref<128x128xf32, #tpu.memory_space<vmem>>
      %dma_wait3A_82 = arith.constant 0 : i32
      %dma_wait3A_83 = tpu.memref_slice %arg8[%add3A_77, %dma_wait3A_82] : memref<40x128xi32, #tpu.memory_space<vmem>> -> memref<1x128xi32, #tpu.memory_space<vmem>>
      %dma_wait3A_84 = tpu.memref_squeeze %dma_wait3A_83 : memref<1x128xi32, #tpu.memory_space<vmem>> -> memref<128xi32, #tpu.memory_space<vmem>>
      %dma_wait3A_85 = arith.constant 0 : i32
      %dma_wait3A_86 = arith.constant 0 : i32
      %dma_wait3A_87 = tpu.memref_slice %arg2[%dma_wait3A_85, %dma_wait3A_86] : memref<10240x128xf32, #tpu.memory_space<hbm>> -> memref<10240x128xf32, #tpu.memory_space<hbm>>
      tpu.wait_indirect_dma semaphore(%arg12 : memref<!tpu.dma_semaphore, #tpu.memory_space<semaphore_mem>>) src(%dma_wait3A_87 : memref<10240x128xf32, #tpu.memory_space<hbm>>) dst(%dma_wait3A_81 : memref<128x128xf32, #tpu.memory_space<vmem>>)
      %add3A_88 = arith.constant 0 : i32
      %add3A_89 = arith.addi %add3A_75, %add3A_88 : i32
      %dma_start3A_90 = arith.constant 0 : i32
      %dma_start3A_91 = arith.constant 0 : i32
      %dma_start3A_92 = arith.constant 0 : i32
      %dma_start3A_93 = tpu.memref_slice %arg10[%dma_start3A_90, %dma_start3A_91, %dma_start3A_92] : memref<2x128x128xf32, #tpu.memory_space<vmem>> -> memref<1x128x128xf32, #tpu.memory_space<vmem>>
      %dma_start3A_94 = tpu.memref_squeeze %dma_start3A_93 : memref<1x128x128xf32, #tpu.memory_space<vmem>> -> memref<128x128xf32, #tpu.memory_space<vmem>>
      %dma_start3A_95 = arith.constant 0 : i32
      %dma_start3A_96 = tpu.memref_slice %arg9[%add3A_89, %dma_start3A_95] : memref<40x128xi32, #tpu.memory_space<vmem>> -> memref<1x128xi32, #tpu.memory_space<vmem>>
      %dma_start3A_97 = tpu.memref_squeeze %dma_start3A_96 : memref<1x128xi32, #tpu.memory_space<vmem>> -> memref<128xi32, #tpu.memory_space<vmem>>
      %dma_start3A_98 = arith.constant 0 : i32
      %dma_start3A_99 = arith.constant 0 : i32
      %dma_start3A_100 = tpu.memref_slice %arg11[%dma_start3A_98, %dma_start3A_99] : memref<10240x128xf32, #tpu.memory_space<vmem_shared>> -> memref<10240x128xf32, #tpu.memory_space<vmem_shared>>
      tpu.enqueue_indirect_dma source(%dma_start3A_94 : memref<128x128xf32, #tpu.memory_space<vmem>>) target(%dma_start3A_100 : memref<10240x128xf32, #tpu.memory_space<vmem_shared>>) offsets(%dma_start3A_97 : memref<128xi32, #tpu.memory_space<vmem>>) semaphore(%arg14 : memref<!tpu.dma_semaphore, #tpu.memory_space<semaphore_mem>>) {add = true}
      %add3A_101 = arith.constant 1 : i32
      %add3A_102 = arith.addi %add3A_75, %add3A_101 : i32
      %dma_wait3A_103 = arith.constant 1 : i32
      %dma_wait3A_104 = arith.constant 0 : i32
      %dma_wait3A_105 = arith.constant 0 : i32
      %dma_wait3A_106 = tpu.memref_slice %arg10[%dma_wait3A_103, %dma_wait3A_104, %dma_wait3A_105] : memref<2x128x128xf32, #tpu.memory_space<vmem>> -> memref<1x128x128xf32, #tpu.memory_space<vmem>>
      %dma_wait3A_107 = tpu.memref_squeeze %dma_wait3A_106 : memref<1x128x128xf32, #tpu.memory_space<vmem>> -> memref<128x128xf32, #tpu.memory_space<vmem>>
      %dma_wait3A_108 = arith.constant 0 : i32
      %dma_wait3A_109 = tpu.memref_slice %arg8[%add3A_102, %dma_wait3A_108] : memref<40x128xi32, #tpu.memory_space<vmem>> -> memref<1x128xi32, #tpu.memory_space<vmem>>
      %dma_wait3A_110 = tpu.memref_squeeze %dma_wait3A_109 : memref<1x128xi32, #tpu.memory_space<vmem>> -> memref<128xi32, #tpu.memory_space<vmem>>
      %dma_wait3A_111 = arith.constant 0 : i32
      %dma_wait3A_112 = arith.constant 0 : i32
      %dma_wait3A_113 = tpu.memref_slice %arg2[%dma_wait3A_111, %dma_wait3A_112] : memref<10240x128xf32, #tpu.memory_space<hbm>> -> memref<10240x128xf32, #tpu.memory_space<hbm>>
      tpu.wait_indirect_dma semaphore(%arg13 : memref<!tpu.dma_semaphore, #tpu.memory_space<semaphore_mem>>) src(%dma_wait3A_113 : memref<10240x128xf32, #tpu.memory_space<hbm>>) dst(%dma_wait3A_107 : memref<128x128xf32, #tpu.memory_space<vmem>>)
      %add3A_114 = arith.constant 1 : i32
      %add3A_115 = arith.addi %add3A_75, %add3A_114 : i32
      %dma_start3A_116 = arith.constant 1 : i32
      %dma_start3A_117 = arith.constant 0 : i32
      %dma_start3A_118 = arith.constant 0 : i32
      %dma_start3A_119 = tpu.memref_slice %arg10[%dma_start3A_116, %dma_start3A_117, %dma_start3A_118] : memref<2x128x128xf32, #tpu.memory_space<vmem>> -> memref<1x128x128xf32, #tpu.memory_space<vmem>>
      %dma_start3A_120 = tpu.memref_squeeze %dma_start3A_119 : memref<1x128x128xf32, #tpu.memory_space<vmem>> -> memref<128x128xf32, #tpu.memory_space<vmem>>
      %dma_start3A_121 = arith.constant 0 : i32
      %dma_start3A_122 = tpu.memref_slice %arg9[%add3A_115, %dma_start3A_121] : memref<40x128xi32, #tpu.memory_space<vmem>> -> memref<1x128xi32, #tpu.memory_space<vmem>>
      %dma_start3A_123 = tpu.memref_squeeze %dma_start3A_122 : memref<1x128xi32, #tpu.memory_space<vmem>> -> memref<128xi32, #tpu.memory_space<vmem>>
      %dma_start3A_124 = arith.constant 0 : i32
      %dma_start3A_125 = arith.constant 0 : i32
      %dma_start3A_126 = tpu.memref_slice %arg11[%dma_start3A_124, %dma_start3A_125] : memref<10240x128xf32, #tpu.memory_space<vmem_shared>> -> memref<10240x128xf32, #tpu.memory_space<vmem_shared>>
      tpu.enqueue_indirect_dma source(%dma_start3A_120 : memref<128x128xf32, #tpu.memory_space<vmem>>) target(%dma_start3A_126 : memref<10240x128xf32, #tpu.memory_space<vmem_shared>>) offsets(%dma_start3A_123 : memref<128xi32, #tpu.memory_space<vmem>>) semaphore(%arg15 : memref<!tpu.dma_semaphore, #tpu.memory_space<semaphore_mem>>) {add = true}
      %add3A_127 = arith.constant 0 : i32
      %add3A_128 = arith.addi %add3A_75, %add3A_127 : i32
      %dma_wait3A_129 = arith.constant 0 : i32
      %dma_wait3A_130 = arith.constant 0 : i32
      %dma_wait3A_131 = arith.constant 0 : i32
      %dma_wait3A_132 = tpu.memref_slice %arg10[%dma_wait3A_129, %dma_wait3A_130, %dma_wait3A_131] : memref<2x128x128xf32, #tpu.memory_space<vmem>> -> memref<1x128x128xf32, #tpu.memory_space<vmem>>
      %dma_wait3A_133 = tpu.memref_squeeze %dma_wait3A_132 : memref<1x128x128xf32, #tpu.memory_space<vmem>> -> memref<128x128xf32, #tpu.memory_space<vmem>>
      %dma_wait3A_134 = arith.constant 0 : i32
      %dma_wait3A_135 = tpu.memref_slice %arg9[%add3A_128, %dma_wait3A_134] : memref<40x128xi32, #tpu.memory_space<vmem>> -> memref<1x128xi32, #tpu.memory_space<vmem>>
      %dma_wait3A_136 = tpu.memref_squeeze %dma_wait3A_135 : memref<1x128xi32, #tpu.memory_space<vmem>> -> memref<128xi32, #tpu.memory_space<vmem>>
      %dma_wait3A_137 = arith.constant 0 : i32
      %dma_wait3A_138 = arith.constant 0 : i32
      %dma_wait3A_139 = tpu.memref_slice %arg11[%dma_wait3A_137, %dma_wait3A_138] : memref<10240x128xf32, #tpu.memory_space<vmem_shared>> -> memref<10240x128xf32, #tpu.memory_space<vmem_shared>>
      tpu.wait_indirect_dma semaphore(%arg14 : memref<!tpu.dma_semaphore, #tpu.memory_space<semaphore_mem>>) src(%dma_wait3A_133 : memref<128x128xf32, #tpu.memory_space<vmem>>) dst(%dma_wait3A_139 : memref<10240x128xf32, #tpu.memory_space<vmem_shared>>)
      %add3A_140 = arith.constant 0 : i32
      %add3A_141 = arith.addi %add3A_75, %add3A_140 : i32
      %add3A_142 = arith.constant 2 : i32
      %add3A_143 = arith.addi %add3A_141, %add3A_142 : i32
      %lt3A = arith.constant 40 : i32
      %lt3A_144 = arith.cmpi slt, %add3A_143, %lt3A : i32
      %convert_element_type3A = arith.extui %lt3A_144 : i1 to i32
      %cond3A = arith.constant 0 : i32
      %cond3A_145 = arith.cmpi ne, %convert_element_type3A, %cond3A : i32
      scf.if %cond3A_145 {
        %dma_start3A_168 = arith.constant 0 : i32
        %dma_start3A_169 = arith.constant 0 : i32
        %dma_start3A_170 = arith.constant 0 : i32
        %dma_start3A_171 = tpu.memref_slice %arg10[%dma_start3A_168, %dma_start3A_169, %dma_start3A_170] : memref<2x128x128xf32, #tpu.memory_space<vmem>> -> memref<1x128x128xf32, #tpu.memory_space<vmem>>
        %dma_start3A_172 = tpu.memref_squeeze %dma_start3A_171 : memref<1x128x128xf32, #tpu.memory_space<vmem>> -> memref<128x128xf32, #tpu.memory_space<vmem>>
        %dma_start3A_173 = arith.constant 0 : i32
        %dma_start3A_174 = tpu.memref_slice %arg8[%add3A_143, %dma_start3A_173] : memref<40x128xi32, #tpu.memory_space<vmem>> -> memref<1x128xi32, #tpu.memory_space<vmem>>
        %dma_start3A_175 = tpu.memref_squeeze %dma_start3A_174 : memref<1x128xi32, #tpu.memory_space<vmem>> -> memref<128xi32, #tpu.memory_space<vmem>>
        %dma_start3A_176 = arith.constant 0 : i32
        %dma_start3A_177 = arith.constant 0 : i32
        %dma_start3A_178 = tpu.memref_slice %arg2[%dma_start3A_176, %dma_start3A_177] : memref<10240x128xf32, #tpu.memory_space<hbm>> -> memref<10240x128xf32, #tpu.memory_space<hbm>>
        tpu.enqueue_indirect_dma source(%dma_start3A_178 : memref<10240x128xf32, #tpu.memory_space<hbm>>) target(%dma_start3A_172 : memref<128x128xf32, #tpu.memory_space<vmem>>) offsets(%dma_start3A_175 : memref<128xi32, #tpu.memory_space<vmem>>) semaphore(%arg12 : memref<!tpu.dma_semaphore, #tpu.memory_space<semaphore_mem>>)
      } else {
      }
      %add3A_146 = arith.constant 1 : i32
      %add3A_147 = arith.addi %add3A_75, %add3A_146 : i32
      %dma_wait3A_148 = arith.constant 1 : i32
      %dma_wait3A_149 = arith.constant 0 : i32
      %dma_wait3A_150 = arith.constant 0 : i32
      %dma_wait3A_151 = tpu.memref_slice %arg10[%dma_wait3A_148, %dma_wait3A_149, %dma_wait3A_150] : memref<2x128x128xf32, #tpu.memory_space<vmem>> -> memref<1x128x128xf32, #tpu.memory_space<vmem>>
      %dma_wait3A_152 = tpu.memref_squeeze %dma_wait3A_151 : memref<1x128x128xf32, #tpu.memory_space<vmem>> -> memref<128x128xf32, #tpu.memory_space<vmem>>
      %dma_wait3A_153 = arith.constant 0 : i32
      %dma_wait3A_154 = tpu.memref_slice %arg9[%add3A_147, %dma_wait3A_153] : memref<40x128xi32, #tpu.memory_space<vmem>> -> memref<1x128xi32, #tpu.memory_space<vmem>>
      %dma_wait3A_155 = tpu.memref_squeeze %dma_wait3A_154 : memref<1x128xi32, #tpu.memory_space<vmem>> -> memref<128xi32, #tpu.memory_space<vmem>>
      %dma_wait3A_156 = arith.constant 0 : i32
      %dma_wait3A_157 = arith.constant 0 : i32
      %dma_wait3A_158 = tpu.memref_slice %arg11[%dma_wait3A_156, %dma_wait3A_157] : memref<10240x128xf32, #tpu.memory_space<vmem_shared>> -> memref<10240x128xf32, #tpu.memory_space<vmem_shared>>
      tpu.wait_indirect_dma semaphore(%arg15 : memref<!tpu.dma_semaphore, #tpu.memory_space<semaphore_mem>>) src(%dma_wait3A_152 : memref<128x128xf32, #tpu.memory_space<vmem>>) dst(%dma_wait3A_158 : memref<10240x128xf32, #tpu.memory_space<vmem_shared>>)
      %add3A_159 = arith.constant 1 : i32
      %add3A_160 = arith.addi %add3A_75, %add3A_159 : i32
      %add3A_161 = arith.constant 2 : i32
      %add3A_162 = arith.addi %add3A_160, %add3A_161 : i32
      %lt3A_163 = arith.constant 40 : i32
      %lt3A_164 = arith.cmpi slt, %add3A_162, %lt3A_163 : i32
      %convert_element_type3A_165 = arith.extui %lt3A_164 : i1 to i32
      %cond3A_166 = arith.constant 0 : i32
      %cond3A_167 = arith.cmpi ne, %convert_element_type3A_165, %cond3A_166 : i32
      scf.if %cond3A_167 {
        %dma_start3A_168 = arith.constant 1 : i32
        %dma_start3A_169 = arith.constant 0 : i32
        %dma_start3A_170 = arith.constant 0 : i32
        %dma_start3A_171 = tpu.memref_slice %arg10[%dma_start3A_168, %dma_start3A_169, %dma_start3A_170] : memref<2x128x128xf32, #tpu.memory_space<vmem>> -> memref<1x128x128xf32, #tpu.memory_space<vmem>>
        %dma_start3A_172 = tpu.memref_squeeze %dma_start3A_171 : memref<1x128x128xf32, #tpu.memory_space<vmem>> -> memref<128x128xf32, #tpu.memory_space<vmem>>
        %dma_start3A_173 = arith.constant 0 : i32
        %dma_start3A_174 = tpu.memref_slice %arg8[%add3A_162, %dma_start3A_173] : memref<40x128xi32, #tpu.memory_space<vmem>> -> memref<1x128xi32, #tpu.memory_space<vmem>>
        %dma_start3A_175 = tpu.memref_squeeze %dma_start3A_174 : memref<1x128xi32, #tpu.memory_space<vmem>> -> memref<128xi32, #tpu.memory_space<vmem>>
        %dma_start3A_176 = arith.constant 0 : i32
        %dma_start3A_177 = arith.constant 0 : i32
        %dma_start3A_178 = tpu.memref_slice %arg2[%dma_start3A_176, %dma_start3A_177] : memref<10240x128xf32, #tpu.memory_space<hbm>> -> memref<10240x128xf32, #tpu.memory_space<hbm>>
        tpu.enqueue_indirect_dma source(%dma_start3A_178 : memref<10240x128xf32, #tpu.memory_space<hbm>>) target(%dma_start3A_172 : memref<128x128xf32, #tpu.memory_space<vmem>>) offsets(%dma_start3A_175 : memref<128xi32, #tpu.memory_space<vmem>>) semaphore(%arg13 : memref<!tpu.dma_semaphore, #tpu.memory_space<semaphore_mem>>)
      } else {
      }
    }
    %scan3A_33 = arith.constant 20 : i32
    %mul3A_34 = arith.constant 80 : i32
    %mul3A_35 = arith.muli %add3A, %mul3A_34 : i32
    %add3A_36 = arith.constant 40 : i32
    %add3A_37 = arith.addi %mul3A_35, %add3A_36 : i32
    "tpu.region"() ({
      %run_scoped3A = tpu.sem_alloc : memref<!tpu.dma_semaphore, #tpu.memory_space<semaphore_mem>>
      %dma_start3A_71 = arith.constant 0 : i32
      %dma_start3A_72 = tpu.memref_slice %arg3[%add3A_37, %dma_start3A_71] : memref<2560x128xi32, #tpu.memory_space<hbm>> -> memref<40x128xi32, #tpu.memory_space<hbm>>
      %dma_start3A_73 = arith.constant 0 : i32
      %dma_start3A_74 = tpu.memref_slice %arg3[%add3A_37, %dma_start3A_73] : memref<2560x128xi32, #tpu.memory_space<hbm>> -> memref<40x128xi32, #tpu.memory_space<hbm>>
      tpu.enqueue_dma source(%dma_start3A_74 : memref<40x128xi32, #tpu.memory_space<hbm>>) target(%arg8 : memref<40x128xi32, #tpu.memory_space<vmem>>) target_semaphore(%run_scoped3A : memref<!tpu.dma_semaphore, #tpu.memory_space<semaphore_mem>>)
      %dma_wait3A = arith.constant 0 : i32
      %dma_wait3A_75 = tpu.memref_slice %arg3[%add3A_37, %dma_wait3A] : memref<2560x128xi32, #tpu.memory_space<hbm>> -> memref<40x128xi32, #tpu.memory_space<hbm>>
      %dma_wait3A_76 = arith.constant 0 : i32
      %dma_wait3A_77 = tpu.memref_slice %arg3[%add3A_37, %dma_wait3A_76] : memref<2560x128xi32, #tpu.memory_space<hbm>> -> memref<40x128xi32, #tpu.memory_space<hbm>>
      tpu.wait_dma2 semaphore(%run_scoped3A : memref<!tpu.dma_semaphore, #tpu.memory_space<semaphore_mem>>) src(%dma_wait3A_77 : memref<40x128xi32, #tpu.memory_space<hbm>>) dst(%arg8 : memref<40x128xi32, #tpu.memory_space<vmem>>)
      tpu.yield
    }) : () -> ()
    "tpu.region"() ({
      %run_scoped3A = tpu.sem_alloc : memref<!tpu.dma_semaphore, #tpu.memory_space<semaphore_mem>>
      %dma_start3A_71 = arith.constant 0 : i32
      %dma_start3A_72 = tpu.memref_slice %arg4[%add3A_37, %dma_start3A_71] : memref<2560x128xi32, #tpu.memory_space<hbm>> -> memref<40x128xi32, #tpu.memory_space<hbm>>
      %dma_start3A_73 = arith.constant 0 : i32
      %dma_start3A_74 = tpu.memref_slice %arg4[%add3A_37, %dma_start3A_73] : memref<2560x128xi32, #tpu.memory_space<hbm>> -> memref<40x128xi32, #tpu.memory_space<hbm>>
      tpu.enqueue_dma source(%dma_start3A_74 : memref<40x128xi32, #tpu.memory_space<hbm>>) target(%arg9 : memref<40x128xi32, #tpu.memory_space<vmem>>) target_semaphore(%run_scoped3A : memref<!tpu.dma_semaphore, #tpu.memory_space<semaphore_mem>>)
      %dma_wait3A = arith.constant 0 : i32
      %dma_wait3A_75 = tpu.memref_slice %arg4[%add3A_37, %dma_wait3A] : memref<2560x128xi32, #tpu.memory_space<hbm>> -> memref<40x128xi32, #tpu.memory_space<hbm>>
      %dma_wait3A_76 = arith.constant 0 : i32
      %dma_wait3A_77 = tpu.memref_slice %arg4[%add3A_37, %dma_wait3A_76] : memref<2560x128xi32, #tpu.memory_space<hbm>> -> memref<40x128xi32, #tpu.memory_space<hbm>>
      tpu.wait_dma2 semaphore(%run_scoped3A : memref<!tpu.dma_semaphore, #tpu.memory_space<semaphore_mem>>) src(%dma_wait3A_77 : memref<40x128xi32, #tpu.memory_space<hbm>>) dst(%arg9 : memref<40x128xi32, #tpu.memory_space<vmem>>)
      tpu.yield
    }) : () -> ()
    %dma_start3A_38 = arith.constant 0 : i32
    %dma_start3A_39 = arith.constant 0 : i32
    %dma_start3A_40 = arith.constant 0 : i32
    %dma_start3A_41 = arith.constant 0 : i32
    %dma_start3A_42 = tpu.memref_slice %arg10[%dma_start3A_39, %dma_start3A_40, %dma_start3A_41] : memref<2x128x128xf32, #tpu.memory_space<vmem>> -> memref<1x128x128xf32, #tpu.memory_space<vmem>>
    %dma_start3A_43 = tpu.memref_squeeze %dma_start3A_42 : memref<1x128x128xf32, #tpu.memory_space<vmem>> -> memref<128x128xf32, #tpu.memory_space<vmem>>
    %dma_start3A_44 = arith.constant 0 : i32
    %dma_start3A_45 = tpu.memref_slice %arg8[%dma_start3A_38, %dma_start3A_44] : memref<40x128xi32, #tpu.memory_space<vmem>> -> memref<1x128xi32, #tpu.memory_space<vmem>>
    %dma_start3A_46 = tpu.memref_squeeze %dma_start3A_45 : memref<1x128xi32, #tpu.memory_space<vmem>> -> memref<128xi32, #tpu.memory_space<vmem>>
    %dma_start3A_47 = arith.constant 0 : i32
    %dma_start3A_48 = arith.constant 0 : i32
    %dma_start3A_49 = tpu.memref_slice %arg2[%dma_start3A_47, %dma_start3A_48] : memref<10240x128xf32, #tpu.memory_space<hbm>> -> memref<10240x128xf32, #tpu.memory_space<hbm>>
    tpu.enqueue_indirect_dma source(%dma_start3A_49 : memref<10240x128xf32, #tpu.memory_space<hbm>>) target(%dma_start3A_43 : memref<128x128xf32, #tpu.memory_space<vmem>>) offsets(%dma_start3A_46 : memref<128xi32, #tpu.memory_space<vmem>>) semaphore(%arg12 : memref<!tpu.dma_semaphore, #tpu.memory_space<semaphore_mem>>)
    %dma_start3A_50 = arith.constant 1 : i32
    %dma_start3A_51 = arith.constant 1 : i32
    %dma_start3A_52 = arith.constant 0 : i32
    %dma_start3A_53 = arith.constant 0 : i32
    %dma_start3A_54 = tpu.memref_slice %arg10[%dma_start3A_51, %dma_start3A_52, %dma_start3A_53] : memref<2x128x128xf32, #tpu.memory_space<vmem>> -> memref<1x128x128xf32, #tpu.memory_space<vmem>>
    %dma_start3A_55 = tpu.memref_squeeze %dma_start3A_54 : memref<1x128x128xf32, #tpu.memory_space<vmem>> -> memref<128x128xf32, #tpu.memory_space<vmem>>
    %dma_start3A_56 = arith.constant 0 : i32
    %dma_start3A_57 = tpu.memref_slice %arg8[%dma_start3A_50, %dma_start3A_56] : memref<40x128xi32, #tpu.memory_space<vmem>> -> memref<1x128xi32, #tpu.memory_space<vmem>>
    %dma_start3A_58 = tpu.memref_squeeze %dma_start3A_57 : memref<1x128xi32, #tpu.memory_space<vmem>> -> memref<128xi32, #tpu.memory_space<vmem>>
    %dma_start3A_59 = arith.constant 0 : i32
    %dma_start3A_60 = arith.constant 0 : i32
    %dma_start3A_61 = tpu.memref_slice %arg2[%dma_start3A_59, %dma_start3A_60] : memref<10240x128xf32, #tpu.memory_space<hbm>> -> memref<10240x128xf32, #tpu.memory_space<hbm>>
    tpu.enqueue_indirect_dma source(%dma_start3A_61 : memref<10240x128xf32, #tpu.memory_space<hbm>>) target(%dma_start3A_55 : memref<128x128xf32, #tpu.memory_space<vmem>>) offsets(%dma_start3A_58 : memref<128xi32, #tpu.memory_space<vmem>>) semaphore(%arg13 : memref<!tpu.dma_semaphore, #tpu.memory_space<semaphore_mem>>)
    %scan3A_62 = arith.constant 0 : i32
    %scan3A_63 = arith.constant 20 : i32
    %scan3A_64 = arith.addi %scan3A_62, %scan3A_63 : i32
    %scan3A_65 = arith.constant 1 : i32
    scf.for %scan3A_71 = %scan3A_62 to %scan3A_64 step %scan3A_65  : i32 {
      %mul3A_72 = arith.constant 2 : i32
      %mul3A_73 = arith.muli %scan3A_71, %mul3A_72 : i32
      %add3A_74 = arith.constant 0 : i32
      %add3A_75 = arith.addi %add3A_74, %mul3A_73 : i32
      %add3A_76 = arith.constant 0 : i32
      %add3A_77 = arith.addi %add3A_75, %add3A_76 : i32
      %dma_wait3A = arith.constant 0 : i32
      %dma_wait3A_78 = arith.constant 0 : i32
      %dma_wait3A_79 = arith.constant 0 : i32
      %dma_wait3A_80 = tpu.memref_slice %arg10[%dma_wait3A, %dma_wait3A_78, %dma_wait3A_79] : memref<2x128x128xf32, #tpu.memory_space<vmem>> -> memref<1x128x128xf32, #tpu.memory_space<vmem>>
      %dma_wait3A_81 = tpu.memref_squeeze %dma_wait3A_80 : memref<1x128x128xf32, #tpu.memory_space<vmem>> -> memref<128x128xf32, #tpu.memory_space<vmem>>
      %dma_wait3A_82 = arith.constant 0 : i32
      %dma_wait3A_83 = tpu.memref_slice %arg8[%add3A_77, %dma_wait3A_82] : memref<40x128xi32, #tpu.memory_space<vmem>> -> memref<1x128xi32, #tpu.memory_space<vmem>>
      %dma_wait3A_84 = tpu.memref_squeeze %dma_wait3A_83 : memref<1x128xi32, #tpu.memory_space<vmem>> -> memref<128xi32, #tpu.memory_space<vmem>>
      %dma_wait3A_85 = arith.constant 0 : i32
      %dma_wait3A_86 = arith.constant 0 : i32
      %dma_wait3A_87 = tpu.memref_slice %arg2[%dma_wait3A_85, %dma_wait3A_86] : memref<10240x128xf32, #tpu.memory_space<hbm>> -> memref<10240x128xf32, #tpu.memory_space<hbm>>
      tpu.wait_indirect_dma semaphore(%arg12 : memref<!tpu.dma_semaphore, #tpu.memory_space<semaphore_mem>>) src(%dma_wait3A_87 : memref<10240x128xf32, #tpu.memory_space<hbm>>) dst(%dma_wait3A_81 : memref<128x128xf32, #tpu.memory_space<vmem>>)
      %add3A_88 = arith.constant 0 : i32
      %add3A_89 = arith.addi %add3A_75, %add3A_88 : i32
      %dma_start3A_90 = arith.constant 0 : i32
      %dma_start3A_91 = arith.constant 0 : i32
      %dma_start3A_92 = arith.constant 0 : i32
      %dma_start3A_93 = tpu.memref_slice %arg10[%dma_start3A_90, %dma_start3A_91, %dma_start3A_92] : memref<2x128x128xf32, #tpu.memory_space<vmem>> -> memref<1x128x128xf32, #tpu.memory_space<vmem>>
      %dma_start3A_94 = tpu.memref_squeeze %dma_start3A_93 : memref<1x128x128xf32, #tpu.memory_space<vmem>> -> memref<128x128xf32, #tpu.memory_space<vmem>>
      %dma_start3A_95 = arith.constant 0 : i32
      %dma_start3A_96 = tpu.memref_slice %arg9[%add3A_89, %dma_start3A_95] : memref<40x128xi32, #tpu.memory_space<vmem>> -> memref<1x128xi32, #tpu.memory_space<vmem>>
      %dma_start3A_97 = tpu.memref_squeeze %dma_start3A_96 : memref<1x128xi32, #tpu.memory_space<vmem>> -> memref<128xi32, #tpu.memory_space<vmem>>
      %dma_start3A_98 = arith.constant 0 : i32
      %dma_start3A_99 = arith.constant 0 : i32
      %dma_start3A_100 = tpu.memref_slice %arg11[%dma_start3A_98, %dma_start3A_99] : memref<10240x128xf32, #tpu.memory_space<vmem_shared>> -> memref<10240x128xf32, #tpu.memory_space<vmem_shared>>
      tpu.enqueue_indirect_dma source(%dma_start3A_94 : memref<128x128xf32, #tpu.memory_space<vmem>>) target(%dma_start3A_100 : memref<10240x128xf32, #tpu.memory_space<vmem_shared>>) offsets(%dma_start3A_97 : memref<128xi32, #tpu.memory_space<vmem>>) semaphore(%arg14 : memref<!tpu.dma_semaphore, #tpu.memory_space<semaphore_mem>>) {add = true}
      %add3A_101 = arith.constant 1 : i32
      %add3A_102 = arith.addi %add3A_75, %add3A_101 : i32
      %dma_wait3A_103 = arith.constant 1 : i32
      %dma_wait3A_104 = arith.constant 0 : i32
      %dma_wait3A_105 = arith.constant 0 : i32
      %dma_wait3A_106 = tpu.memref_slice %arg10[%dma_wait3A_103, %dma_wait3A_104, %dma_wait3A_105] : memref<2x128x128xf32, #tpu.memory_space<vmem>> -> memref<1x128x128xf32, #tpu.memory_space<vmem>>
      %dma_wait3A_107 = tpu.memref_squeeze %dma_wait3A_106 : memref<1x128x128xf32, #tpu.memory_space<vmem>> -> memref<128x128xf32, #tpu.memory_space<vmem>>
      %dma_wait3A_108 = arith.constant 0 : i32
      %dma_wait3A_109 = tpu.memref_slice %arg8[%add3A_102, %dma_wait3A_108] : memref<40x128xi32, #tpu.memory_space<vmem>> -> memref<1x128xi32, #tpu.memory_space<vmem>>
      %dma_wait3A_110 = tpu.memref_squeeze %dma_wait3A_109 : memref<1x128xi32, #tpu.memory_space<vmem>> -> memref<128xi32, #tpu.memory_space<vmem>>
      %dma_wait3A_111 = arith.constant 0 : i32
      %dma_wait3A_112 = arith.constant 0 : i32
      %dma_wait3A_113 = tpu.memref_slice %arg2[%dma_wait3A_111, %dma_wait3A_112] : memref<10240x128xf32, #tpu.memory_space<hbm>> -> memref<10240x128xf32, #tpu.memory_space<hbm>>
      tpu.wait_indirect_dma semaphore(%arg13 : memref<!tpu.dma_semaphore, #tpu.memory_space<semaphore_mem>>) src(%dma_wait3A_113 : memref<10240x128xf32, #tpu.memory_space<hbm>>) dst(%dma_wait3A_107 : memref<128x128xf32, #tpu.memory_space<vmem>>)
      %add3A_114 = arith.constant 1 : i32
      %add3A_115 = arith.addi %add3A_75, %add3A_114 : i32
      %dma_start3A_116 = arith.constant 1 : i32
      %dma_start3A_117 = arith.constant 0 : i32
      %dma_start3A_118 = arith.constant 0 : i32
      %dma_start3A_119 = tpu.memref_slice %arg10[%dma_start3A_116, %dma_start3A_117, %dma_start3A_118] : memref<2x128x128xf32, #tpu.memory_space<vmem>> -> memref<1x128x128xf32, #tpu.memory_space<vmem>>
      %dma_start3A_120 = tpu.memref_squeeze %dma_start3A_119 : memref<1x128x128xf32, #tpu.memory_space<vmem>> -> memref<128x128xf32, #tpu.memory_space<vmem>>
      %dma_start3A_121 = arith.constant 0 : i32
      %dma_start3A_122 = tpu.memref_slice %arg9[%add3A_115, %dma_start3A_121] : memref<40x128xi32, #tpu.memory_space<vmem>> -> memref<1x128xi32, #tpu.memory_space<vmem>>
      %dma_start3A_123 = tpu.memref_squeeze %dma_start3A_122 : memref<1x128xi32, #tpu.memory_space<vmem>> -> memref<128xi32, #tpu.memory_space<vmem>>
      %dma_start3A_124 = arith.constant 0 : i32
      %dma_start3A_125 = arith.constant 0 : i32
      %dma_start3A_126 = tpu.memref_slice %arg11[%dma_start3A_124, %dma_start3A_125] : memref<10240x128xf32, #tpu.memory_space<vmem_shared>> -> memref<10240x128xf32, #tpu.memory_space<vmem_shared>>
      tpu.enqueue_indirect_dma source(%dma_start3A_120 : memref<128x128xf32, #tpu.memory_space<vmem>>) target(%dma_start3A_126 : memref<10240x128xf32, #tpu.memory_space<vmem_shared>>) offsets(%dma_start3A_123 : memref<128xi32, #tpu.memory_space<vmem>>) semaphore(%arg15 : memref<!tpu.dma_semaphore, #tpu.memory_space<semaphore_mem>>) {add = true}
      %add3A_127 = arith.constant 0 : i32
      %add3A_128 = arith.addi %add3A_75, %add3A_127 : i32
      %dma_wait3A_129 = arith.constant 0 : i32
      %dma_wait3A_130 = arith.constant 0 : i32
      %dma_wait3A_131 = arith.constant 0 : i32
      %dma_wait3A_132 = tpu.memref_slice %arg10[%dma_wait3A_129, %dma_wait3A_130, %dma_wait3A_131] : memref<2x128x128xf32, #tpu.memory_space<vmem>> -> memref<1x128x128xf32, #tpu.memory_space<vmem>>
      %dma_wait3A_133 = tpu.memref_squeeze %dma_wait3A_132 : memref<1x128x128xf32, #tpu.memory_space<vmem>> -> memref<128x128xf32, #tpu.memory_space<vmem>>
      %dma_wait3A_134 = arith.constant 0 : i32
      %dma_wait3A_135 = tpu.memref_slice %arg9[%add3A_128, %dma_wait3A_134] : memref<40x128xi32, #tpu.memory_space<vmem>> -> memref<1x128xi32, #tpu.memory_space<vmem>>
      %dma_wait3A_136 = tpu.memref_squeeze %dma_wait3A_135 : memref<1x128xi32, #tpu.memory_space<vmem>> -> memref<128xi32, #tpu.memory_space<vmem>>
      %dma_wait3A_137 = arith.constant 0 : i32
      %dma_wait3A_138 = arith.constant 0 : i32
      %dma_wait3A_139 = tpu.memref_slice %arg11[%dma_wait3A_137, %dma_wait3A_138] : memref<10240x128xf32, #tpu.memory_space<vmem_shared>> -> memref<10240x128xf32, #tpu.memory_space<vmem_shared>>
      tpu.wait_indirect_dma semaphore(%arg14 : memref<!tpu.dma_semaphore, #tpu.memory_space<semaphore_mem>>) src(%dma_wait3A_133 : memref<128x128xf32, #tpu.memory_space<vmem>>) dst(%dma_wait3A_139 : memref<10240x128xf32, #tpu.memory_space<vmem_shared>>)
      %add3A_140 = arith.constant 0 : i32
      %add3A_141 = arith.addi %add3A_75, %add3A_140 : i32
      %add3A_142 = arith.constant 2 : i32
      %add3A_143 = arith.addi %add3A_141, %add3A_142 : i32
      %lt3A = arith.constant 40 : i32
      %lt3A_144 = arith.cmpi slt, %add3A_143, %lt3A : i32
      %convert_element_type3A = arith.extui %lt3A_144 : i1 to i32
      %cond3A = arith.constant 0 : i32
      %cond3A_145 = arith.cmpi ne, %convert_element_type3A, %cond3A : i32
      scf.if %cond3A_145 {
        %dma_start3A_168 = arith.constant 0 : i32
        %dma_start3A_169 = arith.constant 0 : i32
        %dma_start3A_170 = arith.constant 0 : i32
        %dma_start3A_171 = tpu.memref_slice %arg10[%dma_start3A_168, %dma_start3A_169, %dma_start3A_170] : memref<2x128x128xf32, #tpu.memory_space<vmem>> -> memref<1x128x128xf32, #tpu.memory_space<vmem>>
        %dma_start3A_172 = tpu.memref_squeeze %dma_start3A_171 : memref<1x128x128xf32, #tpu.memory_space<vmem>> -> memref<128x128xf32, #tpu.memory_space<vmem>>
        %dma_start3A_173 = arith.constant 0 : i32
        %dma_start3A_174 = tpu.memref_slice %arg8[%add3A_143, %dma_start3A_173] : memref<40x128xi32, #tpu.memory_space<vmem>> -> memref<1x128xi32, #tpu.memory_space<vmem>>
        %dma_start3A_175 = tpu.memref_squeeze %dma_start3A_174 : memref<1x128xi32, #tpu.memory_space<vmem>> -> memref<128xi32, #tpu.memory_space<vmem>>
        %dma_start3A_176 = arith.constant 0 : i32
        %dma_start3A_177 = arith.constant 0 : i32
        %dma_start3A_178 = tpu.memref_slice %arg2[%dma_start3A_176, %dma_start3A_177] : memref<10240x128xf32, #tpu.memory_space<hbm>> -> memref<10240x128xf32, #tpu.memory_space<hbm>>
        tpu.enqueue_indirect_dma source(%dma_start3A_178 : memref<10240x128xf32, #tpu.memory_space<hbm>>) target(%dma_start3A_172 : memref<128x128xf32, #tpu.memory_space<vmem>>) offsets(%dma_start3A_175 : memref<128xi32, #tpu.memory_space<vmem>>) semaphore(%arg12 : memref<!tpu.dma_semaphore, #tpu.memory_space<semaphore_mem>>)
      } else {
      }
      %add3A_146 = arith.constant 1 : i32
      %add3A_147 = arith.addi %add3A_75, %add3A_146 : i32
      %dma_wait3A_148 = arith.constant 1 : i32
      %dma_wait3A_149 = arith.constant 0 : i32
      %dma_wait3A_150 = arith.constant 0 : i32
      %dma_wait3A_151 = tpu.memref_slice %arg10[%dma_wait3A_148, %dma_wait3A_149, %dma_wait3A_150] : memref<2x128x128xf32, #tpu.memory_space<vmem>> -> memref<1x128x128xf32, #tpu.memory_space<vmem>>
      %dma_wait3A_152 = tpu.memref_squeeze %dma_wait3A_151 : memref<1x128x128xf32, #tpu.memory_space<vmem>> -> memref<128x128xf32, #tpu.memory_space<vmem>>
      %dma_wait3A_153 = arith.constant 0 : i32
      %dma_wait3A_154 = tpu.memref_slice %arg9[%add3A_147, %dma_wait3A_153] : memref<40x128xi32, #tpu.memory_space<vmem>> -> memref<1x128xi32, #tpu.memory_space<vmem>>
      %dma_wait3A_155 = tpu.memref_squeeze %dma_wait3A_154 : memref<1x128xi32, #tpu.memory_space<vmem>> -> memref<128xi32, #tpu.memory_space<vmem>>
      %dma_wait3A_156 = arith.constant 0 : i32
      %dma_wait3A_157 = arith.constant 0 : i32
      %dma_wait3A_158 = tpu.memref_slice %arg11[%dma_wait3A_156, %dma_wait3A_157] : memref<10240x128xf32, #tpu.memory_space<vmem_shared>> -> memref<10240x128xf32, #tpu.memory_space<vmem_shared>>
      tpu.wait_indirect_dma semaphore(%arg15 : memref<!tpu.dma_semaphore, #tpu.memory_space<semaphore_mem>>) src(%dma_wait3A_152 : memref<128x128xf32, #tpu.memory_space<vmem>>) dst(%dma_wait3A_158 : memref<10240x128xf32, #tpu.memory_space<vmem_shared>>)
      %add3A_159 = arith.constant 1 : i32
      %add3A_160 = arith.addi %add3A_75, %add3A_159 : i32
      %add3A_161 = arith.constant 2 : i32
      %add3A_162 = arith.addi %add3A_160, %add3A_161 : i32
      %lt3A_163 = arith.constant 40 : i32
      %lt3A_164 = arith.cmpi slt, %add3A_162, %lt3A_163 : i32
      %convert_element_type3A_165 = arith.extui %lt3A_164 : i1 to i32
      %cond3A_166 = arith.constant 0 : i32
      %cond3A_167 = arith.cmpi ne, %convert_element_type3A_165, %cond3A_166 : i32
      scf.if %cond3A_167 {
        %dma_start3A_168 = arith.constant 1 : i32
        %dma_start3A_169 = arith.constant 0 : i32
        %dma_start3A_170 = arith.constant 0 : i32
        %dma_start3A_171 = tpu.memref_slice %arg10[%dma_start3A_168, %dma_start3A_169, %dma_start3A_170] : memref<2x128x128xf32, #tpu.memory_space<vmem>> -> memref<1x128x128xf32, #tpu.memory_space<vmem>>
        %dma_start3A_172 = tpu.memref_squeeze %dma_start3A_171 : memref<1x128x128xf32, #tpu.memory_space<vmem>> -> memref<128x128xf32, #tpu.memory_space<vmem>>
        %dma_start3A_173 = arith.constant 0 : i32
        %dma_start3A_174 = tpu.memref_slice %arg8[%add3A_162, %dma_start3A_173] : memref<40x128xi32, #tpu.memory_space<vmem>> -> memref<1x128xi32, #tpu.memory_space<vmem>>
        %dma_start3A_175 = tpu.memref_squeeze %dma_start3A_174 : memref<1x128xi32, #tpu.memory_space<vmem>> -> memref<128xi32, #tpu.memory_space<vmem>>
        %dma_start3A_176 = arith.constant 0 : i32
        %dma_start3A_177 = arith.constant 0 : i32
        %dma_start3A_178 = tpu.memref_slice %arg2[%dma_start3A_176, %dma_start3A_177] : memref<10240x128xf32, #tpu.memory_space<hbm>> -> memref<10240x128xf32, #tpu.memory_space<hbm>>
        tpu.enqueue_indirect_dma source(%dma_start3A_178 : memref<10240x128xf32, #tpu.memory_space<hbm>>) target(%dma_start3A_172 : memref<128x128xf32, #tpu.memory_space<vmem>>) offsets(%dma_start3A_175 : memref<128xi32, #tpu.memory_space<vmem>>) semaphore(%arg13 : memref<!tpu.dma_semaphore, #tpu.memory_space<semaphore_mem>>)
      } else {
      }
    }
    %scan3A_66 = arith.constant 20 : i32
    %barrier3A_67 = arith.constant 0 : index
    tpu.barrier barrier_id(%barrier3A_67)
    %mul3A_68 = arith.constant 10240 : i32
    %mul3A_69 = arith.muli %arg0, %mul3A_68 : i32
    %add3A_70 = arith.addi %mul3A_69, %mul3A_2 : i32
    "tpu.region"() ({
      %run_scoped3A = tpu.sem_alloc : memref<!tpu.dma_semaphore, #tpu.memory_space<semaphore_mem>>
      %dma_start3A_71 = arith.constant 0 : i32
      %dma_start3A_72 = tpu.memref_slice %arg7[%add3A_70, %dma_start3A_71] : memref<20480x128xf32, #tpu.memory_space<hbm>> -> memref<640x128xf32, #tpu.memory_space<hbm>>
      %dma_start3A_73 = arith.constant 0 : i32
      %dma_start3A_74 = tpu.memref_slice %arg11[%mul3A_2, %dma_start3A_73] : memref<10240x128xf32, #tpu.memory_space<vmem_shared>> -> memref<640x128xf32, #tpu.memory_space<vmem_shared>>
      tpu.enqueue_dma source(%dma_start3A_74 : memref<640x128xf32, #tpu.memory_space<vmem_shared>>) target(%dma_start3A_72 : memref<640x128xf32, #tpu.memory_space<hbm>>) target_semaphore(%run_scoped3A : memref<!tpu.dma_semaphore, #tpu.memory_space<semaphore_mem>>)
      %dma_wait3A = arith.constant 0 : i32
      %dma_wait3A_75 = tpu.memref_slice %arg7[%add3A_70, %dma_wait3A] : memref<20480x128xf32, #tpu.memory_space<hbm>> -> memref<640x128xf32, #tpu.memory_space<hbm>>
      %dma_wait3A_76 = arith.constant 0 : i32
      %dma_wait3A_77 = tpu.memref_slice %arg11[%mul3A_2, %dma_wait3A_76] : memref<10240x128xf32, #tpu.memory_space<vmem_shared>> -> memref<640x128xf32, #tpu.memory_space<vmem_shared>>
      tpu.wait_dma2 semaphore(%run_scoped3A : memref<!tpu.dma_semaphore, #tpu.memory_space<semaphore_mem>>) src(%dma_wait3A_77 : memref<640x128xf32, #tpu.memory_space<vmem_shared>>) dst(%dma_wait3A_75 : memref<640x128xf32, #tpu.memory_space<hbm>>)
      tpu.yield
    }) : () -> ()
    return
  }
}

#map = affine_map<(d0, d1) -> (0, 0)>
module attributes {stable_mosaic.version = 14 : i64} {
  func.func @body(%arg0: i32, %arg1: i32, %arg2: memref<10240x128xf32, #tpu.memory_space<hbm>>, %arg3: memref<2560x128xi32, #tpu.memory_space<hbm>>, %arg4: memref<2560x128xi32, #tpu.memory_space<hbm>>, %arg5: memref<640x128xf32, #tpu.memory_space<hbm>>, %arg6: memref<10240x1xf32, #tpu.memory_space<hbm>>, %arg7: memref<20480x128xf32, #tpu.memory_space<hbm>>, %arg8: memref<40x128xi32, #tpu.memory_space<vmem>>, %arg9: memref<40x128xi32, #tpu.memory_space<vmem>>, %arg10: memref<2x128x128xf32, #tpu.memory_space<vmem>>, %arg11: memref<10240x128xf32, #tpu.memory_space<vmem_shared>>, %arg12: memref<!tpu.dma_semaphore, #tpu.memory_space<semaphore_mem>>, %arg13: memref<!tpu.dma_semaphore, #tpu.memory_space<semaphore_mem>>, %arg14: memref<!tpu.dma_semaphore, #tpu.memory_space<semaphore_mem>>, %arg15: memref<!tpu.dma_semaphore, #tpu.memory_space<semaphore_mem>>) attributes {dimension_semantics = [#tpu.dimension_semantics<core_parallel>, #tpu.dimension_semantics<subcore_parallel>], iteration_bounds = array<i64: 2, 16>, scalar_prefetch = 0 : i64, scratch_operands = 8 : i64, tpu.core_type = #tpu.core_type<sc_vector_subcore>, window_params = [{transform_indices = #map}, {transform_indices = #map}, {transform_indices = #map}, {transform_indices = #map}, {transform_indices = #map}, {transform_indices = #map}]} {
    %mul3A = arith.constant 2 : i32
    %mul3A_0 = arith.muli %arg1, %mul3A : i32
    %add3A = arith.addi %mul3A_0, %arg0 : i32
    %mul3A_1 = arith.constant 640 : i32
    %mul3A_2 = arith.muli %arg1, %mul3A_1 : i32
    "tpu.region"() ({
      %run_scoped3A = tpu.sem_alloc : memref<!tpu.dma_semaphore, #tpu.memory_space<semaphore_mem>>
      %dma_start3A_71 = arith.constant 0 : i32
      %dma_start3A_72 = tpu.memref_slice %arg11[%mul3A_2, %dma_start3A_71] : memref<10240x128xf32, #tpu.memory_space<vmem_shared>> -> memref<640x128xf32, #tpu.memory_space<vmem_shared>>
      tpu.enqueue_dma source(%arg5 : memref<640x128xf32, #tpu.memory_space<hbm>>) target(%dma_start3A_72 : memref<640x128xf32, #tpu.memory_space<vmem_shared>>) target_semaphore(%run_scoped3A : memref<!tpu.dma_semaphore, #tpu.memory_space<semaphore_mem>>)
      %dma_wait3A = arith.constant 0 : i32
      %dma_wait3A_73 = tpu.memref_slice %arg11[%mul3A_2, %dma_wait3A] : memref<10240x128xf32, #tpu.memory_space<vmem_shared>> -> memref<640x128xf32, #tpu.memory_space<vmem_shared>>
      tpu.wait_dma2 semaphore(%run_scoped3A : memref<!tpu.dma_semaphore, #tpu.memory_space<semaphore_mem>>) src(%arg5 : memref<640x128xf32, #tpu.memory_space<hbm>>) dst(%dma_wait3A_73 : memref<640x128xf32, #tpu.memory_space<vmem_shared>>)
      tpu.yield
    }) : () -> ()
    %barrier3A = arith.constant 0 : index
    tpu.barrier barrier_id(%barrier3A)
    %mul3A_3 = arith.constant 80 : i32
    %mul3A_4 = arith.muli %add3A, %mul3A_3 : i32
    %add3A_5 = arith.constant 0 : i32
    %add3A_6 = arith.addi %mul3A_4, %add3A_5 : i32
    "tpu.region"() ({
      %run_scoped3A = tpu.sem_alloc : memref<!tpu.dma_semaphore, #tpu.memory_space<semaphore_mem>>
      %dma_start3A_71 = arith.constant 0 : i32
      %dma_start3A_72 = tpu.memref_slice %arg3[%add3A_6, %dma_start3A_71] : memref<2560x128xi32, #tpu.memory_space<hbm>> -> memref<40x128xi32, #tpu.memory_space<hbm>>
      %dma_start3A_73 = arith.constant 0 : i32
      %dma_start3A_74 = tpu.memref_slice %arg3[%add3A_6, %dma_start3A_73] : memref<2560x128xi32, #tpu.memory_space<hbm>> -> memref<40x128xi32, #tpu.memory_space<hbm>>
      tpu.enqueue_dma source(%dma_start3A_74 : memref<40x128xi32, #tpu.memory_space<hbm>>) target(%arg8 : memref<40x128xi32, #tpu.memory_space<vmem>>) target_semaphore(%run_scoped3A : memref<!tpu.dma_semaphore, #tpu.memory_space<semaphore_mem>>)
      %dma_wait3A = arith.constant 0 : i32
      %dma_wait3A_75 = tpu.memref_slice %arg3[%add3A_6, %dma_wait3A] : memref<2560x128xi32, #tpu.memory_space<hbm>> -> memref<40x128xi32, #tpu.memory_space<hbm>>
      %dma_wait3A_76 = arith.constant 0 : i32
      %dma_wait3A_77 = tpu.memref_slice %arg3[%add3A_6, %dma_wait3A_76] : memref<2560x128xi32, #tpu.memory_space<hbm>> -> memref<40x128xi32, #tpu.memory_space<hbm>>
      tpu.wait_dma2 semaphore(%run_scoped3A : memref<!tpu.dma_semaphore, #tpu.memory_space<semaphore_mem>>) src(%dma_wait3A_77 : memref<40x128xi32, #tpu.memory_space<hbm>>) dst(%arg8 : memref<40x128xi32, #tpu.memory_space<vmem>>)
      tpu.yield
    }) : () -> ()
    "tpu.region"() ({
      %run_scoped3A = tpu.sem_alloc : memref<!tpu.dma_semaphore, #tpu.memory_space<semaphore_mem>>
      %dma_start3A_71 = arith.constant 0 : i32
      %dma_start3A_72 = tpu.memref_slice %arg4[%add3A_6, %dma_start3A_71] : memref<2560x128xi32, #tpu.memory_space<hbm>> -> memref<40x128xi32, #tpu.memory_space<hbm>>
      %dma_start3A_73 = arith.constant 0 : i32
      %dma_start3A_74 = tpu.memref_slice %arg4[%add3A_6, %dma_start3A_73] : memref<2560x128xi32, #tpu.memory_space<hbm>> -> memref<40x128xi32, #tpu.memory_space<hbm>>
      tpu.enqueue_dma source(%dma_start3A_74 : memref<40x128xi32, #tpu.memory_space<hbm>>) target(%arg9 : memref<40x128xi32, #tpu.memory_space<vmem>>) target_semaphore(%run_scoped3A : memref<!tpu.dma_semaphore, #tpu.memory_space<semaphore_mem>>)
      %dma_wait3A = arith.constant 0 : i32
      %dma_wait3A_75 = tpu.memref_slice %arg4[%add3A_6, %dma_wait3A] : memref<2560x128xi32, #tpu.memory_space<hbm>> -> memref<40x128xi32, #tpu.memory_space<hbm>>
      %dma_wait3A_76 = arith.constant 0 : i32
      %dma_wait3A_77 = tpu.memref_slice %arg4[%add3A_6, %dma_wait3A_76] : memref<2560x128xi32, #tpu.memory_space<hbm>> -> memref<40x128xi32, #tpu.memory_space<hbm>>
      tpu.wait_dma2 semaphore(%run_scoped3A : memref<!tpu.dma_semaphore, #tpu.memory_space<semaphore_mem>>) src(%dma_wait3A_77 : memref<40x128xi32, #tpu.memory_space<hbm>>) dst(%arg9 : memref<40x128xi32, #tpu.memory_space<vmem>>)
      tpu.yield
    }) : () -> ()
    %dma_start3A = arith.constant 0 : i32
    %dma_start3A_7 = arith.constant 0 : i32
    %dma_start3A_8 = arith.constant 0 : i32
    %dma_start3A_9 = arith.constant 0 : i32
    %dma_start3A_10 = tpu.memref_slice %arg10[%dma_start3A_7, %dma_start3A_8, %dma_start3A_9] : memref<2x128x128xf32, #tpu.memory_space<vmem>> -> memref<1x128x128xf32, #tpu.memory_space<vmem>>
    %dma_start3A_11 = tpu.memref_squeeze %dma_start3A_10 : memref<1x128x128xf32, #tpu.memory_space<vmem>> -> memref<128x128xf32, #tpu.memory_space<vmem>>
    %dma_start3A_12 = arith.constant 0 : i32
    %dma_start3A_13 = tpu.memref_slice %arg8[%dma_start3A, %dma_start3A_12] : memref<40x128xi32, #tpu.memory_space<vmem>> -> memref<1x128xi32, #tpu.memory_space<vmem>>
    %dma_start3A_14 = tpu.memref_squeeze %dma_start3A_13 : memref<1x128xi32, #tpu.memory_space<vmem>> -> memref<128xi32, #tpu.memory_space<vmem>>
    %dma_start3A_15 = arith.constant 0 : i32
    %dma_start3A_16 = arith.constant 0 : i32
    %dma_start3A_17 = tpu.memref_slice %arg2[%dma_start3A_15, %dma_start3A_16] : memref<10240x128xf32, #tpu.memory_space<hbm>> -> memref<10240x128xf32, #tpu.memory_space<hbm>>
    tpu.enqueue_indirect_dma source(%dma_start3A_17 : memref<10240x128xf32, #tpu.memory_space<hbm>>) target(%dma_start3A_11 : memref<128x128xf32, #tpu.memory_space<vmem>>) offsets(%dma_start3A_14 : memref<128xi32, #tpu.memory_space<vmem>>) semaphore(%arg12 : memref<!tpu.dma_semaphore, #tpu.memory_space<semaphore_mem>>)
    %dma_start3A_18 = arith.constant 1 : i32
    %dma_start3A_19 = arith.constant 1 : i32
    %dma_start3A_20 = arith.constant 0 : i32
    %dma_start3A_21 = arith.constant 0 : i32
    %dma_start3A_22 = tpu.memref_slice %arg10[%dma_start3A_19, %dma_start3A_20, %dma_start3A_21] : memref<2x128x128xf32, #tpu.memory_space<vmem>> -> memref<1x128x128xf32, #tpu.memory_space<vmem>>
    %dma_start3A_23 = tpu.memref_squeeze %dma_start3A_22 : memref<1x128x128xf32, #tpu.memory_space<vmem>> -> memref<128x128xf32, #tpu.memory_space<vmem>>
    %dma_start3A_24 = arith.constant 0 : i32
    %dma_start3A_25 = tpu.memref_slice %arg8[%dma_start3A_18, %dma_start3A_24] : memref<40x128xi32, #tpu.memory_space<vmem>> -> memref<1x128xi32, #tpu.memory_space<vmem>>
    %dma_start3A_26 = tpu.memref_squeeze %dma_start3A_25 : memref<1x128xi32, #tpu.memory_space<vmem>> -> memref<128xi32, #tpu.memory_space<vmem>>
    %dma_start3A_27 = arith.constant 0 : i32
    %dma_start3A_28 = arith.constant 0 : i32
    %dma_start3A_29 = tpu.memref_slice %arg2[%dma_start3A_27, %dma_start3A_28] : memref<10240x128xf32, #tpu.memory_space<hbm>> -> memref<10240x128xf32, #tpu.memory_space<hbm>>
    tpu.enqueue_indirect_dma source(%dma_start3A_29 : memref<10240x128xf32, #tpu.memory_space<hbm>>) target(%dma_start3A_23 : memref<128x128xf32, #tpu.memory_space<vmem>>) offsets(%dma_start3A_26 : memref<128xi32, #tpu.memory_space<vmem>>) semaphore(%arg13 : memref<!tpu.dma_semaphore, #tpu.memory_space<semaphore_mem>>)
    %scan3A = arith.constant 0 : i32
    %scan3A_30 = arith.constant 20 : i32
    %scan3A_31 = arith.addi %scan3A, %scan3A_30 : i32
    %scan3A_32 = arith.constant 1 : i32
    scf.for %scan3A_71 = %scan3A to %scan3A_31 step %scan3A_32  : i32 {
      %mul3A_72 = arith.constant 2 : i32
      %mul3A_73 = arith.muli %scan3A_71, %mul3A_72 : i32
      %add3A_74 = arith.constant 0 : i32
      %add3A_75 = arith.addi %add3A_74, %mul3A_73 : i32
      %add3A_76 = arith.constant 0 : i32
      %add3A_77 = arith.addi %add3A_75, %add3A_76 : i32
      %dma_wait3A = arith.constant 0 : i32
      %dma_wait3A_78 = arith.constant 0 : i32
      %dma_wait3A_79 = arith.constant 0 : i32
      %dma_wait3A_80 = tpu.memref_slice %arg10[%dma_wait3A, %dma_wait3A_78, %dma_wait3A_79] : memref<2x128x128xf32, #tpu.memory_space<vmem>> -> memref<1x128x128xf32, #tpu.memory_space<vmem>>
      %dma_wait3A_81 = tpu.memref_squeeze %dma_wait3A_80 : memref<1x128x128xf32, #tpu.memory_space<vmem>> -> memref<128x128xf32, #tpu.memory_space<vmem>>
      %dma_wait3A_82 = arith.constant 0 : i32
      %dma_wait3A_83 = tpu.memref_slice %arg8[%add3A_77, %dma_wait3A_82] : memref<40x128xi32, #tpu.memory_space<vmem>> -> memref<1x128xi32, #tpu.memory_space<vmem>>
      %dma_wait3A_84 = tpu.memref_squeeze %dma_wait3A_83 : memref<1x128xi32, #tpu.memory_space<vmem>> -> memref<128xi32, #tpu.memory_space<vmem>>
      %dma_wait3A_85 = arith.constant 0 : i32
      %dma_wait3A_86 = arith.constant 0 : i32
      %dma_wait3A_87 = tpu.memref_slice %arg2[%dma_wait3A_85, %dma_wait3A_86] : memref<10240x128xf32, #tpu.memory_space<hbm>> -> memref<10240x128xf32, #tpu.memory_space<hbm>>
      tpu.wait_indirect_dma semaphore(%arg12 : memref<!tpu.dma_semaphore, #tpu.memory_space<semaphore_mem>>) src(%dma_wait3A_87 : memref<10240x128xf32, #tpu.memory_space<hbm>>) dst(%dma_wait3A_81 : memref<128x128xf32, #tpu.memory_space<vmem>>)
      %add3A_88 = arith.constant 0 : i32
      %add3A_89 = arith.addi %add3A_75, %add3A_88 : i32
      %dma_start3A_90 = arith.constant 0 : i32
      %dma_start3A_91 = arith.constant 0 : i32
      %dma_start3A_92 = arith.constant 0 : i32
      %dma_start3A_93 = tpu.memref_slice %arg10[%dma_start3A_90, %dma_start3A_91, %dma_start3A_92] : memref<2x128x128xf32, #tpu.memory_space<vmem>> -> memref<1x128x128xf32, #tpu.memory_space<vmem>>
      %dma_start3A_94 = tpu.memref_squeeze %dma_start3A_93 : memref<1x128x128xf32, #tpu.memory_space<vmem>> -> memref<128x128xf32, #tpu.memory_space<vmem>>
      %dma_start3A_95 = arith.constant 0 : i32
      %dma_start3A_96 = tpu.memref_slice %arg9[%add3A_89, %dma_start3A_95] : memref<40x128xi32, #tpu.memory_space<vmem>> -> memref<1x128xi32, #tpu.memory_space<vmem>>
      %dma_start3A_97 = tpu.memref_squeeze %dma_start3A_96 : memref<1x128xi32, #tpu.memory_space<vmem>> -> memref<128xi32, #tpu.memory_space<vmem>>
      %dma_start3A_98 = arith.constant 0 : i32
      %dma_start3A_99 = arith.constant 0 : i32
      %dma_start3A_100 = tpu.memref_slice %arg11[%dma_start3A_98, %dma_start3A_99] : memref<10240x128xf32, #tpu.memory_space<vmem_shared>> -> memref<10240x128xf32, #tpu.memory_space<vmem_shared>>
      tpu.enqueue_indirect_dma source(%dma_start3A_94 : memref<128x128xf32, #tpu.memory_space<vmem>>) target(%dma_start3A_100 : memref<10240x128xf32, #tpu.memory_space<vmem_shared>>) offsets(%dma_start3A_97 : memref<128xi32, #tpu.memory_space<vmem>>) semaphore(%arg14 : memref<!tpu.dma_semaphore, #tpu.memory_space<semaphore_mem>>) {add = true}
      %add3A_101 = arith.constant 1 : i32
      %add3A_102 = arith.addi %add3A_75, %add3A_101 : i32
      %dma_wait3A_103 = arith.constant 1 : i32
      %dma_wait3A_104 = arith.constant 0 : i32
      %dma_wait3A_105 = arith.constant 0 : i32
      %dma_wait3A_106 = tpu.memref_slice %arg10[%dma_wait3A_103, %dma_wait3A_104, %dma_wait3A_105] : memref<2x128x128xf32, #tpu.memory_space<vmem>> -> memref<1x128x128xf32, #tpu.memory_space<vmem>>
      %dma_wait3A_107 = tpu.memref_squeeze %dma_wait3A_106 : memref<1x128x128xf32, #tpu.memory_space<vmem>> -> memref<128x128xf32, #tpu.memory_space<vmem>>
      %dma_wait3A_108 = arith.constant 0 : i32
      %dma_wait3A_109 = tpu.memref_slice %arg8[%add3A_102, %dma_wait3A_108] : memref<40x128xi32, #tpu.memory_space<vmem>> -> memref<1x128xi32, #tpu.memory_space<vmem>>
      %dma_wait3A_110 = tpu.memref_squeeze %dma_wait3A_109 : memref<1x128xi32, #tpu.memory_space<vmem>> -> memref<128xi32, #tpu.memory_space<vmem>>
      %dma_wait3A_111 = arith.constant 0 : i32
      %dma_wait3A_112 = arith.constant 0 : i32
      %dma_wait3A_113 = tpu.memref_slice %arg2[%dma_wait3A_111, %dma_wait3A_112] : memref<10240x128xf32, #tpu.memory_space<hbm>> -> memref<10240x128xf32, #tpu.memory_space<hbm>>
      tpu.wait_indirect_dma semaphore(%arg13 : memref<!tpu.dma_semaphore, #tpu.memory_space<semaphore_mem>>) src(%dma_wait3A_113 : memref<10240x128xf32, #tpu.memory_space<hbm>>) dst(%dma_wait3A_107 : memref<128x128xf32, #tpu.memory_space<vmem>>)
      %add3A_114 = arith.constant 1 : i32
      %add3A_115 = arith.addi %add3A_75, %add3A_114 : i32
      %dma_start3A_116 = arith.constant 1 : i32
      %dma_start3A_117 = arith.constant 0 : i32
      %dma_start3A_118 = arith.constant 0 : i32
      %dma_start3A_119 = tpu.memref_slice %arg10[%dma_start3A_116, %dma_start3A_117, %dma_start3A_118] : memref<2x128x128xf32, #tpu.memory_space<vmem>> -> memref<1x128x128xf32, #tpu.memory_space<vmem>>
      %dma_start3A_120 = tpu.memref_squeeze %dma_start3A_119 : memref<1x128x128xf32, #tpu.memory_space<vmem>> -> memref<128x128xf32, #tpu.memory_space<vmem>>
      %dma_start3A_121 = arith.constant 0 : i32
      %dma_start3A_122 = tpu.memref_slice %arg9[%add3A_115, %dma_start3A_121] : memref<40x128xi32, #tpu.memory_space<vmem>> -> memref<1x128xi32, #tpu.memory_space<vmem>>
      %dma_start3A_123 = tpu.memref_squeeze %dma_start3A_122 : memref<1x128xi32, #tpu.memory_space<vmem>> -> memref<128xi32, #tpu.memory_space<vmem>>
      %dma_start3A_124 = arith.constant 0 : i32
      %dma_start3A_125 = arith.constant 0 : i32
      %dma_start3A_126 = tpu.memref_slice %arg11[%dma_start3A_124, %dma_start3A_125] : memref<10240x128xf32, #tpu.memory_space<vmem_shared>> -> memref<10240x128xf32, #tpu.memory_space<vmem_shared>>
      tpu.enqueue_indirect_dma source(%dma_start3A_120 : memref<128x128xf32, #tpu.memory_space<vmem>>) target(%dma_start3A_126 : memref<10240x128xf32, #tpu.memory_space<vmem_shared>>) offsets(%dma_start3A_123 : memref<128xi32, #tpu.memory_space<vmem>>) semaphore(%arg15 : memref<!tpu.dma_semaphore, #tpu.memory_space<semaphore_mem>>) {add = true}
      %add3A_127 = arith.constant 0 : i32
      %add3A_128 = arith.addi %add3A_75, %add3A_127 : i32
      %dma_wait3A_129 = arith.constant 0 : i32
      %dma_wait3A_130 = arith.constant 0 : i32
      %dma_wait3A_131 = arith.constant 0 : i32
      %dma_wait3A_132 = tpu.memref_slice %arg10[%dma_wait3A_129, %dma_wait3A_130, %dma_wait3A_131] : memref<2x128x128xf32, #tpu.memory_space<vmem>> -> memref<1x128x128xf32, #tpu.memory_space<vmem>>
      %dma_wait3A_133 = tpu.memref_squeeze %dma_wait3A_132 : memref<1x128x128xf32, #tpu.memory_space<vmem>> -> memref<128x128xf32, #tpu.memory_space<vmem>>
      %dma_wait3A_134 = arith.constant 0 : i32
      %dma_wait3A_135 = tpu.memref_slice %arg9[%add3A_128, %dma_wait3A_134] : memref<40x128xi32, #tpu.memory_space<vmem>> -> memref<1x128xi32, #tpu.memory_space<vmem>>
      %dma_wait3A_136 = tpu.memref_squeeze %dma_wait3A_135 : memref<1x128xi32, #tpu.memory_space<vmem>> -> memref<128xi32, #tpu.memory_space<vmem>>
      %dma_wait3A_137 = arith.constant 0 : i32
      %dma_wait3A_138 = arith.constant 0 : i32
      %dma_wait3A_139 = tpu.memref_slice %arg11[%dma_wait3A_137, %dma_wait3A_138] : memref<10240x128xf32, #tpu.memory_space<vmem_shared>> -> memref<10240x128xf32, #tpu.memory_space<vmem_shared>>
      tpu.wait_indirect_dma semaphore(%arg14 : memref<!tpu.dma_semaphore, #tpu.memory_space<semaphore_mem>>) src(%dma_wait3A_133 : memref<128x128xf32, #tpu.memory_space<vmem>>) dst(%dma_wait3A_139 : memref<10240x128xf32, #tpu.memory_space<vmem_shared>>)
      %add3A_140 = arith.constant 0 : i32
      %add3A_141 = arith.addi %add3A_75, %add3A_140 : i32
      %add3A_142 = arith.constant 2 : i32
      %add3A_143 = arith.addi %add3A_141, %add3A_142 : i32
      %lt3A = arith.constant 40 : i32
      %lt3A_144 = arith.cmpi slt, %add3A_143, %lt3A : i32
      %convert_element_type3A = arith.extui %lt3A_144 : i1 to i32
      %cond3A = arith.constant 0 : i32
      %cond3A_145 = arith.cmpi ne, %convert_element_type3A, %cond3A : i32
      scf.if %cond3A_145 {
        %dma_start3A_168 = arith.constant 0 : i32
        %dma_start3A_169 = arith.constant 0 : i32
        %dma_start3A_170 = arith.constant 0 : i32
        %dma_start3A_171 = tpu.memref_slice %arg10[%dma_start3A_168, %dma_start3A_169, %dma_start3A_170] : memref<2x128x128xf32, #tpu.memory_space<vmem>> -> memref<1x128x128xf32, #tpu.memory_space<vmem>>
        %dma_start3A_172 = tpu.memref_squeeze %dma_start3A_171 : memref<1x128x128xf32, #tpu.memory_space<vmem>> -> memref<128x128xf32, #tpu.memory_space<vmem>>
        %dma_start3A_173 = arith.constant 0 : i32
        %dma_start3A_174 = tpu.memref_slice %arg8[%add3A_143, %dma_start3A_173] : memref<40x128xi32, #tpu.memory_space<vmem>> -> memref<1x128xi32, #tpu.memory_space<vmem>>
        %dma_start3A_175 = tpu.memref_squeeze %dma_start3A_174 : memref<1x128xi32, #tpu.memory_space<vmem>> -> memref<128xi32, #tpu.memory_space<vmem>>
        %dma_start3A_176 = arith.constant 0 : i32
        %dma_start3A_177 = arith.constant 0 : i32
        %dma_start3A_178 = tpu.memref_slice %arg2[%dma_start3A_176, %dma_start3A_177] : memref<10240x128xf32, #tpu.memory_space<hbm>> -> memref<10240x128xf32, #tpu.memory_space<hbm>>
        tpu.enqueue_indirect_dma source(%dma_start3A_178 : memref<10240x128xf32, #tpu.memory_space<hbm>>) target(%dma_start3A_172 : memref<128x128xf32, #tpu.memory_space<vmem>>) offsets(%dma_start3A_175 : memref<128xi32, #tpu.memory_space<vmem>>) semaphore(%arg12 : memref<!tpu.dma_semaphore, #tpu.memory_space<semaphore_mem>>)
      } else {
      }
      %add3A_146 = arith.constant 1 : i32
      %add3A_147 = arith.addi %add3A_75, %add3A_146 : i32
      %dma_wait3A_148 = arith.constant 1 : i32
      %dma_wait3A_149 = arith.constant 0 : i32
      %dma_wait3A_150 = arith.constant 0 : i32
      %dma_wait3A_151 = tpu.memref_slice %arg10[%dma_wait3A_148, %dma_wait3A_149, %dma_wait3A_150] : memref<2x128x128xf32, #tpu.memory_space<vmem>> -> memref<1x128x128xf32, #tpu.memory_space<vmem>>
      %dma_wait3A_152 = tpu.memref_squeeze %dma_wait3A_151 : memref<1x128x128xf32, #tpu.memory_space<vmem>> -> memref<128x128xf32, #tpu.memory_space<vmem>>
      %dma_wait3A_153 = arith.constant 0 : i32
      %dma_wait3A_154 = tpu.memref_slice %arg9[%add3A_147, %dma_wait3A_153] : memref<40x128xi32, #tpu.memory_space<vmem>> -> memref<1x128xi32, #tpu.memory_space<vmem>>
      %dma_wait3A_155 = tpu.memref_squeeze %dma_wait3A_154 : memref<1x128xi32, #tpu.memory_space<vmem>> -> memref<128xi32, #tpu.memory_space<vmem>>
      %dma_wait3A_156 = arith.constant 0 : i32
      %dma_wait3A_157 = arith.constant 0 : i32
      %dma_wait3A_158 = tpu.memref_slice %arg11[%dma_wait3A_156, %dma_wait3A_157] : memref<10240x128xf32, #tpu.memory_space<vmem_shared>> -> memref<10240x128xf32, #tpu.memory_space<vmem_shared>>
      tpu.wait_indirect_dma semaphore(%arg15 : memref<!tpu.dma_semaphore, #tpu.memory_space<semaphore_mem>>) src(%dma_wait3A_152 : memref<128x128xf32, #tpu.memory_space<vmem>>) dst(%dma_wait3A_158 : memref<10240x128xf32, #tpu.memory_space<vmem_shared>>)
      %add3A_159 = arith.constant 1 : i32
      %add3A_160 = arith.addi %add3A_75, %add3A_159 : i32
      %add3A_161 = arith.constant 2 : i32
      %add3A_162 = arith.addi %add3A_160, %add3A_161 : i32
      %lt3A_163 = arith.constant 40 : i32
      %lt3A_164 = arith.cmpi slt, %add3A_162, %lt3A_163 : i32
      %convert_element_type3A_165 = arith.extui %lt3A_164 : i1 to i32
      %cond3A_166 = arith.constant 0 : i32
      %cond3A_167 = arith.cmpi ne, %convert_element_type3A_165, %cond3A_166 : i32
      scf.if %cond3A_167 {
        %dma_start3A_168 = arith.constant 1 : i32
        %dma_start3A_169 = arith.constant 0 : i32
        %dma_start3A_170 = arith.constant 0 : i32
        %dma_start3A_171 = tpu.memref_slice %arg10[%dma_start3A_168, %dma_start3A_169, %dma_start3A_170] : memref<2x128x128xf32, #tpu.memory_space<vmem>> -> memref<1x128x128xf32, #tpu.memory_space<vmem>>
        %dma_start3A_172 = tpu.memref_squeeze %dma_start3A_171 : memref<1x128x128xf32, #tpu.memory_space<vmem>> -> memref<128x128xf32, #tpu.memory_space<vmem>>
        %dma_start3A_173 = arith.constant 0 : i32
        %dma_start3A_174 = tpu.memref_slice %arg8[%add3A_162, %dma_start3A_173] : memref<40x128xi32, #tpu.memory_space<vmem>> -> memref<1x128xi32, #tpu.memory_space<vmem>>
        %dma_start3A_175 = tpu.memref_squeeze %dma_start3A_174 : memref<1x128xi32, #tpu.memory_space<vmem>> -> memref<128xi32, #tpu.memory_space<vmem>>
        %dma_start3A_176 = arith.constant 0 : i32
        %dma_start3A_177 = arith.constant 0 : i32
        %dma_start3A_178 = tpu.memref_slice %arg2[%dma_start3A_176, %dma_start3A_177] : memref<10240x128xf32, #tpu.memory_space<hbm>> -> memref<10240x128xf32, #tpu.memory_space<hbm>>
        tpu.enqueue_indirect_dma source(%dma_start3A_178 : memref<10240x128xf32, #tpu.memory_space<hbm>>) target(%dma_start3A_172 : memref<128x128xf32, #tpu.memory_space<vmem>>) offsets(%dma_start3A_175 : memref<128xi32, #tpu.memory_space<vmem>>) semaphore(%arg13 : memref<!tpu.dma_semaphore, #tpu.memory_space<semaphore_mem>>)
      } else {
      }
    }
    %scan3A_33 = arith.constant 20 : i32
    %mul3A_34 = arith.constant 80 : i32
    %mul3A_35 = arith.muli %add3A, %mul3A_34 : i32
    %add3A_36 = arith.constant 40 : i32
    %add3A_37 = arith.addi %mul3A_35, %add3A_36 : i32
    "tpu.region"() ({
      %run_scoped3A = tpu.sem_alloc : memref<!tpu.dma_semaphore, #tpu.memory_space<semaphore_mem>>
      %dma_start3A_71 = arith.constant 0 : i32
      %dma_start3A_72 = tpu.memref_slice %arg3[%add3A_37, %dma_start3A_71] : memref<2560x128xi32, #tpu.memory_space<hbm>> -> memref<40x128xi32, #tpu.memory_space<hbm>>
      %dma_start3A_73 = arith.constant 0 : i32
      %dma_start3A_74 = tpu.memref_slice %arg3[%add3A_37, %dma_start3A_73] : memref<2560x128xi32, #tpu.memory_space<hbm>> -> memref<40x128xi32, #tpu.memory_space<hbm>>
      tpu.enqueue_dma source(%dma_start3A_74 : memref<40x128xi32, #tpu.memory_space<hbm>>) target(%arg8 : memref<40x128xi32, #tpu.memory_space<vmem>>) target_semaphore(%run_scoped3A : memref<!tpu.dma_semaphore, #tpu.memory_space<semaphore_mem>>)
      %dma_wait3A = arith.constant 0 : i32
      %dma_wait3A_75 = tpu.memref_slice %arg3[%add3A_37, %dma_wait3A] : memref<2560x128xi32, #tpu.memory_space<hbm>> -> memref<40x128xi32, #tpu.memory_space<hbm>>
      %dma_wait3A_76 = arith.constant 0 : i32
      %dma_wait3A_77 = tpu.memref_slice %arg3[%add3A_37, %dma_wait3A_76] : memref<2560x128xi32, #tpu.memory_space<hbm>> -> memref<40x128xi32, #tpu.memory_space<hbm>>
      tpu.wait_dma2 semaphore(%run_scoped3A : memref<!tpu.dma_semaphore, #tpu.memory_space<semaphore_mem>>) src(%dma_wait3A_77 : memref<40x128xi32, #tpu.memory_space<hbm>>) dst(%arg8 : memref<40x128xi32, #tpu.memory_space<vmem>>)
      tpu.yield
    }) : () -> ()
    "tpu.region"() ({
      %run_scoped3A = tpu.sem_alloc : memref<!tpu.dma_semaphore, #tpu.memory_space<semaphore_mem>>
      %dma_start3A_71 = arith.constant 0 : i32
      %dma_start3A_72 = tpu.memref_slice %arg4[%add3A_37, %dma_start3A_71] : memref<2560x128xi32, #tpu.memory_space<hbm>> -> memref<40x128xi32, #tpu.memory_space<hbm>>
      %dma_start3A_73 = arith.constant 0 : i32
      %dma_start3A_74 = tpu.memref_slice %arg4[%add3A_37, %dma_start3A_73] : memref<2560x128xi32, #tpu.memory_space<hbm>> -> memref<40x128xi32, #tpu.memory_space<hbm>>
      tpu.enqueue_dma source(%dma_start3A_74 : memref<40x128xi32, #tpu.memory_space<hbm>>) target(%arg9 : memref<40x128xi32, #tpu.memory_space<vmem>>) target_semaphore(%run_scoped3A : memref<!tpu.dma_semaphore, #tpu.memory_space<semaphore_mem>>)
      %dma_wait3A = arith.constant 0 : i32
      %dma_wait3A_75 = tpu.memref_slice %arg4[%add3A_37, %dma_wait3A] : memref<2560x128xi32, #tpu.memory_space<hbm>> -> memref<40x128xi32, #tpu.memory_space<hbm>>
      %dma_wait3A_76 = arith.constant 0 : i32
      %dma_wait3A_77 = tpu.memref_slice %arg4[%add3A_37, %dma_wait3A_76] : memref<2560x128xi32, #tpu.memory_space<hbm>> -> memref<40x128xi32, #tpu.memory_space<hbm>>
      tpu.wait_dma2 semaphore(%run_scoped3A : memref<!tpu.dma_semaphore, #tpu.memory_space<semaphore_mem>>) src(%dma_wait3A_77 : memref<40x128xi32, #tpu.memory_space<hbm>>) dst(%arg9 : memref<40x128xi32, #tpu.memory_space<vmem>>)
      tpu.yield
    }) : () -> ()
    %dma_start3A_38 = arith.constant 0 : i32
    %dma_start3A_39 = arith.constant 0 : i32
    %dma_start3A_40 = arith.constant 0 : i32
    %dma_start3A_41 = arith.constant 0 : i32
    %dma_start3A_42 = tpu.memref_slice %arg10[%dma_start3A_39, %dma_start3A_40, %dma_start3A_41] : memref<2x128x128xf32, #tpu.memory_space<vmem>> -> memref<1x128x128xf32, #tpu.memory_space<vmem>>
    %dma_start3A_43 = tpu.memref_squeeze %dma_start3A_42 : memref<1x128x128xf32, #tpu.memory_space<vmem>> -> memref<128x128xf32, #tpu.memory_space<vmem>>
    %dma_start3A_44 = arith.constant 0 : i32
    %dma_start3A_45 = tpu.memref_slice %arg8[%dma_start3A_38, %dma_start3A_44] : memref<40x128xi32, #tpu.memory_space<vmem>> -> memref<1x128xi32, #tpu.memory_space<vmem>>
    %dma_start3A_46 = tpu.memref_squeeze %dma_start3A_45 : memref<1x128xi32, #tpu.memory_space<vmem>> -> memref<128xi32, #tpu.memory_space<vmem>>
    %dma_start3A_47 = arith.constant 0 : i32
    %dma_start3A_48 = arith.constant 0 : i32
    %dma_start3A_49 = tpu.memref_slice %arg2[%dma_start3A_47, %dma_start3A_48] : memref<10240x128xf32, #tpu.memory_space<hbm>> -> memref<10240x128xf32, #tpu.memory_space<hbm>>
    tpu.enqueue_indirect_dma source(%dma_start3A_49 : memref<10240x128xf32, #tpu.memory_space<hbm>>) target(%dma_start3A_43 : memref<128x128xf32, #tpu.memory_space<vmem>>) offsets(%dma_start3A_46 : memref<128xi32, #tpu.memory_space<vmem>>) semaphore(%arg12 : memref<!tpu.dma_semaphore, #tpu.memory_space<semaphore_mem>>)
    %dma_start3A_50 = arith.constant 1 : i32
    %dma_start3A_51 = arith.constant 1 : i32
    %dma_start3A_52 = arith.constant 0 : i32
    %dma_start3A_53 = arith.constant 0 : i32
    %dma_start3A_54 = tpu.memref_slice %arg10[%dma_start3A_51, %dma_start3A_52, %dma_start3A_53] : memref<2x128x128xf32, #tpu.memory_space<vmem>> -> memref<1x128x128xf32, #tpu.memory_space<vmem>>
    %dma_start3A_55 = tpu.memref_squeeze %dma_start3A_54 : memref<1x128x128xf32, #tpu.memory_space<vmem>> -> memref<128x128xf32, #tpu.memory_space<vmem>>
    %dma_start3A_56 = arith.constant 0 : i32
    %dma_start3A_57 = tpu.memref_slice %arg8[%dma_start3A_50, %dma_start3A_56] : memref<40x128xi32, #tpu.memory_space<vmem>> -> memref<1x128xi32, #tpu.memory_space<vmem>>
    %dma_start3A_58 = tpu.memref_squeeze %dma_start3A_57 : memref<1x128xi32, #tpu.memory_space<vmem>> -> memref<128xi32, #tpu.memory_space<vmem>>
    %dma_start3A_59 = arith.constant 0 : i32
    %dma_start3A_60 = arith.constant 0 : i32
    %dma_start3A_61 = tpu.memref_slice %arg2[%dma_start3A_59, %dma_start3A_60] : memref<10240x128xf32, #tpu.memory_space<hbm>> -> memref<10240x128xf32, #tpu.memory_space<hbm>>
    tpu.enqueue_indirect_dma source(%dma_start3A_61 : memref<10240x128xf32, #tpu.memory_space<hbm>>) target(%dma_start3A_55 : memref<128x128xf32, #tpu.memory_space<vmem>>) offsets(%dma_start3A_58 : memref<128xi32, #tpu.memory_space<vmem>>) semaphore(%arg13 : memref<!tpu.dma_semaphore, #tpu.memory_space<semaphore_mem>>)
    %scan3A_62 = arith.constant 0 : i32
    %scan3A_63 = arith.constant 20 : i32
    %scan3A_64 = arith.addi %scan3A_62, %scan3A_63 : i32
    %scan3A_65 = arith.constant 1 : i32
    scf.for %scan3A_71 = %scan3A_62 to %scan3A_64 step %scan3A_65  : i32 {
      %mul3A_72 = arith.constant 2 : i32
      %mul3A_73 = arith.muli %scan3A_71, %mul3A_72 : i32
      %add3A_74 = arith.constant 0 : i32
      %add3A_75 = arith.addi %add3A_74, %mul3A_73 : i32
      %add3A_76 = arith.constant 0 : i32
      %add3A_77 = arith.addi %add3A_75, %add3A_76 : i32
      %dma_wait3A = arith.constant 0 : i32
      %dma_wait3A_78 = arith.constant 0 : i32
      %dma_wait3A_79 = arith.constant 0 : i32
      %dma_wait3A_80 = tpu.memref_slice %arg10[%dma_wait3A, %dma_wait3A_78, %dma_wait3A_79] : memref<2x128x128xf32, #tpu.memory_space<vmem>> -> memref<1x128x128xf32, #tpu.memory_space<vmem>>
      %dma_wait3A_81 = tpu.memref_squeeze %dma_wait3A_80 : memref<1x128x128xf32, #tpu.memory_space<vmem>> -> memref<128x128xf32, #tpu.memory_space<vmem>>
      %dma_wait3A_82 = arith.constant 0 : i32
      %dma_wait3A_83 = tpu.memref_slice %arg8[%add3A_77, %dma_wait3A_82] : memref<40x128xi32, #tpu.memory_space<vmem>> -> memref<1x128xi32, #tpu.memory_space<vmem>>
      %dma_wait3A_84 = tpu.memref_squeeze %dma_wait3A_83 : memref<1x128xi32, #tpu.memory_space<vmem>> -> memref<128xi32, #tpu.memory_space<vmem>>
      %dma_wait3A_85 = arith.constant 0 : i32
      %dma_wait3A_86 = arith.constant 0 : i32
      %dma_wait3A_87 = tpu.memref_slice %arg2[%dma_wait3A_85, %dma_wait3A_86] : memref<10240x128xf32, #tpu.memory_space<hbm>> -> memref<10240x128xf32, #tpu.memory_space<hbm>>
      tpu.wait_indirect_dma semaphore(%arg12 : memref<!tpu.dma_semaphore, #tpu.memory_space<semaphore_mem>>) src(%dma_wait3A_87 : memref<10240x128xf32, #tpu.memory_space<hbm>>) dst(%dma_wait3A_81 : memref<128x128xf32, #tpu.memory_space<vmem>>)
      %add3A_88 = arith.constant 0 : i32
      %add3A_89 = arith.addi %add3A_75, %add3A_88 : i32
      %dma_start3A_90 = arith.constant 0 : i32
      %dma_start3A_91 = arith.constant 0 : i32
      %dma_start3A_92 = arith.constant 0 : i32
      %dma_start3A_93 = tpu.memref_slice %arg10[%dma_start3A_90, %dma_start3A_91, %dma_start3A_92] : memref<2x128x128xf32, #tpu.memory_space<vmem>> -> memref<1x128x128xf32, #tpu.memory_space<vmem>>
      %dma_start3A_94 = tpu.memref_squeeze %dma_start3A_93 : memref<1x128x128xf32, #tpu.memory_space<vmem>> -> memref<128x128xf32, #tpu.memory_space<vmem>>
      %dma_start3A_95 = arith.constant 0 : i32
      %dma_start3A_96 = tpu.memref_slice %arg9[%add3A_89, %dma_start3A_95] : memref<40x128xi32, #tpu.memory_space<vmem>> -> memref<1x128xi32, #tpu.memory_space<vmem>>
      %dma_start3A_97 = tpu.memref_squeeze %dma_start3A_96 : memref<1x128xi32, #tpu.memory_space<vmem>> -> memref<128xi32, #tpu.memory_space<vmem>>
      %dma_start3A_98 = arith.constant 0 : i32
      %dma_start3A_99 = arith.constant 0 : i32
      %dma_start3A_100 = tpu.memref_slice %arg11[%dma_start3A_98, %dma_start3A_99] : memref<10240x128xf32, #tpu.memory_space<vmem_shared>> -> memref<10240x128xf32, #tpu.memory_space<vmem_shared>>
      tpu.enqueue_indirect_dma source(%dma_start3A_94 : memref<128x128xf32, #tpu.memory_space<vmem>>) target(%dma_start3A_100 : memref<10240x128xf32, #tpu.memory_space<vmem_shared>>) offsets(%dma_start3A_97 : memref<128xi32, #tpu.memory_space<vmem>>) semaphore(%arg14 : memref<!tpu.dma_semaphore, #tpu.memory_space<semaphore_mem>>) {add = true}
      %add3A_101 = arith.constant 1 : i32
      %add3A_102 = arith.addi %add3A_75, %add3A_101 : i32
      %dma_wait3A_103 = arith.constant 1 : i32
      %dma_wait3A_104 = arith.constant 0 : i32
      %dma_wait3A_105 = arith.constant 0 : i32
      %dma_wait3A_106 = tpu.memref_slice %arg10[%dma_wait3A_103, %dma_wait3A_104, %dma_wait3A_105] : memref<2x128x128xf32, #tpu.memory_space<vmem>> -> memref<1x128x128xf32, #tpu.memory_space<vmem>>
      %dma_wait3A_107 = tpu.memref_squeeze %dma_wait3A_106 : memref<1x128x128xf32, #tpu.memory_space<vmem>> -> memref<128x128xf32, #tpu.memory_space<vmem>>
      %dma_wait3A_108 = arith.constant 0 : i32
      %dma_wait3A_109 = tpu.memref_slice %arg8[%add3A_102, %dma_wait3A_108] : memref<40x128xi32, #tpu.memory_space<vmem>> -> memref<1x128xi32, #tpu.memory_space<vmem>>
      %dma_wait3A_110 = tpu.memref_squeeze %dma_wait3A_109 : memref<1x128xi32, #tpu.memory_space<vmem>> -> memref<128xi32, #tpu.memory_space<vmem>>
      %dma_wait3A_111 = arith.constant 0 : i32
      %dma_wait3A_112 = arith.constant 0 : i32
      %dma_wait3A_113 = tpu.memref_slice %arg2[%dma_wait3A_111, %dma_wait3A_112] : memref<10240x128xf32, #tpu.memory_space<hbm>> -> memref<10240x128xf32, #tpu.memory_space<hbm>>
      tpu.wait_indirect_dma semaphore(%arg13 : memref<!tpu.dma_semaphore, #tpu.memory_space<semaphore_mem>>) src(%dma_wait3A_113 : memref<10240x128xf32, #tpu.memory_space<hbm>>) dst(%dma_wait3A_107 : memref<128x128xf32, #tpu.memory_space<vmem>>)
      %add3A_114 = arith.constant 1 : i32
      %add3A_115 = arith.addi %add3A_75, %add3A_114 : i32
      %dma_start3A_116 = arith.constant 1 : i32
      %dma_start3A_117 = arith.constant 0 : i32
      %dma_start3A_118 = arith.constant 0 : i32
      %dma_start3A_119 = tpu.memref_slice %arg10[%dma_start3A_116, %dma_start3A_117, %dma_start3A_118] : memref<2x128x128xf32, #tpu.memory_space<vmem>> -> memref<1x128x128xf32, #tpu.memory_space<vmem>>
      %dma_start3A_120 = tpu.memref_squeeze %dma_start3A_119 : memref<1x128x128xf32, #tpu.memory_space<vmem>> -> memref<128x128xf32, #tpu.memory_space<vmem>>
      %dma_start3A_121 = arith.constant 0 : i32
      %dma_start3A_122 = tpu.memref_slice %arg9[%add3A_115, %dma_start3A_121] : memref<40x128xi32, #tpu.memory_space<vmem>> -> memref<1x128xi32, #tpu.memory_space<vmem>>
      %dma_start3A_123 = tpu.memref_squeeze %dma_start3A_122 : memref<1x128xi32, #tpu.memory_space<vmem>> -> memref<128xi32, #tpu.memory_space<vmem>>
      %dma_start3A_124 = arith.constant 0 : i32
      %dma_start3A_125 = arith.constant 0 : i32
      %dma_start3A_126 = tpu.memref_slice %arg11[%dma_start3A_124, %dma_start3A_125] : memref<10240x128xf32, #tpu.memory_space<vmem_shared>> -> memref<10240x128xf32, #tpu.memory_space<vmem_shared>>
      tpu.enqueue_indirect_dma source(%dma_start3A_120 : memref<128x128xf32, #tpu.memory_space<vmem>>) target(%dma_start3A_126 : memref<10240x128xf32, #tpu.memory_space<vmem_shared>>) offsets(%dma_start3A_123 : memref<128xi32, #tpu.memory_space<vmem>>) semaphore(%arg15 : memref<!tpu.dma_semaphore, #tpu.memory_space<semaphore_mem>>) {add = true}
      %add3A_127 = arith.constant 0 : i32
      %add3A_128 = arith.addi %add3A_75, %add3A_127 : i32
      %dma_wait3A_129 = arith.constant 0 : i32
      %dma_wait3A_130 = arith.constant 0 : i32
      %dma_wait3A_131 = arith.constant 0 : i32
      %dma_wait3A_132 = tpu.memref_slice %arg10[%dma_wait3A_129, %dma_wait3A_130, %dma_wait3A_131] : memref<2x128x128xf32, #tpu.memory_space<vmem>> -> memref<1x128x128xf32, #tpu.memory_space<vmem>>
      %dma_wait3A_133 = tpu.memref_squeeze %dma_wait3A_132 : memref<1x128x128xf32, #tpu.memory_space<vmem>> -> memref<128x128xf32, #tpu.memory_space<vmem>>
      %dma_wait3A_134 = arith.constant 0 : i32
      %dma_wait3A_135 = tpu.memref_slice %arg9[%add3A_128, %dma_wait3A_134] : memref<40x128xi32, #tpu.memory_space<vmem>> -> memref<1x128xi32, #tpu.memory_space<vmem>>
      %dma_wait3A_136 = tpu.memref_squeeze %dma_wait3A_135 : memref<1x128xi32, #tpu.memory_space<vmem>> -> memref<128xi32, #tpu.memory_space<vmem>>
      %dma_wait3A_137 = arith.constant 0 : i32
      %dma_wait3A_138 = arith.constant 0 : i32
      %dma_wait3A_139 = tpu.memref_slice %arg11[%dma_wait3A_137, %dma_wait3A_138] : memref<10240x128xf32, #tpu.memory_space<vmem_shared>> -> memref<10240x128xf32, #tpu.memory_space<vmem_shared>>
      tpu.wait_indirect_dma semaphore(%arg14 : memref<!tpu.dma_semaphore, #tpu.memory_space<semaphore_mem>>) src(%dma_wait3A_133 : memref<128x128xf32, #tpu.memory_space<vmem>>) dst(%dma_wait3A_139 : memref<10240x128xf32, #tpu.memory_space<vmem_shared>>)
      %add3A_140 = arith.constant 0 : i32
      %add3A_141 = arith.addi %add3A_75, %add3A_140 : i32
      %add3A_142 = arith.constant 2 : i32
      %add3A_143 = arith.addi %add3A_141, %add3A_142 : i32
      %lt3A = arith.constant 40 : i32
      %lt3A_144 = arith.cmpi slt, %add3A_143, %lt3A : i32
      %convert_element_type3A = arith.extui %lt3A_144 : i1 to i32
      %cond3A = arith.constant 0 : i32
      %cond3A_145 = arith.cmpi ne, %convert_element_type3A, %cond3A : i32
      scf.if %cond3A_145 {
        %dma_start3A_168 = arith.constant 0 : i32
        %dma_start3A_169 = arith.constant 0 : i32
        %dma_start3A_170 = arith.constant 0 : i32
        %dma_start3A_171 = tpu.memref_slice %arg10[%dma_start3A_168, %dma_start3A_169, %dma_start3A_170] : memref<2x128x128xf32, #tpu.memory_space<vmem>> -> memref<1x128x128xf32, #tpu.memory_space<vmem>>
        %dma_start3A_172 = tpu.memref_squeeze %dma_start3A_171 : memref<1x128x128xf32, #tpu.memory_space<vmem>> -> memref<128x128xf32, #tpu.memory_space<vmem>>
        %dma_start3A_173 = arith.constant 0 : i32
        %dma_start3A_174 = tpu.memref_slice %arg8[%add3A_143, %dma_start3A_173] : memref<40x128xi32, #tpu.memory_space<vmem>> -> memref<1x128xi32, #tpu.memory_space<vmem>>
        %dma_start3A_175 = tpu.memref_squeeze %dma_start3A_174 : memref<1x128xi32, #tpu.memory_space<vmem>> -> memref<128xi32, #tpu.memory_space<vmem>>
        %dma_start3A_176 = arith.constant 0 : i32
        %dma_start3A_177 = arith.constant 0 : i32
        %dma_start3A_178 = tpu.memref_slice %arg2[%dma_start3A_176, %dma_start3A_177] : memref<10240x128xf32, #tpu.memory_space<hbm>> -> memref<10240x128xf32, #tpu.memory_space<hbm>>
        tpu.enqueue_indirect_dma source(%dma_start3A_178 : memref<10240x128xf32, #tpu.memory_space<hbm>>) target(%dma_start3A_172 : memref<128x128xf32, #tpu.memory_space<vmem>>) offsets(%dma_start3A_175 : memref<128xi32, #tpu.memory_space<vmem>>) semaphore(%arg12 : memref<!tpu.dma_semaphore, #tpu.memory_space<semaphore_mem>>)
      } else {
      }
      %add3A_146 = arith.constant 1 : i32
      %add3A_147 = arith.addi %add3A_75, %add3A_146 : i32
      %dma_wait3A_148 = arith.constant 1 : i32
      %dma_wait3A_149 = arith.constant 0 : i32
      %dma_wait3A_150 = arith.constant 0 : i32
      %dma_wait3A_151 = tpu.memref_slice %arg10[%dma_wait3A_148, %dma_wait3A_149, %dma_wait3A_150] : memref<2x128x128xf32, #tpu.memory_space<vmem>> -> memref<1x128x128xf32, #tpu.memory_space<vmem>>
      %dma_wait3A_152 = tpu.memref_squeeze %dma_wait3A_151 : memref<1x128x128xf32, #tpu.memory_space<vmem>> -> memref<128x128xf32, #tpu.memory_space<vmem>>
      %dma_wait3A_153 = arith.constant 0 : i32
      %dma_wait3A_154 = tpu.memref_slice %arg9[%add3A_147, %dma_wait3A_153] : memref<40x128xi32, #tpu.memory_space<vmem>> -> memref<1x128xi32, #tpu.memory_space<vmem>>
      %dma_wait3A_155 = tpu.memref_squeeze %dma_wait3A_154 : memref<1x128xi32, #tpu.memory_space<vmem>> -> memref<128xi32, #tpu.memory_space<vmem>>
      %dma_wait3A_156 = arith.constant 0 : i32
      %dma_wait3A_157 = arith.constant 0 : i32
      %dma_wait3A_158 = tpu.memref_slice %arg11[%dma_wait3A_156, %dma_wait3A_157] : memref<10240x128xf32, #tpu.memory_space<vmem_shared>> -> memref<10240x128xf32, #tpu.memory_space<vmem_shared>>
      tpu.wait_indirect_dma semaphore(%arg15 : memref<!tpu.dma_semaphore, #tpu.memory_space<semaphore_mem>>) src(%dma_wait3A_152 : memref<128x128xf32, #tpu.memory_space<vmem>>) dst(%dma_wait3A_158 : memref<10240x128xf32, #tpu.memory_space<vmem_shared>>)
      %add3A_159 = arith.constant 1 : i32
      %add3A_160 = arith.addi %add3A_75, %add3A_159 : i32
      %add3A_161 = arith.constant 2 : i32
      %add3A_162 = arith.addi %add3A_160, %add3A_161 : i32
      %lt3A_163 = arith.constant 40 : i32
      %lt3A_164 = arith.cmpi slt, %add3A_162, %lt3A_163 : i32
      %convert_element_type3A_165 = arith.extui %lt3A_164 : i1 to i32
      %cond3A_166 = arith.constant 0 : i32
      %cond3A_167 = arith.cmpi ne, %convert_element_type3A_165, %cond3A_166 : i32
      scf.if %cond3A_167 {
        %dma_start3A_168 = arith.constant 1 : i32
        %dma_start3A_169 = arith.constant 0 : i32
        %dma_start3A_170 = arith.constant 0 : i32
        %dma_start3A_171 = tpu.memref_slice %arg10[%dma_start3A_168, %dma_start3A_169, %dma_start3A_170] : memref<2x128x128xf32, #tpu.memory_space<vmem>> -> memref<1x128x128xf32, #tpu.memory_space<vmem>>
        %dma_start3A_172 = tpu.memref_squeeze %dma_start3A_171 : memref<1x128x128xf32, #tpu.memory_space<vmem>> -> memref<128x128xf32, #tpu.memory_space<vmem>>
        %dma_start3A_173 = arith.constant 0 : i32
        %dma_start3A_174 = tpu.memref_slice %arg8[%add3A_162, %dma_start3A_173] : memref<40x128xi32, #tpu.memory_space<vmem>> -> memref<1x128xi32, #tpu.memory_space<vmem>>
        %dma_start3A_175 = tpu.memref_squeeze %dma_start3A_174 : memref<1x128xi32, #tpu.memory_space<vmem>> -> memref<128xi32, #tpu.memory_space<vmem>>
        %dma_start3A_176 = arith.constant 0 : i32
        %dma_start3A_177 = arith.constant 0 : i32
        %dma_start3A_178 = tpu.memref_slice %arg2[%dma_start3A_176, %dma_start3A_177] : memref<10240x128xf32, #tpu.memory_space<hbm>> -> memref<10240x128xf32, #tpu.memory_space<hbm>>
        tpu.enqueue_indirect_dma source(%dma_start3A_178 : memref<10240x128xf32, #tpu.memory_space<hbm>>) target(%dma_start3A_172 : memref<128x128xf32, #tpu.memory_space<vmem>>) offsets(%dma_start3A_175 : memref<128xi32, #tpu.memory_space<vmem>>) semaphore(%arg13 : memref<!tpu.dma_semaphore, #tpu.memory_space<semaphore_mem>>)
      } else {
      }
    }
    %scan3A_66 = arith.constant 20 : i32
    %barrier3A_67 = arith.constant 0 : index
    tpu.barrier barrier_id(%barrier3A_67)
    %mul3A_68 = arith.constant 10240 : i32
    %mul3A_69 = arith.muli %arg0, %mul3A_68 : i32
    %add3A_70 = arith.addi %mul3A_69, %mul3A_2 : i32
    "tpu.region"() ({
      %run_scoped3A = tpu.sem_alloc : memref<!tpu.dma_semaphore, #tpu.memory_space<semaphore_mem>>
      %dma_start3A_71 = arith.constant 0 : i32
      %dma_start3A_72 = tpu.memref_slice %arg7[%add3A_70, %dma_start3A_71] : memref<20480x128xf32, #tpu.memory_space<hbm>> -> memref<640x128xf32, #tpu.memory_space<hbm>>
      %dma_start3A_73 = arith.constant 0 : i32
      %dma_start3A_74 = tpu.memref_slice %arg11[%mul3A_2, %dma_start3A_73] : memref<10240x128xf32, #tpu.memory_space<vmem_shared>> -> memref<640x128xf32, #tpu.memory_space<vmem_shared>>
      tpu.enqueue_dma source(%dma_start3A_74 : memref<640x128xf32, #tpu.memory_space<vmem_shared>>) target(%dma_start3A_72 : memref<640x128xf32, #tpu.memory_space<hbm>>) target_semaphore(%run_scoped3A : memref<!tpu.dma_semaphore, #tpu.memory_space<semaphore_mem>>)
      %dma_wait3A = arith.constant 0 : i32
      %dma_wait3A_75 = tpu.memref_slice %arg7[%add3A_70, %dma_wait3A] : memref<20480x128xf32, #tpu.memory_space<hbm>> -> memref<640x128xf32, #tpu.memory_space<hbm>>
      %dma_wait3A_76 = arith.constant 0 : i32
      %dma_wait3A_77 = tpu.memref_slice %arg11[%mul3A_2, %dma_wait3A_76] : memref<10240x128xf32, #tpu.memory_space<vmem_shared>> -> memref<640x128xf32, #tpu.memory_space<vmem_shared>>
      tpu.wait_dma2 semaphore(%run_scoped3A : memref<!tpu.dma_semaphore, #tpu.memory_space<semaphore_mem>>) src(%dma_wait3A_77 : memref<640x128xf32, #tpu.memory_space<vmem_shared>>) dst(%dma_wait3A_75 : memref<640x128xf32, #tpu.memory_space<hbm>>)
      tpu.yield
    }) : () -> ()
    return
  }
}

module attributes {stable_mosaic.version = 14 : i64} {
  func.func @_pre_body(%arg0: i32, %arg1: memref<2048x128xf32, #tpu.memory_space<vmem>>, %arg2: memref<128x128xf32, #tpu.memory_space<vmem>>, %arg3: memref<1x128xf32, #tpu.memory_space<vmem>>, %arg4: memref<128x128xf32, #tpu.memory_space<vmem>>, %arg5: memref<2048x128xf32, #tpu.memory_space<vmem>>, %arg6: memref<2048x128xf32, #tpu.memory_space<vmem>>) attributes {dimension_semantics = [#tpu.dimension_semantics<arbitrary>], iteration_bounds = array<i64: 5>, scalar_prefetch = 0 : i64, scratch_operands = 0 : i64, tpu.core_type = #tpu.core_type<tc>, window_params = [{transform_indices = @transform_0, window_bounds = array<i64: 2048, 128>}, {pipeline_mode = #tpu.pipeline_mode<synchronous>, transform_indices = @transform_1, window_bounds = array<i64: 128, 128>}, {pipeline_mode = #tpu.pipeline_mode<synchronous>, transform_indices = @transform_2, window_bounds = array<i64: 1, 128>}, {pipeline_mode = #tpu.pipeline_mode<synchronous>, transform_indices = @transform_3, window_bounds = array<i64: 128, 128>}, {transform_indices = @transform_4, window_bounds = array<i64: 2048, 128>}, {transform_indices = @transform_5, window_bounds = array<i64: 2048, 128>}]} {
    %get3A = arith.constant 0 : index
    %get3A_0 = arith.constant 0 : index
    %get3A_1 = vector.load %arg1[%get3A, %get3A_0] : memref<2048x128xf32, #tpu.memory_space<vmem>>, vector<2048x128xf32>
    %get3A_2 = arith.constant 0 : index
    %get3A_3 = arith.constant 0 : index
    %get3A_4 = vector.load %arg2[%get3A_2, %get3A_3] : memref<128x128xf32, #tpu.memory_space<vmem>>, vector<128x128xf32>
    %dot_general3A = arith.constant dense<0.000000e+00> : vector<2048x128xf32>
    %dot_general3A_5 = tpu.matmul %get3A_1, %get3A_4, %dot_general3A {dimension_numbers = #tpu.dot_dimension_numbers<[1], [1], [0], [0], [0, 0, 1, 0], [], []>, transpose_lhs_hint = false} : vector<2048x128xf32>, vector<128x128xf32>, vector<2048x128xf32> -> vector<2048x128xf32>
    %get3A_6 = arith.constant 0 : index
    %get3A_7 = arith.constant 0 : index
    %get3A_8 = vector.load %arg3[%get3A_6, %get3A_7] : memref<1x128xf32, #tpu.memory_space<vmem>>, vector<1x128xf32>
    %add3A = vector.broadcast %get3A_8 : vector<1x128xf32> to vector<2048x128xf32>
    %add3A_9 = arith.addf %dot_general3A_5, %add3A : vector<2048x128xf32>
    %swap3A = arith.constant 0 : index
    %swap3A_10 = arith.constant 0 : index
    %swap3A_11 = vector.load %arg5[%swap3A, %swap3A_10] : memref<2048x128xf32, #tpu.memory_space<vmem>>, vector<2048x128xf32>
    tpu.vector_store %arg5[%swap3A, %swap3A_10], %add3A_9 {strides = array<i32>} : memref<2048x128xf32, #tpu.memory_space<vmem>>, vector<2048x128xf32>,
    %get3A_12 = arith.constant 0 : index
    %get3A_13 = arith.constant 0 : index
    %get3A_14 = vector.load %arg4[%get3A_12, %get3A_13] : memref<128x128xf32, #tpu.memory_space<vmem>>, vector<128x128xf32>
    %dot_general3A_15 = arith.constant dense<0.000000e+00> : vector<2048x128xf32>
    %dot_general3A_16 = tpu.matmul %add3A_9, %get3A_14, %dot_general3A_15 {dimension_numbers = #tpu.dot_dimension_numbers<[1], [1], [0], [0], [0, 0, 1, 0], [], []>, transpose_lhs_hint = false} : vector<2048x128xf32>, vector<128x128xf32>, vector<2048x128xf32> -> vector<2048x128xf32>
    %swap3A_17 = arith.constant 0 : index
    %swap3A_18 = arith.constant 0 : index
    %swap3A_19 = vector.load %arg6[%swap3A_17, %swap3A_18] : memref<2048x128xf32, #tpu.memory_space<vmem>>, vector<2048x128xf32>
    tpu.vector_store %arg6[%swap3A_17, %swap3A_18], %dot_general3A_16 {strides = array<i32>} : memref<2048x128xf32, #tpu.memory_space<vmem>>, vector<2048x128xf32>,
    return
  }
  func.func @transform_0(%arg0: i32) -> (i32, i32) {
    %c0_i32 = arith.constant 0 : i32
    %c0_i32_0 = arith.constant 0 : i32
    return %arg0, %c0_i32 : i32, i32
  }
  func.func @transform_1(%arg0: i32) -> (i32, i32) {
    %c0_i32 = arith.constant 0 : i32
    %c0_i32_0 = arith.constant 0 : i32
    %c0_i32_1 = arith.constant 0 : i32
    return %c0_i32, %c0_i32_0 : i32, i32
  }
  func.func @transform_2(%arg0: i32) -> (i32, i32) {
    %c0_i32 = arith.constant 0 : i32
    %c0_i32_0 = arith.constant 0 : i32
    %c0_i32_1 = arith.constant 0 : i32
    return %c0_i32, %c0_i32_0 : i32, i32
  }
  func.func @transform_3(%arg0: i32) -> (i32, i32) {
    %c0_i32 = arith.constant 0 : i32
    %c0_i32_0 = arith.constant 0 : i32
    %c0_i32_1 = arith.constant 0 : i32
    return %c0_i32, %c0_i32_0 : i32, i32
  }
  func.func @transform_4(%arg0: i32) -> (i32, i32) {
    %c0_i32 = arith.constant 0 : i32
    %c0_i32_0 = arith.constant 0 : i32
    return %arg0, %c0_i32 : i32, i32
  }
  func.func @transform_5(%arg0: i32) -> (i32, i32) {
    %c0_i32 = arith.constant 0 : i32
    %c0_i32_0 = arith.constant 0 : i32
    return %arg0, %c0_i32 : i32, i32
  }
}

module attributes {stable_mosaic.version = 14 : i64} {
  func.func @_comb_body(%arg0: i32, %arg1: memref<2048x128xf32, #tpu.memory_space<vmem>>, %arg2: memref<2048x128xf32, #tpu.memory_space<vmem>>, %arg3: memref<2048x1xf32, #tpu.memory_space<vmem>>, %arg4: memref<2048x128xf32, #tpu.memory_space<vmem>>, %arg5: memref<128x128xf32, #tpu.memory_space<vmem>>, %arg6: memref<1x128xf32, #tpu.memory_space<vmem>>, %arg7: memref<128x128xf32, #tpu.memory_space<vmem>>, %arg8: memref<1x128xf32, #tpu.memory_space<vmem>>, %arg9: memref<128x128xf32, #tpu.memory_space<vmem>>, %arg10: memref<2048x128xf32, #tpu.memory_space<vmem>>, %arg11: memref<2048x128xf32, #tpu.memory_space<vmem>>) attributes {dimension_semantics = [#tpu.dimension_semantics<arbitrary>], iteration_bounds = array<i64: 5>, scalar_prefetch = 0 : i64, scratch_operands = 0 : i64, tpu.core_type = #tpu.core_type<tc>, window_params = [{transform_indices = @transform_0, window_bounds = array<i64: 2048, 128>}, {transform_indices = @transform_1, window_bounds = array<i64: 2048, 128>}, {transform_indices = @transform_2, window_bounds = array<i64: 2048, 1>}, {transform_indices = @transform_3, window_bounds = array<i64: 2048, 128>}, {pipeline_mode = #tpu.pipeline_mode<synchronous>, transform_indices = @transform_4, window_bounds = array<i64: 128, 128>}, {pipeline_mode = #tpu.pipeline_mode<synchronous>, transform_indices = @transform_5, window_bounds = array<i64: 1, 128>}, {pipeline_mode = #tpu.pipeline_mode<synchronous>, transform_indices = @transform_6, window_bounds = array<i64: 128, 128>}, {pipeline_mode = #tpu.pipeline_mode<synchronous>, transform_indices = @transform_7, window_bounds = array<i64: 1, 128>}, {pipeline_mode = #tpu.pipeline_mode<synchronous>, transform_indices = @transform_8, window_bounds = array<i64: 128, 128>}, {transform_indices = @transform_9, window_bounds = array<i64: 2048, 128>}, {transform_indices = @transform_10, window_bounds = array<i64: 2048, 128>}]} {
    %get3A = arith.constant 0 : index
    %get3A_0 = arith.constant 0 : index
    %get3A_1 = vector.load %arg1[%get3A, %get3A_0] : memref<2048x128xf32, #tpu.memory_space<vmem>>, vector<2048x128xf32>
    %get3A_2 = arith.constant 0 : index
    %get3A_3 = arith.constant 0 : index
    %get3A_4 = vector.load %arg2[%get3A_2, %get3A_3] : memref<2048x128xf32, #tpu.memory_space<vmem>>, vector<2048x128xf32>
    %add3A = arith.addf %get3A_1, %get3A_4 : vector<2048x128xf32>
    %get3A_5 = arith.constant 0 : index
    %get3A_6 = arith.constant 0 : index
    %get3A_7 = vector.load %arg3[%get3A_5, %get3A_6] : memref<2048x1xf32, #tpu.memory_space<vmem>>, vector<2048x1xf32>
    %mul3A = vector.broadcast %get3A_7 : vector<2048x1xf32> to vector<2048x128xf32>
    %mul3A_8 = arith.mulf %add3A, %mul3A : vector<2048x128xf32>
    %get3A_9 = arith.constant 0 : index
    %get3A_10 = arith.constant 0 : index
    %get3A_11 = vector.load %arg5[%get3A_9, %get3A_10] : memref<128x128xf32, #tpu.memory_space<vmem>>, vector<128x128xf32>
    %dot_general3A = arith.constant dense<0.000000e+00> : vector<2048x128xf32>
    %dot_general3A_12 = tpu.matmul %mul3A_8, %get3A_11, %dot_general3A {dimension_numbers = #tpu.dot_dimension_numbers<[1], [1], [0], [0], [0, 0, 1, 0], [], []>, transpose_lhs_hint = false} : vector<2048x128xf32>, vector<128x128xf32>, vector<2048x128xf32> -> vector<2048x128xf32>
    %get3A_13 = arith.constant 0 : index
    %get3A_14 = arith.constant 0 : index
    %get3A_15 = vector.load %arg6[%get3A_13, %get3A_14] : memref<1x128xf32, #tpu.memory_space<vmem>>, vector<1x128xf32>
    %add3A_16 = vector.broadcast %get3A_15 : vector<1x128xf32> to vector<2048x128xf32>
    %add3A_17 = arith.addf %dot_general3A_12, %add3A_16 : vector<2048x128xf32>
    %get3A_18 = arith.constant 0 : index
    %get3A_19 = arith.constant 0 : index
    %get3A_20 = vector.load %arg4[%get3A_18, %get3A_19] : memref<2048x128xf32, #tpu.memory_space<vmem>>, vector<2048x128xf32>
    %add3A_21 = arith.addf %add3A_17, %get3A_20 : vector<2048x128xf32>
    %max3A = arith.constant 0.000000e+00 : f32
    %max3A_22 = vector.broadcast %max3A : f32 to vector<2048x128xf32>
    %max3A_23 = arith.maximumf %add3A_21, %max3A_22 : vector<2048x128xf32>
    %get3A_24 = arith.constant 0 : index
    %get3A_25 = arith.constant 0 : index
    %get3A_26 = vector.load %arg7[%get3A_24, %get3A_25] : memref<128x128xf32, #tpu.memory_space<vmem>>, vector<128x128xf32>
    %dot_general3A_27 = arith.constant dense<0.000000e+00> : vector<2048x128xf32>
    %dot_general3A_28 = tpu.matmul %max3A_23, %get3A_26, %dot_general3A_27 {dimension_numbers = #tpu.dot_dimension_numbers<[1], [1], [0], [0], [0, 0, 1, 0], [], []>, transpose_lhs_hint = false} : vector<2048x128xf32>, vector<128x128xf32>, vector<2048x128xf32> -> vector<2048x128xf32>
    %get3A_29 = arith.constant 0 : index
    %get3A_30 = arith.constant 0 : index
    %get3A_31 = vector.load %arg8[%get3A_29, %get3A_30] : memref<1x128xf32, #tpu.memory_space<vmem>>, vector<1x128xf32>
    %add3A_32 = vector.broadcast %get3A_31 : vector<1x128xf32> to vector<2048x128xf32>
    %add3A_33 = arith.addf %dot_general3A_28, %add3A_32 : vector<2048x128xf32>
    %gt3A = arith.constant 0.000000e+00 : f32
    %gt3A_34 = vector.broadcast %gt3A : f32 to vector<2048x128xf32>
    %gt3A_35 = arith.cmpf ogt, %add3A_33, %gt3A_34 : vector<2048x128xf32>
    %mul3A_36 = arith.constant 0.00999999977 : f32
    %mul3A_37 = vector.broadcast %mul3A_36 : f32 to vector<2048x128xf32>
    %mul3A_38 = arith.mulf %mul3A_37, %add3A_33 : vector<2048x128xf32>
    %select_n3A = arith.select %gt3A_35, %add3A_33, %mul3A_38 : vector<2048x128xi1>, vector<2048x128xf32>
    %swap3A = arith.constant 0 : index
    %swap3A_39 = arith.constant 0 : index
    %swap3A_40 = vector.load %arg10[%swap3A, %swap3A_39] : memref<2048x128xf32, #tpu.memory_space<vmem>>, vector<2048x128xf32>
    tpu.vector_store %arg10[%swap3A, %swap3A_39], %select_n3A {strides = array<i32>} : memref<2048x128xf32, #tpu.memory_space<vmem>>, vector<2048x128xf32>,
    %get3A_41 = arith.constant 0 : index
    %get3A_42 = arith.constant 0 : index
    %get3A_43 = vector.load %arg9[%get3A_41, %get3A_42] : memref<128x128xf32, #tpu.memory_space<vmem>>, vector<128x128xf32>
    %dot_general3A_44 = arith.constant dense<0.000000e+00> : vector<2048x128xf32>
    %dot_general3A_45 = tpu.matmul %select_n3A, %get3A_43, %dot_general3A_44 {dimension_numbers = #tpu.dot_dimension_numbers<[1], [1], [0], [0], [0, 0, 1, 0], [], []>, transpose_lhs_hint = false} : vector<2048x128xf32>, vector<128x128xf32>, vector<2048x128xf32> -> vector<2048x128xf32>
    %swap3A_46 = arith.constant 0 : index
    %swap3A_47 = arith.constant 0 : index
    %swap3A_48 = vector.load %arg11[%swap3A_46, %swap3A_47] : memref<2048x128xf32, #tpu.memory_space<vmem>>, vector<2048x128xf32>
    tpu.vector_store %arg11[%swap3A_46, %swap3A_47], %dot_general3A_45 {strides = array<i32>} : memref<2048x128xf32, #tpu.memory_space<vmem>>, vector<2048x128xf32>,
    return
  }
  func.func @transform_0(%arg0: i32) -> (i32, i32) {
    %c0_i32 = arith.constant 0 : i32
    %c0_i32_0 = arith.constant 0 : i32
    return %arg0, %c0_i32 : i32, i32
  }
  func.func @transform_1(%arg0: i32) -> (i32, i32) {
    %add3A = arith.constant 5 : i32
    %add3A_0 = arith.addi %add3A, %arg0 : i32
    %c0_i32 = arith.constant 0 : i32
    %c0_i32_1 = arith.constant 0 : i32
    return %add3A_0, %c0_i32 : i32, i32
  }
  func.func @transform_2(%arg0: i32) -> (i32, i32) {
    %c0_i32 = arith.constant 0 : i32
    %c0_i32_0 = arith.constant 0 : i32
    return %arg0, %c0_i32 : i32, i32
  }
  func.func @transform_3(%arg0: i32) -> (i32, i32) {
    %c0_i32 = arith.constant 0 : i32
    %c0_i32_0 = arith.constant 0 : i32
    return %arg0, %c0_i32 : i32, i32
  }
  func.func @transform_4(%arg0: i32) -> (i32, i32) {
    %c0_i32 = arith.constant 0 : i32
    %c0_i32_0 = arith.constant 0 : i32
    %c0_i32_1 = arith.constant 0 : i32
    return %c0_i32, %c0_i32_0 : i32, i32
  }
  func.func @transform_5(%arg0: i32) -> (i32, i32) {
    %c0_i32 = arith.constant 0 : i32
    %c0_i32_0 = arith.constant 0 : i32
    %c0_i32_1 = arith.constant 0 : i32
    return %c0_i32, %c0_i32_0 : i32, i32
  }
  func.func @transform_6(%arg0: i32) -> (i32, i32) {
    %c0_i32 = arith.constant 0 : i32
    %c0_i32_0 = arith.constant 0 : i32
    %c0_i32_1 = arith.constant 0 : i32
    return %c0_i32, %c0_i32_0 : i32, i32
  }
  func.func @transform_7(%arg0: i32) -> (i32, i32) {
    %c0_i32 = arith.constant 0 : i32
    %c0_i32_0 = arith.constant 0 : i32
    %c0_i32_1 = arith.constant 0 : i32
    return %c0_i32, %c0_i32_0 : i32, i32
  }
  func.func @transform_8(%arg0: i32) -> (i32, i32) {
    %c0_i32 = arith.constant 0 : i32
    %c0_i32_0 = arith.constant 0 : i32
    %c0_i32_1 = arith.constant 0 : i32
    return %c0_i32, %c0_i32_0 : i32, i32
  }
  func.func @transform_9(%arg0: i32) -> (i32, i32) {
    %c0_i32 = arith.constant 0 : i32
    %c0_i32_0 = arith.constant 0 : i32
    return %arg0, %c0_i32 : i32, i32
  }
  func.func @transform_10(%arg0: i32) -> (i32, i32) {
    %c0_i32 = arith.constant 0 : i32
    %c0_i32_0 = arith.constant 0 : i32
    return %arg0, %c0_i32 : i32, i32
  }
}

module attributes {stable_mosaic.version = 14 : i64} {
  func.func @_l3_body(%arg0: i32, %arg1: memref<2048x128xf32, #tpu.memory_space<vmem>>, %arg2: memref<2048x128xf32, #tpu.memory_space<vmem>>, %arg3: memref<2048x1xf32, #tpu.memory_space<vmem>>, %arg4: memref<2048x128xf32, #tpu.memory_space<vmem>>, %arg5: memref<1x1x2048xi32, #tpu.memory_space<vmem>>, %arg6: memref<128x128xf32, #tpu.memory_space<vmem>>, %arg7: memref<1x128xf32, #tpu.memory_space<vmem>>, %arg8: memref<128x128xf32, #tpu.memory_space<vmem>>, %arg9: memref<1x128xf32, #tpu.memory_space<vmem>>, %arg10: memref<128x128xf32, #tpu.memory_space<vmem>>, %arg11: memref<1x128xf32, #tpu.memory_space<vmem>>, %arg12: memref<1x128xf32, #tpu.memory_space<vmem>>, %arg13: memref<1x128xf32, #tpu.memory_space<vmem>>, %arg14: memref<1x128xf32, #tpu.memory_space<vmem>>, %arg15: memref<1x128xf32, #tpu.memory_space<vmem>>, %arg16: memref<1x128xf32, #tpu.memory_space<vmem>>, %arg17: memref<1x1xf32, #tpu.memory_space<vmem>>, %arg18: memref<64x1xf32, #tpu.memory_space<vmem>>, %arg19: memref<64x128xf32, #tpu.memory_space<vmem>>, %arg20: memref<64x1xf32, #tpu.memory_space<vmem>>) attributes {dimension_semantics = [#tpu.dimension_semantics<arbitrary>], iteration_bounds = array<i64: 5>, scalar_prefetch = 0 : i64, scratch_operands = 2 : i64, tpu.core_type = #tpu.core_type<tc>, window_params = [{transform_indices = @transform_0, window_bounds = array<i64: 2048, 128>}, {transform_indices = @transform_1, window_bounds = array<i64: 2048, 128>}, {transform_indices = @transform_2, window_bounds = array<i64: 2048, 1>}, {transform_indices = @transform_3, window_bounds = array<i64: 2048, 128>}, {transform_indices = @transform_4, window_bounds = array<i64: 1, 1, 2048>}, {pipeline_mode = #tpu.pipeline_mode<synchronous>, transform_indices = @transform_5, window_bounds = array<i64: 128, 128>}, {pipeline_mode = #tpu.pipeline_mode<synchronous>, transform_indices = @transform_6, window_bounds = array<i64: 1, 128>}, {pipeline_mode = #tpu.pipeline_mode<synchronous>, transform_indices = @transform_7, window_bounds = array<i64: 128, 128>}, {pipeline_mode = #tpu.pipeline_mode<synchronous>, transform_indices = @transform_8, window_bounds = array<i64: 1, 128>}, {pipeline_mode = #tpu.pipeline_mode<synchronous>, transform_indices = @transform_9, window_bounds = array<i64: 128, 128>}, {pipeline_mode = #tpu.pipeline_mode<synchronous>, transform_indices = @transform_10, window_bounds = array<i64: 1, 128>}, {pipeline_mode = #tpu.pipeline_mode<synchronous>, transform_indices = @transform_11, window_bounds = array<i64: 1, 128>}, {pipeline_mode = #tpu.pipeline_mode<synchronous>, transform_indices = @transform_12, window_bounds = array<i64: 1, 128>}, {pipeline_mode = #tpu.pipeline_mode<synchronous>, transform_indices = @transform_13, window_bounds = array<i64: 1, 128>}, {pipeline_mode = #tpu.pipeline_mode<synchronous>, transform_indices = @transform_14, window_bounds = array<i64: 1, 128>}, {pipeline_mode = #tpu.pipeline_mode<synchronous>, transform_indices = @transform_15, window_bounds = array<i64: 1, 128>}, {pipeline_mode = #tpu.pipeline_mode<synchronous>, transform_indices = @transform_16, window_bounds = array<i64: 1, 1>}, {pipeline_mode = #tpu.pipeline_mode<synchronous>, transform_indices = @transform_17, window_bounds = array<i64: 64, 1>}]} {
    %eq3A = arith.constant 0 : i32
    %eq3A_0 = arith.cmpi eq, %arg0, %eq3A : i32
    %convert_element_type3A = arith.extui %eq3A_0 : i1 to i32
    %cond3A = arith.constant 0 : i32
    %cond3A_1 = arith.cmpi ne, %convert_element_type3A, %cond3A : i32
    scf.if %cond3A_1 {
      %broadcast_in_dim3A_72 = arith.constant 0.000000e+00 : f32
      %broadcast_in_dim3A_73 = vector.broadcast %broadcast_in_dim3A_72 : f32 to vector<64x128xf32>
      %swap3A_74 = arith.constant 0 : index
      %swap3A_75 = arith.constant 0 : index
      %swap3A_76 = vector.load %arg19[%swap3A_74, %swap3A_75] : memref<64x128xf32, #tpu.memory_space<vmem>>, vector<64x128xf32>
      tpu.vector_store %arg19[%swap3A_74, %swap3A_75], %broadcast_in_dim3A_73 {strides = array<i32>} : memref<64x128xf32, #tpu.memory_space<vmem>>, vector<64x128xf32>,
      %broadcast_in_dim3A_77 = arith.constant 0.000000e+00 : f32
      %broadcast_in_dim3A_78 = vector.broadcast %broadcast_in_dim3A_77 : f32 to vector<64x1xf32>
      %swap3A_79 = arith.constant 0 : index
      %swap3A_80 = arith.constant 0 : index
      %swap3A_81 = vector.load %arg20[%swap3A_79, %swap3A_80] : memref<64x1xf32, #tpu.memory_space<vmem>>, vector<64x1xf32>
      tpu.vector_store %arg20[%swap3A_79, %swap3A_80], %broadcast_in_dim3A_78 {strides = array<i32>} : memref<64x1xf32, #tpu.memory_space<vmem>>, vector<64x1xf32>,
    } else {
    }
    %get3A = arith.constant 0 : index
    %get3A_2 = arith.constant 0 : index
    %get3A_3 = vector.load %arg1[%get3A, %get3A_2] : memref<2048x128xf32, #tpu.memory_space<vmem>>, vector<2048x128xf32>
    %get3A_4 = arith.constant 0 : index
    %get3A_5 = arith.constant 0 : index
    %get3A_6 = vector.load %arg2[%get3A_4, %get3A_5] : memref<2048x128xf32, #tpu.memory_space<vmem>>, vector<2048x128xf32>
    %add3A = arith.addf %get3A_3, %get3A_6 : vector<2048x128xf32>
    %get3A_7 = arith.constant 0 : index
    %get3A_8 = arith.constant 0 : index
    %get3A_9 = vector.load %arg3[%get3A_7, %get3A_8] : memref<2048x1xf32, #tpu.memory_space<vmem>>, vector<2048x1xf32>
    %mul3A = vector.broadcast %get3A_9 : vector<2048x1xf32> to vector<2048x128xf32>
    %mul3A_10 = arith.mulf %add3A, %mul3A : vector<2048x128xf32>
    %get3A_11 = arith.constant 0 : index
    %get3A_12 = arith.constant 0 : index
    %get3A_13 = vector.load %arg6[%get3A_11, %get3A_12] : memref<128x128xf32, #tpu.memory_space<vmem>>, vector<128x128xf32>
    %dot_general3A = arith.constant dense<0.000000e+00> : vector<2048x128xf32>
    %dot_general3A_14 = tpu.matmul %mul3A_10, %get3A_13, %dot_general3A {dimension_numbers = #tpu.dot_dimension_numbers<[1], [1], [0], [0], [0, 0, 1, 0], [], []>, transpose_lhs_hint = false} : vector<2048x128xf32>, vector<128x128xf32>, vector<2048x128xf32> -> vector<2048x128xf32>
    %get3A_15 = arith.constant 0 : index
    %get3A_16 = arith.constant 0 : index
    %get3A_17 = vector.load %arg7[%get3A_15, %get3A_16] : memref<1x128xf32, #tpu.memory_space<vmem>>, vector<1x128xf32>
    %add3A_18 = vector.broadcast %get3A_17 : vector<1x128xf32> to vector<2048x128xf32>
    %add3A_19 = arith.addf %dot_general3A_14, %add3A_18 : vector<2048x128xf32>
    %get3A_20 = arith.constant 0 : index
    %get3A_21 = arith.constant 0 : index
    %get3A_22 = vector.load %arg4[%get3A_20, %get3A_21] : memref<2048x128xf32, #tpu.memory_space<vmem>>, vector<2048x128xf32>
    %add3A_23 = arith.addf %add3A_19, %get3A_22 : vector<2048x128xf32>
    %max3A = arith.constant 0.000000e+00 : f32
    %max3A_24 = vector.broadcast %max3A : f32 to vector<2048x128xf32>
    %max3A_25 = arith.maximumf %add3A_23, %max3A_24 : vector<2048x128xf32>
    %get3A_26 = arith.constant 0 : index
    %get3A_27 = arith.constant 0 : index
    %get3A_28 = vector.load %arg8[%get3A_26, %get3A_27] : memref<128x128xf32, #tpu.memory_space<vmem>>, vector<128x128xf32>
    %dot_general3A_29 = arith.constant dense<0.000000e+00> : vector<2048x128xf32>
    %dot_general3A_30 = tpu.matmul %max3A_25, %get3A_28, %dot_general3A_29 {dimension_numbers = #tpu.dot_dimension_numbers<[1], [1], [0], [0], [0, 0, 1, 0], [], []>, transpose_lhs_hint = false} : vector<2048x128xf32>, vector<128x128xf32>, vector<2048x128xf32> -> vector<2048x128xf32>
    %get3A_31 = arith.constant 0 : index
    %get3A_32 = arith.constant 0 : index
    %get3A_33 = vector.load %arg9[%get3A_31, %get3A_32] : memref<1x128xf32, #tpu.memory_space<vmem>>, vector<1x128xf32>
    %add3A_34 = vector.broadcast %get3A_33 : vector<1x128xf32> to vector<2048x128xf32>
    %add3A_35 = arith.addf %dot_general3A_30, %add3A_34 : vector<2048x128xf32>
    %gt3A = arith.constant 0.000000e+00 : f32
    %gt3A_36 = vector.broadcast %gt3A : f32 to vector<2048x128xf32>
    %gt3A_37 = arith.cmpf ogt, %add3A_35, %gt3A_36 : vector<2048x128xf32>
    %mul3A_38 = arith.constant 0.00999999977 : f32
    %mul3A_39 = vector.broadcast %mul3A_38 : f32 to vector<2048x128xf32>
    %mul3A_40 = arith.mulf %mul3A_39, %add3A_35 : vector<2048x128xf32>
    %select_n3A = arith.select %gt3A_37, %add3A_35, %mul3A_40 : vector<2048x128xi1>, vector<2048x128xf32>
    %get3A_41 = arith.constant 0 : index
    %get3A_42 = arith.constant 0 : index
    %get3A_43 = arith.constant 0 : index
    %get3A_44 = vector.load %arg5[%get3A_41, %get3A_42, %get3A_43] : memref<1x1x2048xi32, #tpu.memory_space<vmem>>, vector<1x1x2048xi32>
    %get3A_45 = vector.shape_cast %get3A_44 : vector<1x1x2048xi32> to vector<1x2048xi32>
    %iota3A = tpu.iota {dimensions = array<i32: 0>} : vector<64x1xi32>
    %eq3A_46 = vector.broadcast %get3A_45 : vector<1x2048xi32> to vector<64x2048xi32>
    %eq3A_47 = vector.broadcast %iota3A : vector<64x1xi32> to vector<64x2048xi32>
    %eq3A_48 = arith.cmpi eq, %eq3A_46, %eq3A_47 : vector<64x2048xi32>
    %convert_element_type3A_49 = arith.extui %eq3A_48 : vector<64x2048xi1> to vector<64x2048xi32>
    %convert_element_type3A_50 = arith.sitofp %convert_element_type3A_49 : vector<64x2048xi32> to vector<64x2048xf32>
    %get3A_51 = arith.constant 0 : index
    %get3A_52 = arith.constant 0 : index
    %get3A_53 = vector.load %arg19[%get3A_51, %get3A_52] : memref<64x128xf32, #tpu.memory_space<vmem>>, vector<64x128xf32>
    %dot_general3A_54 = arith.constant dense<0.000000e+00> : vector<64x128xf32>
    %dot_general3A_55 = tpu.matmul %convert_element_type3A_50, %select_n3A, %dot_general3A_54 {dimension_numbers = #tpu.dot_dimension_numbers<[1], [0], [0], [1], [0, 0, 1, 1], [], []>, precision = #tpu.contract_precision<fp32>, transpose_lhs_hint = false} : vector<64x2048xf32>, vector<2048x128xf32>, vector<64x128xf32> -> vector<64x128xf32>
    %add3A_56 = arith.addf %get3A_53, %dot_general3A_55 : vector<64x128xf32>
    %swap3A = arith.constant 0 : index
    %swap3A_57 = arith.constant 0 : index
    %swap3A_58 = vector.load %arg19[%swap3A, %swap3A_57] : memref<64x128xf32, #tpu.memory_space<vmem>>, vector<64x128xf32>
    tpu.vector_store %arg19[%swap3A, %swap3A_57], %add3A_56 {strides = array<i32>} : memref<64x128xf32, #tpu.memory_space<vmem>>, vector<64x128xf32>,
    %get3A_59 = arith.constant 0 : index
    %get3A_60 = arith.constant 0 : index
    %get3A_61 = vector.load %arg20[%get3A_59, %get3A_60] : memref<64x1xf32, #tpu.memory_space<vmem>>, vector<64x1xf32>
    %reduce_sum3A = arith.constant dense<0.000000e+00> : vector<64xf32>
    %reduce_sum3A_62 = vector.multi_reduction <add>, %convert_element_type3A_50, %reduce_sum3A [1] : vector<64x2048xf32> to vector<64xf32>
    %broadcast_in_dim3A = vector.shape_cast %reduce_sum3A_62 : vector<64xf32> to vector<64x1xf32>
    %add3A_63 = arith.addf %get3A_61, %broadcast_in_dim3A : vector<64x1xf32>
    %swap3A_64 = arith.constant 0 : index
    %swap3A_65 = arith.constant 0 : index
    %swap3A_66 = vector.load %arg20[%swap3A_64, %swap3A_65] : memref<64x1xf32, #tpu.memory_space<vmem>>, vector<64x1xf32>
    tpu.vector_store %arg20[%swap3A_64, %swap3A_65], %add3A_63 {strides = array<i32>} : memref<64x1xf32, #tpu.memory_space<vmem>>, vector<64x1xf32>,
    %eq3A_67 = arith.constant 4 : i32
    %eq3A_68 = arith.cmpi eq, %arg0, %eq3A_67 : i32
    %convert_element_type3A_69 = arith.extui %eq3A_68 : i1 to i32
    %cond3A_70 = arith.constant 0 : i32
    %cond3A_71 = arith.cmpi ne, %convert_element_type3A_69, %cond3A_70 : i32
    scf.if %cond3A_71 {
      %get3A_72 = arith.constant 0 : index
      %get3A_73 = arith.constant 0 : index
      %get3A_74 = vector.load %arg19[%get3A_72, %get3A_73] : memref<64x128xf32, #tpu.memory_space<vmem>>, vector<64x128xf32>
      %get3A_75 = arith.constant 0 : index
      %get3A_76 = arith.constant 0 : index
      %get3A_77 = vector.load %arg20[%get3A_75, %get3A_76] : memref<64x1xf32, #tpu.memory_space<vmem>>, vector<64x1xf32>
      %max3A_78 = arith.constant 1.000000e+00 : f32
      %max3A_79 = vector.broadcast %max3A_78 : f32 to vector<64x1xf32>
      %max3A_80 = arith.maximumf %get3A_77, %max3A_79 : vector<64x1xf32>
      %div3A = vector.broadcast %max3A_80 : vector<64x1xf32> to vector<64x128xf32>
      %div3A_81 = arith.divf %get3A_74, %div3A : vector<64x128xf32>
      %get3A_82 = arith.constant 0 : index
      %get3A_83 = arith.constant 0 : index
      %get3A_84 = vector.load %arg10[%get3A_82, %get3A_83] : memref<128x128xf32, #tpu.memory_space<vmem>>, vector<128x128xf32>
      %dot_general3A_85 = arith.constant dense<0.000000e+00> : vector<64x128xf32>
      %dot_general3A_86 = tpu.matmul %div3A_81, %get3A_84, %dot_general3A_85 {dimension_numbers = #tpu.dot_dimension_numbers<[1], [1], [0], [0], [0, 0, 1, 0], [], []>, transpose_lhs_hint = false} : vector<64x128xf32>, vector<128x128xf32>, vector<64x128xf32> -> vector<64x128xf32>
      %get3A_87 = arith.constant 0 : index
      %get3A_88 = arith.constant 0 : index
      %get3A_89 = vector.load %arg11[%get3A_87, %get3A_88] : memref<1x128xf32, #tpu.memory_space<vmem>>, vector<1x128xf32>
      %add3A_90 = vector.broadcast %get3A_89 : vector<1x128xf32> to vector<64x128xf32>
      %add3A_91 = arith.addf %dot_general3A_86, %add3A_90 : vector<64x128xf32>
      %get3A_92 = arith.constant 0 : index
      %get3A_93 = arith.constant 0 : index
      %get3A_94 = vector.load %arg14[%get3A_92, %get3A_93] : memref<1x128xf32, #tpu.memory_space<vmem>>, vector<1x128xf32>
      %sub3A = vector.broadcast %get3A_94 : vector<1x128xf32> to vector<64x128xf32>
      %sub3A_95 = arith.subf %add3A_91, %sub3A : vector<64x128xf32>
      %get3A_96 = arith.constant 0 : index
      %get3A_97 = arith.constant 0 : index
      %get3A_98 = vector.load %arg15[%get3A_96, %get3A_97] : memref<1x128xf32, #tpu.memory_space<vmem>>, vector<1x128xf32>
      %add3A_99 = arith.constant 9.99999974E-6 : f32
      %add3A_100 = vector.broadcast %add3A_99 : f32 to vector<1x128xf32>
      %add3A_101 = arith.addf %get3A_98, %add3A_100 : vector<1x128xf32>
      %sqrt3A = math.sqrt %add3A_101 : vector<1x128xf32>
      %div3A_102 = vector.broadcast %sqrt3A : vector<1x128xf32> to vector<64x128xf32>
      %div3A_103 = arith.divf %sub3A_95, %div3A_102 : vector<64x128xf32>
      %get3A_104 = arith.constant 0 : index
      %get3A_105 = arith.constant 0 : index
      %get3A_106 = vector.load %arg12[%get3A_104, %get3A_105] : memref<1x128xf32, #tpu.memory_space<vmem>>, vector<1x128xf32>
      %mul3A_107 = vector.broadcast %get3A_106 : vector<1x128xf32> to vector<64x128xf32>
      %mul3A_108 = arith.mulf %div3A_103, %mul3A_107 : vector<64x128xf32>
      %get3A_109 = arith.constant 0 : index
      %get3A_110 = arith.constant 0 : index
      %get3A_111 = vector.load %arg13[%get3A_109, %get3A_110] : memref<1x128xf32, #tpu.memory_space<vmem>>, vector<1x128xf32>
      %add3A_112 = vector.broadcast %get3A_111 : vector<1x128xf32> to vector<64x128xf32>
      %add3A_113 = arith.addf %mul3A_108, %add3A_112 : vector<64x128xf32>
      %gt3A_114 = arith.constant 0.000000e+00 : f32
      %gt3A_115 = vector.broadcast %gt3A_114 : f32 to vector<64x128xf32>
      %gt3A_116 = arith.cmpf ogt, %add3A_113, %gt3A_115 : vector<64x128xf32>
      %mul3A_117 = arith.constant 0.00999999977 : f32
      %mul3A_118 = vector.broadcast %mul3A_117 : f32 to vector<64x128xf32>
      %mul3A_119 = arith.mulf %mul3A_118, %add3A_113 : vector<64x128xf32>
      %select_n3A_120 = arith.select %gt3A_116, %add3A_113, %mul3A_119 : vector<64x128xi1>, vector<64x128xf32>
      %get3A_121 = arith.constant 0 : index
      %get3A_122 = arith.constant 0 : index
      %get3A_123 = vector.load %arg16[%get3A_121, %get3A_122] : memref<1x128xf32, #tpu.memory_space<vmem>>, vector<1x128xf32>
      %mul3A_124 = vector.broadcast %get3A_123 : vector<1x128xf32> to vector<64x128xf32>
      %mul3A_125 = arith.mulf %select_n3A_120, %mul3A_124 : vector<64x128xf32>
      %reduce_sum3A_126 = arith.constant dense<0.000000e+00> : vector<64xf32>
      %reduce_sum3A_127 = vector.multi_reduction <add>, %mul3A_125, %reduce_sum3A_126 [1] : vector<64x128xf32> to vector<64xf32>
      %broadcast_in_dim3A_128 = vector.shape_cast %reduce_sum3A_127 : vector<64xf32> to vector<64x1xf32>
      %get3A_129 = arith.constant 0 : index
      %get3A_130 = arith.constant 0 : index
      %get3A_131 = vector.load %arg17[%get3A_129, %get3A_130] : memref<1x1xf32, #tpu.memory_space<vmem>>, vector<1x1xf32>
      %get3A_132 = vector.extract %get3A_131[0, 0] : f32 from vector<1x1xf32>
      %add3A_133 = vector.broadcast %get3A_132 : f32 to vector<64x1xf32>
      %add3A_134 = arith.addf %broadcast_in_dim3A_128, %add3A_133 : vector<64x1xf32>
      %max3A_135 = arith.constant 0.000000e+00 : f32
      %max3A_136 = vector.broadcast %max3A_135 : f32 to vector<64x1xf32>
      %max3A_137 = arith.maximumf %add3A_134, %max3A_136 : vector<64x1xf32>
      %swap3A_138 = arith.constant 0 : index
      %swap3A_139 = arith.constant 0 : index
      %swap3A_140 = vector.load %arg18[%swap3A_138, %swap3A_139] : memref<64x1xf32, #tpu.memory_space<vmem>>, vector<64x1xf32>
      tpu.vector_store %arg18[%swap3A_138, %swap3A_139], %max3A_137 {strides = array<i32>} : memref<64x1xf32, #tpu.memory_space<vmem>>, vector<64x1xf32>,
    } else {
    }
    return
  }
  func.func @transform_0(%arg0: i32) -> (i32, i32) {
    %c0_i32 = arith.constant 0 : i32
    %c0_i32_0 = arith.constant 0 : i32
    return %arg0, %c0_i32 : i32, i32
  }
  func.func @transform_1(%arg0: i32) -> (i32, i32) {
    %add3A = arith.constant 5 : i32
    %add3A_0 = arith.addi %add3A, %arg0 : i32
    %c0_i32 = arith.constant 0 : i32
    %c0_i32_1 = arith.constant 0 : i32
    return %add3A_0, %c0_i32 : i32, i32
  }
  func.func @transform_2(%arg0: i32) -> (i32, i32) {
    %c0_i32 = arith.constant 0 : i32
    %c0_i32_0 = arith.constant 0 : i32
    return %arg0, %c0_i32 : i32, i32
  }
  func.func @transform_3(%arg0: i32) -> (i32, i32) {
    %c0_i32 = arith.constant 0 : i32
    %c0_i32_0 = arith.constant 0 : i32
    return %arg0, %c0_i32 : i32, i32
  }
  func.func @transform_4(%arg0: i32) -> (i32, i32, i32) {
    %c0_i32 = arith.constant 0 : i32
    %c0_i32_0 = arith.constant 0 : i32
    %c0_i32_1 = arith.constant 0 : i32
    return %arg0, %c0_i32, %c0_i32_0 : i32, i32, i32
  }
  func.func @transform_5(%arg0: i32) -> (i32, i32) {
    %c0_i32 = arith.constant 0 : i32
    %c0_i32_0 = arith.constant 0 : i32
    %c0_i32_1 = arith.constant 0 : i32
    return %c0_i32, %c0_i32_0 : i32, i32
  }
  func.func @transform_6(%arg0: i32) -> (i32, i32) {
    %c0_i32 = arith.constant 0 : i32
    %c0_i32_0 = arith.constant 0 : i32
    %c0_i32_1 = arith.constant 0 : i32
    return %c0_i32, %c0_i32_0 : i32, i32
  }
  func.func @transform_7(%arg0: i32) -> (i32, i32) {
    %c0_i32 = arith.constant 0 : i32
    %c0_i32_0 = arith.constant 0 : i32
    %c0_i32_1 = arith.constant 0 : i32
    return %c0_i32, %c0_i32_0 : i32, i32
  }
  func.func @transform_8(%arg0: i32) -> (i32, i32) {
    %c0_i32 = arith.constant 0 : i32
    %c0_i32_0 = arith.constant 0 : i32
    %c0_i32_1 = arith.constant 0 : i32
    return %c0_i32, %c0_i32_0 : i32, i32
  }
  func.func @transform_9(%arg0: i32) -> (i32, i32) {
    %c0_i32 = arith.constant 0 : i32
    %c0_i32_0 = arith.constant 0 : i32
    %c0_i32_1 = arith.constant 0 : i32
    return %c0_i32, %c0_i32_0 : i32, i32
  }
  func.func @transform_10(%arg0: i32) -> (i32, i32) {
    %c0_i32 = arith.constant 0 : i32
    %c0_i32_0 = arith.constant 0 : i32
    %c0_i32_1 = arith.constant 0 : i32
    return %c0_i32, %c0_i32_0 : i32, i32
  }
  func.func @transform_11(%arg0: i32) -> (i32, i32) {
    %c0_i32 = arith.constant 0 : i32
    %c0_i32_0 = arith.constant 0 : i32
    %c0_i32_1 = arith.constant 0 : i32
    return %c0_i32, %c0_i32_0 : i32, i32
  }
  func.func @transform_12(%arg0: i32) -> (i32, i32) {
    %c0_i32 = arith.constant 0 : i32
    %c0_i32_0 = arith.constant 0 : i32
    %c0_i32_1 = arith.constant 0 : i32
    return %c0_i32, %c0_i32_0 : i32, i32
  }
  func.func @transform_13(%arg0: i32) -> (i32, i32) {
    %c0_i32 = arith.constant 0 : i32
    %c0_i32_0 = arith.constant 0 : i32
    %c0_i32_1 = arith.constant 0 : i32
    return %c0_i32, %c0_i32_0 : i32, i32
  }
  func.func @transform_14(%arg0: i32) -> (i32, i32) {
    %c0_i32 = arith.constant 0 : i32
    %c0_i32_0 = arith.constant 0 : i32
    %c0_i32_1 = arith.constant 0 : i32
    return %c0_i32, %c0_i32_0 : i32, i32
  }
  func.func @transform_15(%arg0: i32) -> (i32, i32) {
    %c0_i32 = arith.constant 0 : i32
    %c0_i32_0 = arith.constant 0 : i32
    %c0_i32_1 = arith.constant 0 : i32
    return %c0_i32, %c0_i32_0 : i32, i32
  }
  func.func @transform_16(%arg0: i32) -> (i32, i32) {
    %c0_i32 = arith.constant 0 : i32
    %c0_i32_0 = arith.constant 0 : i32
    %c0_i32_1 = arith.constant 0 : i32
    return %c0_i32, %c0_i32_0 : i32, i32
  }
  func.func @transform_17(%arg0: i32) -> (i32, i32) {
    %c0_i32 = arith.constant 0 : i32
    %c0_i32_0 = arith.constant 0 : i32
    %c0_i32_1 = arith.constant 0 : i32
    return %c0_i32, %c0_i32_0 : i32, i32
  }
}

</mosaic_0001>

<sc_bundles>
// kernel: kernel.10.cloned.1.call-start
scs
__scs_entry_jumppad:
0x0: {  	(pc) =	sbr.rel $0x88, $3  }
0x1: {  	(tag) =	ssettag $0x0;
	lr =	simm.s32 $0x1  }
0x2: {  	[smem:$0x3F85] =	sst lr;
	_ =	strace $0xD0000000  }
0x3: {  	_ = 	snop  }
0x4: {  	_ = 	snop  }
0x5: {  	_ = 	snop  }
0x6: {  	_ = 	snop  }
0x7: {  	_ = 	snop  }
__scs_overlays_trampoline_lowered:
0x8: {  	[smem:$0x3F94] =	sst s0  }
0x9: {  	[smem:$0x3F95] =	sst s1  }
0xa: {  	[smem:$0x3F96] =	sst s2  }
0xb: {  	[smem:$0x3F97] =	sst s3  }
0xc: {  	[smem:$0x3F98] =	sst s4  }
0xd: {  	[smem:$0x3F99] =	sst s5  }
0xe: {  	[smem:$0x3F9A] =	sst s6  }
0xf: {  	[smem:$0x3F9B] =	sst s7  }
0x10: {  	[smem:$0x3F9C] =	sst s8  }
0x11: {  	[smem:$0x3F9D] =	sst s9;
	s0 =	simm.s32 @!p0 $0x0  }
0x12: {  	s1 =	sld [smem:$0x3F83];
	s0 =	simm.s32 @p0 $0x1  }
0x13: {  	[smem:$0x3F9E] =	sst s0;
	s0 =	simm.s32 @!p1 $0x0  }
0x14: {  	s2 =	sld [smem:$0x3F82];
	s0 =	simm.s32 @p1 $0x1  }
0x15: {  	[smem:$0x3F9F] =	sst s0;
	s0 =	simm.s32 @!p2 $0x0  }
0x16: {  	s3 =	sld [smem:$0x3FDB];
	s0 =	simm.s32 @p2 $0x1  }
0x17: {  	s4 =	simm.s32 $0x1BF5;
	[smem:$0x3FA1] =	sst s0  }
0x18: {  	s0 =	sld [smem:$0x3F84];
	_ =	swait.ge [sflag:s4], $0x0  }
0x19: {  	s7 =	sld [smem:$0x3F85]  }
0x1a: {  	s8 =	sadd.s32 $0xFFFFE003, lr  }
0x1b: {  	s9 =	sadd.s32 $0xFFFFFEF7, lr;
	s5 =	simm.s32 $0xFFFFFFFF;
	p2 =	slt.u32 s8, $0xFFFFF086  }
0x1c: {  	p1 =	slt.u32 s9, $0xF7A;
	s5 =	simm.s32 @!p2 $0x0  }
0x1d: {  	s5 =	simm.s32 @p1 $0x1;
	p0 =	seq.s32 s7, s2  }
0x1e: {  	s7 =	smul.u32 @!p0 $0xF7A, s2;
	p2 =	seq.s32 @!p0 s5, $0x0  }
0x1f: {  	s9 =	smul.u32 $0xF7A, s1;
	s8 =	simm.s32 @!p0 $0x1BF5;
	p2 =	por !p2, p0  }
0x20: {  	[sflag:s8] =	ssyncset.s32 @!p0 $0xFFFFF086;
	s6 =	sadd.s32 @!p0 s3, s7;
	s7 =	simm.s32 @!p0 $0x108  }
0x21: {  	s3 =	sadd.s32 s3, s9;
	s6 =	sadd.s32 @!p0 $0x88, s6;
	s7 =	simm.s32 @p2 $0x1082  }
0x22: {  	[simem:s7], [sflag:s8] =	dma.local @!p0 [hbm:s6], $0xF7A  }
0x23: {  	s9 =	sor.u32 $0xD0000000, s2;
	s6 =	simm.s32 $0x108;
	_ =	swait.ge @!p0 [sflag:s8], $0x0  }
0x24: {  	s3 =	sadd.s32 $0x88, s3;
	s6 =	simm.s32 @!p1 $0x1082;
	[sflag:s4] =	ssyncset.s32 $0xFFFFF086  }
0x25: {  	[simem:s6], [sflag:s4] =	dma.local [hbm:s3], $0xF7A  }
0x26: {  	[smem:$0x3F85] =	sst s1;
	(tag) =	ssettag s2;
	_ =	strace s9  }
0x27: {  	s1 =	sld [smem:$0x3F95]  }
0x28: {  	s2 =	sld [smem:$0x3F96]  }
0x29: {  	s4 =	sld [smem:$0x3F98]  }
0x2a: {  	p0 =	seq.s32 s5, $0x0;
	s5 =	sld [smem:$0x3F99]  }
0x2b: {  	s6 =	sld [smem:$0x3F9A]  }
0x2c: {  	s7 =	sld [smem:$0x3F9B]  }
0x2d: {  	s3 =	simm.s32 $0x108;
	s8 =	sld [smem:$0x3F9C]  }
0x2e: {  	s3 =	simm.s32 @!p0 $0x1082;
	s9 =	sld [smem:$0x3F9D]  }
0x2f: {  	lr =	sadd.s32 s0, s3;
	s0 =	sld [smem:$0x3F94]  }
0x30: {  	s3 =	sld [smem:$0x3F97]  }
0x31: {  	[smem:$0x3FA0] =	sst s10  }
0x32: {  	s10 =	sld [smem:$0x3F9E];
	_ =	sdelay $0x3  }
0x33: {  	p0 =	seq.s32 s10, $0x1;
	s10 =	sld [smem:$0x3FA0];
	_ =	sdelay $0x3  }
0x34: {  	[smem:$0x3FA0] =	sst s10  }
0x35: {  	s10 =	sld [smem:$0x3F9F];
	_ =	sdelay $0x3  }
0x36: {  	p1 =	seq.s32 s10, $0x1;
	s10 =	sld [smem:$0x3FA0];
	_ =	sdelay $0x3  }
0x37: {  	[smem:$0x3FA0] =	sst s10  }
0x38: {  	s10 =	sld [smem:$0x3FA1]  }
0x39: {  	_ = 	snop;
	(pc) =	sbr.ind lr, $3  }
0x3a: {  	_ = 	snop  }
0x3b: {  	_ = 	snop  }
0x3c: {  	p2 =	seq.s32 s10, $0x1;
	s10 =	sld [smem:$0x3FA0]  }
0x3d: {  	_ =	shalt  }
0x3e: {  	_ =	shalt  }
0x3f: {  	_ =	shalt  }
0x40: {  	_ =	shalt  }
0x41: {  	_ =	shalt  }
0x42: {  	_ =	shalt  }
0x43: {  	_ =	shalt  }
0x44: {  	_ =	shalt  }
0x45: {  	_ =	shalt  }
0x46: {  	_ =	shalt  }
0x47: {  	_ =	shalt  }
0x48: {  	_ =	shalt  }
0x49: {  	_ =	shalt  }
0x4a: {  	_ =	shalt  }
0x4b: {  	_ =	shalt  }
0x4c: {  	_ =	shalt  }
0x4d: {  	_ =	shalt  }
0x4e: {  	_ =	shalt  }
0x4f: {  	_ =	shalt  }
0x50: {  	_ =	shalt  }
0x51: {  	_ =	shalt  }
0x52: {  	_ =	shalt  }
0x53: {  	_ =	shalt  }
0x54: {  	_ =	shalt  }
0x55: {  	_ =	shalt  }
0x56: {  	_ =	shalt  }
0x57: {  	_ =	shalt  }
0x58: {  	_ =	shalt  }
0x59: {  	_ =	shalt  }
0x5a: {  	_ =	shalt  }
0x5b: {  	_ =	shalt  }
0x5c: {  	_ =	shalt  }
0x5d: {  	_ =	shalt  }
0x5e: {  	_ =	shalt  }
0x5f: {  	_ =	shalt  }
0x60: {  	_ =	shalt  }
0x61: {  	_ =	shalt  }
0x62: {  	_ =	shalt  }
0x63: {  	_ =	shalt  }
0x64: {  	_ =	shalt  }
0x65: {  	_ =	shalt  }
0x66: {  	_ =	shalt  }
0x67: {  	_ =	shalt  }
0x68: {  	_ =	shalt  }
0x69: {  	_ =	shalt  }
0x6a: {  	_ =	shalt  }
0x6b: {  	_ =	shalt  }
0x6c: {  	_ =	shalt  }
0x6d: {  	_ =	shalt  }
0x6e: {  	_ =	shalt  }
0x6f: {  	_ =	shalt  }
0x70: {  	_ =	shalt  }
0x71: {  	_ =	shalt  }
0x72: {  	_ =	shalt  }
0x73: {  	_ =	shalt  }
0x74: {  	_ =	shalt  }
0x75: {  	_ =	shalt  }
0x76: {  	_ =	shalt  }
0x77: {  	_ =	shalt  }
0x78: {  	_ =	shalt  }
0x79: {  	_ =	shalt  }
0x7a: {  	_ =	shalt  }
0x7b: {  	_ =	shalt  }
0x7c: {  	_ =	shalt  }
0x7d: {  	_ =	shalt  }
0x7e: {  	_ =	shalt  }
0x7f: {  	_ =	shalt  }
0x80: {  	_ =	shalt  }
0x81: {  	_ =	shalt  }
0x82: {  	_ =	shalt  }
0x83: {  	_ =	shalt  }
0x84: {  	_ =	shalt  }
0x85: {  	_ =	shalt  }
0x86: {  	_ =	shalt  }
0x87: {  	_ =	shalt  }
.Lfunc_end0:
.L_simem_size_0:
called_computation_lowered:
.L_overlay_start_0:
0x88: {  	s2 =	sld [smem:$0x3FD9]  }
0x89: {  	s3 =	sld [smem:$0x3FFE];
	_ =	sdelay $0x1  }
0x8a: {  	s1 =	srdreg.scid  }
0x8b: {  	s0 =	sand.u32 $0x1, s1  }
0x8c: {  	s16 =	sshll.u32 s0, $0xA;
	s2 =	sadd.s32 s3, s2  }
0x8d: {  	s2 =	sadd.s32 s2, s16  }
0x8e: {  	[smem:$0x3FAC] =	sst s2  }
0x8f: {  	_ = 	snop  }
0x90: {  	(tm) =	ssettm $0x1  }
0x91: {  	s17 =	sld [smem:$0x3FFB];
	_ =	sdelay $0x3  }
0x92: {  	_ =	strace s17  }
0x93: {  	s2 =	sld [smem:$0x3FFC];
	_ =	sdelay $0x3  }
0x94: {  	_ =	strace s2  }
0x95: {  	s2 =	sld [smem:$0x3FFD];
	_ =	sdelay $0x3  }
0x96: {  	_ =	strace s2  }
0x97: {  	_ =	strace $0x8FFFFFFF  }
0x98: {  	s18 =	sld [smem:$0x3FDB];
	_ =	sdelay $0x1  }
0x99: {  	s19 =	simm.s32 $_scs_section_size  }
0x9a: {  	s4 =	simm.s32 $_size__tile_overlayer_lowered;
	s5 =	simm.s32 $_tile_overlayer_lowered  }
0x9b: {  	s22 =	simm.s32 $0x1BFF;
	s21 =	sshll.u32 s5, $0x1;
	s2 =	sadd.s32 s19, s18  }
0x9c: {  	s6 =	simm.s32 $0x0;
	s20 =	sshll.u32 s4, $0x1;
	s4 =	sadd.s32 s21, s2  }
0x9d: {  	[timem:s6], [sflag:s22] =	dma.local [hbm:s4], s20  }
0x9e: {  	_ =	swait.ge [sflag:s22], s20  }
0x9f: {  	s3 =	ssub.s32 $0x0, s20;
	[sflag:s22] =	ssyncset.done $0x0  }
0xa0: {  	[sflag:s22] =	ssyncadd.s32 s3;
	_ =	sdelay $0x1  }
0xa1: {  	s23 =	simm.s32 $0x1B8B  }
0xa2: {  	_ =	swait.ge [sflag:s23], $0x1  }
0xa3: {  	[sflag:s23] =	ssyncset.done $0x0  }
0xa4: {  	s25 =	simm.s32 $0x1B8E;
	s24 =	sld [smem:$0x3FFE];
	[sflag:s23] =	ssyncadd.s32 $0xFFFFFFFF  }
0xa5: {  	s26 =	simm.s32 $execute0_lowered;
	[smem:$0x3FD2] =	sst s25  }
0xa6: {  	s4 =	sshll.u32 s26, $0x1;
	_ =	strace $0x80000046;
	[dreg:$0x1] =	wrdreg $0xFFFFFFFF  }
0xa7: {  	s28 =	simm.s32 $_size_execute0_lowered;
	s2 =	sadd.s32 s2, s4;
	[dreg:$0x0] =	wrdreg $0x0  }
0xa8: {  	s4 =	sshll.u32 s28, $0x1;
	[dreg:$0x2] =	wrdreg s2  }
0xa9: {  	[dreg:$0x3] =	wrdreg s4  }
0xaa: {  	[dreg:$0x4] =	wrdreg $0xC0  }
0xab: {  	_ =	task [dreg:s6], $0x5FFFF  }
0xac: {  	[dreg:$0x1] =	wrdreg $0xFFFFFFFF  }
0xad: {  	[dreg:$0x0] =	wrdreg $0x60  }
0xae: {  	[dreg:$0x2] =	wrdreg s24  }
0xaf: {  	[dreg:$0x3] =	wrdreg $0x68000  }
0xb0: {  	[dreg:$0x4] =	wrdreg $0x9  }
0xb1: {  	_ =	task.clear_ibuf [dreg:s6], $0x5FFFF;
	_ =	strace $0x90000046  }
0xb2: {  	s29 =	simm.s32 $0x9;
	_ =	strace $0x80000048  }
0xb3: {  	_ =	swait.ge [sflag:s29], $0x1  }
0xb4: {  	[sflag:s29] =	ssyncadd.s32 $0xFFFFFFFF  }
0xb5: {  	_ =	strace $0x90000048  }
0xb6: {  	_ =	sfence  }
0xb7: {  	s30 =	sld [smem:$0x0];
	_ =	sdelay $0x2  }
0xb8: {  	s31 =	sshll.u32 s1, $0xD;
	s1 =	sshrl.u32 s1, $0x2  }
0xb9: {  	s3 =	sand.u32 $0x4000, s31;
	s1 =	sadd.s32 s1, s30  }
0xba: {  	s0 =	sor.u32 s3, s0;
	s1 =	sshll.u32 s1, $0x11  }
0xbb: {  	s0 =	sor.u32 s1, s0  }
0xbc: {  	s0 =	sadd.s32 $0x8F2B, s0  }
0xbd: {  	[sflag:s0] =	ssyncadd.remote.s32 $0x1  }
0xbe: {  	_ =	sfence.sel $0xFFFF  }
0xbf: {  	[dreg:$0x0] =	wrdreg $0xFFFFFFFF;
	(pc) =	sbr.abs _section_cstart, $3  }
0xc0: {  	[dreg:$0x1] =	wrdreg $0xFFFFFFFF  }
0xc1: {  	_ =	task.clear_ibuf [dreg:s6], $0x2FFFF;
	_ =	strace $0x9FFFFFFF  }
0xc2: {  	(tm) =	ssettm $0x7FFFFFFF  }
0xc3: {  	_ =	shalt  }
tec
execute0_lowered:
.L_overlay_start_1:
0x0: {  	(tag) =	ssettag $0x1  }
0x1: {  	s1 =	srdreg.scid;
	s6 =	rddreg [dreg:$0x0]  }
0x2: {  	s0 =	stileid.u32;
	s2 =	rddreg [dreg:$0x1]  }
0x3: {  	s3 =	simm.s32 $0x0;
	s13 =	simm.s32 $0x80;
	s14 =	simm.s32 $0x1  }
0x4: {  	s15 =	simm.s32 $0x2;
	s16 =	simm.s32 $0x0;
	s5 =	sand.u32 $0x1, s1  }
0x5: {  	s26 =	sshll.u32 s0, $0x1;
	s7 =	smul.u32 $0x2800, s0;
	[smem:$0x7FF] =	sst s3  }
0x6: {  	s10 =	smul.u32 $0x50000, s0;
	s31 =	sshll.u32 s0, $0x6;
	s1 =	sor.u32 s5, s26  }
0x7: {  	s8 =	smul.u32 $0x28000, s5;
	s28 =	ssub.s32 $0x2, s5;
	s5 =	sadd.s32 $0x1A400, s6  }
0x8: {  	s4 =	smul.u32 $0x500, s1;
	s1 =	rddreg [dreg:$0x2];
	_ =	strace $0x80000047  }
0x9: {  	s29 =	sshrl.u32 s28, $0x1;
	s30 =	sshrl.u32 s10, $0x2;
	s7 =	sadd.s32 s7, s8  }
0xa: {  	s12 =	ssub.s32 s28, s29;
	s10 =	sadd.s32 s30, s2;
	s9 =	sadd.s32 s4, s6  }
0xb: {  	s4 =	sadd.s32 $0x1CC00, s6;
	s11 =	sadd.s32 s7, s6;
	s6 =	sor.u32 $0x1C03, s31  }
0xc: {  	s10 =	sshrl.u32 s10, $0x3;
	s7 =	sadd.s32 $0x6400, s9;
	s8 =	sadd.s32 $0x1D400, s11  }
0xd: {  	s9 =	smax.u32 s12, $0x1;
	s11 =	simm.s32 $0x3;
	s12 =	simm.s32 $0x2800  }
.LBB2_1:
0xe: {  	[spmem:s10], [sflag:s6] =	dma.local [hbm:s5], $0x2800  }
0xf: {  	_ =	swait.ge [sflag:s11], $0x2800  }
0x10: {  	[sflag:s11] =	ssyncset.done $0x0  }
0x11: {  	[sflag:s11] =	ssyncadd.s32 $0xFFFFD800  }
0x12: {  	[tilespmem:s12], [sflag:$0x3] =	stream.linear.gather [hbm4b:s4+s3], $0x4000, $0x38;
	[tilespmem:$0x1A800] =	vst v63  }
0x13: {  	_ =	swait.ge [sflag:s11], $0x4000  }
0x14: {  	[sflag:s11] =	ssyncset.done $0x0  }
0x15: {  	[sflag:s11] =	ssyncadd.s32 $0xFFFFC000  }
0x16: {  	[tilespmem:s3], [sflag:$0x3] =	stream.linear.gather [hbm4b:s7+s3], $0x2800, $0x38;
	[tilespmem:$0x1A800] =	vst v63  }
0x17: {  	_ =	swait.ge [sflag:s11], $0x2800  }
0x18: {  	[sflag:s11] =	ssyncset.done $0x0  }
0x19: {  	[sflag:s11] =	ssyncadd.s32 $0xFFFFD800  }
0x1a: {  	[bflag:$0x0] =	sbarrier.arrive $0xFFFF  }
0x1b: {  	[spmem:s2] =	stream.indirect.scatter.add.f32 [tilespmem:s12], [sflag:$0x1], $0x80, s3, s13, $0xb8;
	[tilespmem:$0x1A800] =	vst v63  }
0x1c: {  	_ = 	snop  }
0x1d: {  	[spmem:s2] =	stream.indirect.scatter.add.f32 [tilespmem:s12], [sflag:$0x2], $0x80, s13, s13, $0xb8;
	[tilespmem:$0x1A800] =	vst v63  }
0x1e: {  	_ =	swait.ge [sflag:s14], $0x4000  }
0x1f: {  	[sflag:s14] =	ssyncset.done $0x0  }
0x20: {  	s17 =	simm.s32 $0x100;
	[sflag:s14] =	ssyncadd.s32 $0xFFFFC000  }
0x21: {  	[spmem:s2] =	stream.indirect.scatter.add.f32 [tilespmem:s12], [sflag:$0x1], $0x80, s17, s13, $0xb8;
	[tilespmem:$0x1A800] =	vst v63  }
0x22: {  	_ =	swait.ge [sflag:s15], $0x4000  }
0x23: {  	[sflag:s15] =	ssyncset.done $0x0  }
0x24: {  	s18 =	simm.s32 $0x180;
	s17 =	simm.s32 $0xFFFF6800;
	[sflag:s15] =	ssyncadd.s32 $0xFFFFC000  }
.LBB2_2:
0x25: {  	[spmem:s2] =	stream.indirect.scatter.add.f32 [tilespmem:s12], [sflag:$0x2], $0x80, s18, s13, $0xb8;
	[tilespmem:$0x1A800] =	vst v63  }
0x26: {  	s18 =	smov.u32 s17  }
0x27: {  	p0 =	sne.s32 s17, $0xFFFFFC00;
	s17 =	sadd.s32 $0x400, s17;
	_ =	swait.ge [sflag:s14], $0x4000  }
0x28: {  	s18 =	sshra.s32 s18, $0x2;
	[sflag:s14] =	ssyncset.done $0x0  }
.Ltmp0:
0x29: {  	s19 =	sadd.s32 $0x2800, s18;
	[sflag:s14] =	ssyncadd.s32 $0xFFFFC000;
	(pc) =	sbr.rel @p0 .LBB2_2-.Ltmp0, $4  }
0x2a: {  	[spmem:s2] =	stream.indirect.scatter.add.f32 [tilespmem:s12], [sflag:$0x1], $0x80, s19, s13, $0xb8;
	[tilespmem:$0x1A800] =	vst v63  }
0x2b: {  	_ =	swait.ge [sflag:s15], $0x4000  }
0x2c: {  	[sflag:s15] =	ssyncset.done $0x0  }
0x2d: {  	s18 =	sadd.s32 $0x2880, s18;
	[sflag:s15] =	ssyncadd.s32 $0xFFFFC000  }
0x2e: {  	[spmem:s2] =	stream.indirect.scatter.add.f32 [tilespmem:s12], [sflag:$0x2], $0x80, s18, s13, $0xb8;
	[tilespmem:$0x1A800] =	vst v63  }
0x2f: {  	_ =	swait.ge [sflag:s14], $0x4000  }
0x30: {  	[sflag:s14] =	ssyncset.done $0x0  }
0x31: {  	[sflag:s14] =	ssyncadd.s32 $0xFFFFC000  }
0x32: {  	_ =	swait.ge [sflag:s15], $0x4000  }
0x33: {  	s16 =	sadd.s32 $0x1, s16;
	[sflag:s15] =	ssyncset.done $0x0  }
0x34: {  	p0 =	sne.s32 s16, s9;
	[sflag:s15] =	ssyncadd.s32 $0xFFFFC000  }
.Ltmp1:
0x35: {  	[bflag:$0x0] =	sbarrier.arrive $0xFFFF;
	(pc) =	sbr.rel @p0 .LBB2_1-.Ltmp1, $4  }
0x36: {  	[hbm:s8], [sflag:s6] =	dma.local [spmem:s10], $0x2800  }
0x37: {  	_ =	swait.ge [sflag:s11], $0x2800  }
0x38: {  	[sflag:s11] =	ssyncset.done $0x0  }
0x39: {  	[sflag:s11] =	ssyncadd.s32 $0xFFFFD800  }
0x3a: {  	_ =	sfence.sel $0x180000  }
0x3b: {  	[bflag:$0x0] =	sbarrier.arrive $0xFFFF  }
0x3c: {  	p0 =	sne.s32 s0, $0x0;
	_ =	strace $0x90000047  }
0x3d: {  	s0 =	sadd.s32 @!p0 $0x100000, s1;
	[bflag:$0x2] =	sbarrier.arrive $0xFFFF  }
0x3e: {  	[sflag:s0] =	ssyncadd.tile.s32 @!p0 $0x1;
	_ =	shalt  }
.Lfunc_end2:
_tile_overlayer_lowered:
.L_overlay_start_2:
0x3f: {  	(tag) =	ssettag $0x2  }
0x40: {  	s0 =	rddreg [dreg:$0x0];
	s2 =	stileid.u32  }
0x41: {  	s1 =	rddreg [dreg:$0x1];
	p0 =	sne.s32 s2, $0x0  }
0x42: {  	s3 =	rddreg [dreg:$0x2];
	[bflag:$0x3] =	sbarrier.arrive $0xFFFF;
	s2 =	simm.s32 @!p0 $0x1C03  }
0x43: {  	[timem:s3], [sflag:s2] =	dma.local @!p0 [hbm:s0], s1  }
0x44: {  	s0 =	simm.s32 @!p0 $0x3  }
0x45: {  	_ =	swait.ge @!p0 [sflag:s0], s1  }
0x46: {  	s1 =	ssub.s32 @!p0 $0x0, s1;
	[sflag:s0] =	ssyncset.done @!p0 $0x0  }
0x47: {  	[sflag:s0] =	ssyncadd.s32 @!p0 s1  }
0x48: {  	[bflag:$0x3] =	sbarrier.arrive $0xFFFF  }
0x49: {  	_ =	shalt  }

// kernel: kernel.13.cloned.1.call-start
scs
__scs_entry_jumppad:
0x0: {  	(pc) =	sbr.rel $0x88, $3  }
0x1: {  	(tag) =	ssettag $0x0;
	lr =	simm.s32 $0x1  }
0x2: {  	[smem:$0x3F85] =	sst lr;
	_ =	strace $0xD0000000  }
0x3: {  	_ = 	snop  }
0x4: {  	_ = 	snop  }
0x5: {  	_ = 	snop  }
0x6: {  	_ = 	snop  }
0x7: {  	_ = 	snop  }
__scs_overlays_trampoline_lowered:
0x8: {  	[smem:$0x3F94] =	sst s0  }
0x9: {  	[smem:$0x3F95] =	sst s1  }
0xa: {  	[smem:$0x3F96] =	sst s2  }
0xb: {  	[smem:$0x3F97] =	sst s3  }
0xc: {  	[smem:$0x3F98] =	sst s4  }
0xd: {  	[smem:$0x3F99] =	sst s5  }
0xe: {  	[smem:$0x3F9A] =	sst s6  }
0xf: {  	[smem:$0x3F9B] =	sst s7  }
0x10: {  	[smem:$0x3F9C] =	sst s8  }
0x11: {  	[smem:$0x3F9D] =	sst s9;
	s0 =	simm.s32 @!p0 $0x0  }
0x12: {  	s1 =	sld [smem:$0x3F83];
	s0 =	simm.s32 @p0 $0x1  }
0x13: {  	[smem:$0x3F9E] =	sst s0;
	s0 =	simm.s32 @!p1 $0x0  }
0x14: {  	s2 =	sld [smem:$0x3F82];
	s0 =	simm.s32 @p1 $0x1  }
0x15: {  	[smem:$0x3F9F] =	sst s0;
	s0 =	simm.s32 @!p2 $0x0  }
0x16: {  	s3 =	sld [smem:$0x3FDB];
	s0 =	simm.s32 @p2 $0x1  }
0x17: {  	s4 =	simm.s32 $0x1BF5;
	[smem:$0x3FA1] =	sst s0  }
0x18: {  	s0 =	sld [smem:$0x3F84];
	_ =	swait.ge [sflag:s4], $0x0  }
0x19: {  	s7 =	sld [smem:$0x3F85]  }
0x1a: {  	s8 =	sadd.s32 $0xFFFFE003, lr  }
0x1b: {  	s9 =	sadd.s32 $0xFFFFFEF7, lr;
	s5 =	simm.s32 $0xFFFFFFFF;
	p2 =	slt.u32 s8, $0xFFFFF086  }
0x1c: {  	p1 =	slt.u32 s9, $0xF7A;
	s5 =	simm.s32 @!p2 $0x0  }
0x1d: {  	s5 =	simm.s32 @p1 $0x1;
	p0 =	seq.s32 s7, s2  }
0x1e: {  	s7 =	smul.u32 @!p0 $0xF7A, s2;
	p2 =	seq.s32 @!p0 s5, $0x0  }
0x1f: {  	s9 =	smul.u32 $0xF7A, s1;
	s8 =	simm.s32 @!p0 $0x1BF5;
	p2 =	por !p2, p0  }
0x20: {  	[sflag:s8] =	ssyncset.s32 @!p0 $0xFFFFF086;
	s6 =	sadd.s32 @!p0 s3, s7;
	s7 =	simm.s32 @!p0 $0x108  }
0x21: {  	s3 =	sadd.s32 s3, s9;
	s6 =	sadd.s32 @!p0 $0x88, s6;
	s7 =	simm.s32 @p2 $0x1082  }
0x22: {  	[simem:s7], [sflag:s8] =	dma.local @!p0 [hbm:s6], $0xF7A  }
0x23: {  	s9 =	sor.u32 $0xD0000000, s2;
	s6 =	simm.s32 $0x108;
	_ =	swait.ge @!p0 [sflag:s8], $0x0  }
0x24: {  	s3 =	sadd.s32 $0x88, s3;
	s6 =	simm.s32 @!p1 $0x1082;
	[sflag:s4] =	ssyncset.s32 $0xFFFFF086  }
0x25: {  	[simem:s6], [sflag:s4] =	dma.local [hbm:s3], $0xF7A  }
0x26: {  	[smem:$0x3F85] =	sst s1;
	(tag) =	ssettag s2;
	_ =	strace s9  }
0x27: {  	s1 =	sld [smem:$0x3F95]  }
0x28: {  	s2 =	sld [smem:$0x3F96]  }
0x29: {  	s4 =	sld [smem:$0x3F98]  }
0x2a: {  	p0 =	seq.s32 s5, $0x0;
	s5 =	sld [smem:$0x3F99]  }
0x2b: {  	s6 =	sld [smem:$0x3F9A]  }
0x2c: {  	s7 =	sld [smem:$0x3F9B]  }
0x2d: {  	s3 =	simm.s32 $0x108;
	s8 =	sld [smem:$0x3F9C]  }
0x2e: {  	s3 =	simm.s32 @!p0 $0x1082;
	s9 =	sld [smem:$0x3F9D]  }
0x2f: {  	lr =	sadd.s32 s0, s3;
	s0 =	sld [smem:$0x3F94]  }
0x30: {  	s3 =	sld [smem:$0x3F97]  }
0x31: {  	[smem:$0x3FA0] =	sst s10  }
0x32: {  	s10 =	sld [smem:$0x3F9E];
	_ =	sdelay $0x3  }
0x33: {  	p0 =	seq.s32 s10, $0x1;
	s10 =	sld [smem:$0x3FA0];
	_ =	sdelay $0x3  }
0x34: {  	[smem:$0x3FA0] =	sst s10  }
0x35: {  	s10 =	sld [smem:$0x3F9F];
	_ =	sdelay $0x3  }
0x36: {  	p1 =	seq.s32 s10, $0x1;
	s10 =	sld [smem:$0x3FA0];
	_ =	sdelay $0x3  }
0x37: {  	[smem:$0x3FA0] =	sst s10  }
0x38: {  	s10 =	sld [smem:$0x3FA1]  }
0x39: {  	_ = 	snop;
	(pc) =	sbr.ind lr, $3  }
0x3a: {  	_ = 	snop  }
0x3b: {  	_ = 	snop  }
0x3c: {  	p2 =	seq.s32 s10, $0x1;
	s10 =	sld [smem:$0x3FA0]  }
0x3d: {  	_ =	shalt  }
0x3e: {  	_ =	shalt  }
0x3f: {  	_ =	shalt  }
0x40: {  	_ =	shalt  }
0x41: {  	_ =	shalt  }
0x42: {  	_ =	shalt  }
0x43: {  	_ =	shalt  }
0x44: {  	_ =	shalt  }
0x45: {  	_ =	shalt  }
0x46: {  	_ =	shalt  }
0x47: {  	_ =	shalt  }
0x48: {  	_ =	shalt  }
0x49: {  	_ =	shalt  }
0x4a: {  	_ =	shalt  }
0x4b: {  	_ =	shalt  }
0x4c: {  	_ =	shalt  }
0x4d: {  	_ =	shalt  }
0x4e: {  	_ =	shalt  }
0x4f: {  	_ =	shalt  }
0x50: {  	_ =	shalt  }
0x51: {  	_ =	shalt  }
0x52: {  	_ =	shalt  }
0x53: {  	_ =	shalt  }
0x54: {  	_ =	shalt  }
0x55: {  	_ =	shalt  }
0x56: {  	_ =	shalt  }
0x57: {  	_ =	shalt  }
0x58: {  	_ =	shalt  }
0x59: {  	_ =	shalt  }
0x5a: {  	_ =	shalt  }
0x5b: {  	_ =	shalt  }
0x5c: {  	_ =	shalt  }
0x5d: {  	_ =	shalt  }
0x5e: {  	_ =	shalt  }
0x5f: {  	_ =	shalt  }
0x60: {  	_ =	shalt  }
0x61: {  	_ =	shalt  }
0x62: {  	_ =	shalt  }
0x63: {  	_ =	shalt  }
0x64: {  	_ =	shalt  }
0x65: {  	_ =	shalt  }
0x66: {  	_ =	shalt  }
0x67: {  	_ =	shalt  }
0x68: {  	_ =	shalt  }
0x69: {  	_ =	shalt  }
0x6a: {  	_ =	shalt  }
0x6b: {  	_ =	shalt  }
0x6c: {  	_ =	shalt  }
0x6d: {  	_ =	shalt  }
0x6e: {  	_ =	shalt  }
0x6f: {  	_ =	shalt  }
0x70: {  	_ =	shalt  }
0x71: {  	_ =	shalt  }
0x72: {  	_ =	shalt  }
0x73: {  	_ =	shalt  }
0x74: {  	_ =	shalt  }
0x75: {  	_ =	shalt  }
0x76: {  	_ =	shalt  }
0x77: {  	_ =	shalt  }
0x78: {  	_ =	shalt  }
0x79: {  	_ =	shalt  }
0x7a: {  	_ =	shalt  }
0x7b: {  	_ =	shalt  }
0x7c: {  	_ =	shalt  }
0x7d: {  	_ =	shalt  }
0x7e: {  	_ =	shalt  }
0x7f: {  	_ =	shalt  }
0x80: {  	_ =	shalt  }
0x81: {  	_ =	shalt  }
0x82: {  	_ =	shalt  }
0x83: {  	_ =	shalt  }
0x84: {  	_ =	shalt  }
0x85: {  	_ =	shalt  }
0x86: {  	_ =	shalt  }
0x87: {  	_ =	shalt  }
.Lfunc_end0:
.L_simem_size_0:
called_computation.1_lowered:
.L_overlay_start_0:
0x88: {  	s2 =	sld [smem:$0x3FD9]  }
0x89: {  	s3 =	sld [smem:$0x3FFE];
	_ =	sdelay $0x1  }
0x8a: {  	s1 =	srdreg.scid  }
0x8b: {  	s0 =	sand.u32 $0x1, s1  }
0x8c: {  	s16 =	sshll.u32 s0, $0xA;
	s2 =	sadd.s32 s3, s2  }
0x8d: {  	s2 =	sadd.s32 s2, s16  }
0x8e: {  	[smem:$0x3FAC] =	sst s2  }
0x8f: {  	_ = 	snop  }
0x90: {  	(tm) =	ssettm $0x1  }
0x91: {  	s17 =	sld [smem:$0x3FFB];
	_ =	sdelay $0x3  }
0x92: {  	_ =	strace s17  }
0x93: {  	s2 =	sld [smem:$0x3FFC];
	_ =	sdelay $0x3  }
0x94: {  	_ =	strace s2  }
0x95: {  	s2 =	sld [smem:$0x3FFD];
	_ =	sdelay $0x3  }
0x96: {  	_ =	strace s2  }
0x97: {  	_ =	strace $0x8FFFFFFF  }
0x98: {  	s18 =	sld [smem:$0x3FDB];
	_ =	sdelay $0x1  }
0x99: {  	s19 =	simm.s32 $_scs_section_size  }
0x9a: {  	s4 =	simm.s32 $_size__tile_overlayer_lowered;
	s5 =	simm.s32 $_tile_overlayer_lowered  }
0x9b: {  	s22 =	simm.s32 $0x1BFF;
	s21 =	sshll.u32 s5, $0x1;
	s2 =	sadd.s32 s19, s18  }
0x9c: {  	s6 =	simm.s32 $0x0;
	s20 =	sshll.u32 s4, $0x1;
	s4 =	sadd.s32 s21, s2  }
0x9d: {  	[timem:s6], [sflag:s22] =	dma.local [hbm:s4], s20  }
0x9e: {  	_ =	swait.ge [sflag:s22], s20  }
0x9f: {  	s3 =	ssub.s32 $0x0, s20;
	[sflag:s22] =	ssyncset.done $0x0  }
0xa0: {  	[sflag:s22] =	ssyncadd.s32 s3;
	_ =	sdelay $0x1  }
0xa1: {  	s23 =	simm.s32 $0x1B8B  }
0xa2: {  	_ =	swait.ge [sflag:s23], $0x1  }
0xa3: {  	[sflag:s23] =	ssyncset.done $0x0  }
0xa4: {  	s25 =	simm.s32 $0x1B8E;
	s24 =	sld [smem:$0x3FFE];
	[sflag:s23] =	ssyncadd.s32 $0xFFFFFFFF  }
0xa5: {  	s26 =	simm.s32 $execute0_lowered;
	[smem:$0x3FD2] =	sst s25  }
0xa6: {  	s4 =	sshll.u32 s26, $0x1;
	_ =	strace $0x80000049;
	[dreg:$0x1] =	wrdreg $0xFFFFFFFF  }
0xa7: {  	s28 =	simm.s32 $_size_execute0_lowered;
	s2 =	sadd.s32 s2, s4;
	[dreg:$0x0] =	wrdreg $0x0  }
0xa8: {  	s4 =	sshll.u32 s28, $0x1;
	[dreg:$0x2] =	wrdreg s2  }
0xa9: {  	[dreg:$0x3] =	wrdreg s4  }
0xaa: {  	[dreg:$0x4] =	wrdreg $0xC0  }
0xab: {  	_ =	task [dreg:s6], $0x5FFFF  }
0xac: {  	[dreg:$0x1] =	wrdreg $0xFFFFFFFF  }
0xad: {  	[dreg:$0x0] =	wrdreg $0x60  }
0xae: {  	[dreg:$0x2] =	wrdreg s24  }
0xaf: {  	[dreg:$0x3] =	wrdreg $0xA8000  }
0xb0: {  	[dreg:$0x4] =	wrdreg $0x9  }
0xb1: {  	_ =	task.clear_ibuf [dreg:s6], $0x5FFFF;
	_ =	strace $0x90000049  }
0xb2: {  	s29 =	simm.s32 $0x9;
	_ =	strace $0x8000004B  }
0xb3: {  	_ =	swait.ge [sflag:s29], $0x1  }
0xb4: {  	[sflag:s29] =	ssyncadd.s32 $0xFFFFFFFF  }
0xb5: {  	_ =	strace $0x9000004B  }
0xb6: {  	_ =	sfence  }
0xb7: {  	s30 =	sld [smem:$0x0];
	_ =	sdelay $0x2  }
0xb8: {  	s31 =	sshll.u32 s1, $0xD;
	s1 =	sshrl.u32 s1, $0x2  }
0xb9: {  	s3 =	sand.u32 $0x4000, s31;
	s1 =	sadd.s32 s1, s30  }
0xba: {  	s0 =	sor.u32 s3, s0;
	s1 =	sshll.u32 s1, $0x11  }
0xbb: {  	s0 =	sor.u32 s1, s0  }
0xbc: {  	s0 =	sadd.s32 $0x8F2B, s0  }
0xbd: {  	[sflag:s0] =	ssyncadd.remote.s32 $0x1  }
0xbe: {  	_ =	sfence.sel $0xFFFF  }
0xbf: {  	[dreg:$0x0] =	wrdreg $0xFFFFFFFF;
	(pc) =	sbr.abs _section_cstart, $3  }
0xc0: {  	[dreg:$0x1] =	wrdreg $0xFFFFFFFF  }
0xc1: {  	_ =	task.clear_ibuf [dreg:s6], $0x2FFFF;
	_ =	strace $0x9FFFFFFF  }
0xc2: {  	(tm) =	ssettm $0x7FFFFFFF  }
0xc3: {  	_ =	shalt  }
tec
execute0_lowered:
.L_overlay_start_1:
0x0: {  	(tag) =	ssettag $0x1  }
0x1: {  	s6 =	rddreg [dreg:$0x0]  }
0x2: {  	s2 =	rddreg [dreg:$0x1]  }
0x3: {  	s0 =	rddreg [dreg:$0x2];
	s3 =	simm.s32 $0x0;
	s4 =	srdreg.scid  }
0x4: {  	s1 =	stileid.u32;
	s16 =	simm.s32 $0x80;
	s17 =	simm.s32 $0x2800  }
0x5: {  	s18 =	simm.s32 $0x6800;
	s19 =	simm.s32 $0x1;
	s20 =	simm.s32 $0x2  }
0x6: {  	s21 =	simm.s32 $0x3;
	s22 =	simm.s32 $0x4;
	s23 =	simm.s32 $0x2700  }
0x7: {  	[smem:$0x7FF] =	sst s3;
	s7 =	sand.u32 $0x1, s4;
	s8 =	smul.u32 $0x2800, s1  }
0x8: {  	s4 =	sadd.s32 $0x6D400, s6;
	s10 =	sadd.s32 $0x10400, s6;
	s11 =	sadd.s32 $0x6400, s6  }
0x9: {  	s5 =	sadd.s32 $0x1A400, s6;
	s24 =	sshll.u32 s1, $0x1;
	s25 =	smul.u32 $0x50000, s1  }
0xa: {  	s31 =	sshll.u32 s1, $0x6;
	_ =	strace $0x8000004A;
	s9 =	smul.u32 $0x28000, s7  }
0xb: {  	s12 =	ssub.s32 $0x2, s7;
	s7 =	sor.u32 s7, s24;
	s24 =	simm.s32 $0x2780  }
0xc: {  	s26 =	sshrl.u32 s12, $0x1;
	s28 =	smul.u32 $0x2800, s7;
	s29 =	sshrl.u32 s25, $0x2  }
0xd: {  	s30 =	smul.u32 $0x500, s7;
	s25 =	simm.s32 $0x0;
	s8 =	sadd.s32 s8, s9  }
0xe: {  	s12 =	ssub.s32 s12, s26;
	s14 =	sadd.s32 s29, s2;
	s13 =	sadd.s32 s8, s6  }
0xf: {  	s8 =	sshrl.u32 s28, $0x3;
	s6 =	sor.u32 $0x1C05, s31;
	s7 =	sadd.s32 s10, s30  }
0x10: {  	s12 =	smax.u32 s12, $0x1;
	s15 =	sadd.s32 $0x280, s8;
	s8 =	sadd.s32 s11, s30  }
0x11: {  	s9 =	sadd.s32 s10, s15;
	s10 =	sadd.s32 s11, s15;
	s11 =	sadd.s32 $0x1CC00, s13  }
0x12: {  	s13 =	sshrl.u32 s14, $0x3;
	s14 =	simm.s32 $0x5;
	s15 =	simm.s32 $0x1400  }
.LBB2_1:
0x13: {  	[spmem:s13], [sflag:s6] =	dma.local [hbm:s5], $0x2800  }
0x14: {  	_ =	swait.ge [sflag:s14], $0x2800  }
0x15: {  	[sflag:s14] =	ssyncset.done $0x0  }
0x16: {  	[sflag:s14] =	ssyncadd.s32 $0xFFFFD800  }
0x17: {  	[bflag:$0x0] =	sbarrier.arrive $0xFFFF  }
0x18: {  	[tilespmem:s3], [sflag:$0x5] =	stream.linear.gather [hbm4b:s7+s3], $0x1400, $0x38;
	[tilespmem:$0x1E800] =	vst v63  }
0x19: {  	_ =	swait.ge [sflag:s14], $0x1400  }
0x1a: {  	[sflag:s14] =	ssyncset.done $0x0  }
0x1b: {  	[sflag:s14] =	ssyncadd.s32 $0xFFFFEC00  }
0x1c: {  	[tilespmem:s15], [sflag:$0x5] =	stream.linear.gather [hbm4b:s8+s3], $0x1400, $0x38;
	[tilespmem:$0x1E800] =	vst v63  }
0x1d: {  	_ =	swait.ge [sflag:s14], $0x1400  }
0x1e: {  	[sflag:s14] =	ssyncset.done $0x0  }
0x1f: {  	[sflag:s14] =	ssyncadd.s32 $0xFFFFEC00  }
0x20: {  	[tilespmem:s17], [sflag:$0x1] =	stream.indirect.gather [hbm4b:s4+s16], $0x80, s3, s16, $0xb8;
	[tilespmem:$0x1E800] =	vst v63  }
0x21: {  	_ = 	snop  }
0x22: {  	[tilespmem:s18], [sflag:$0x2] =	stream.indirect.gather [hbm4b:s4+s16], $0x80, s16, s16, $0xb8;
	[tilespmem:$0x1E800] =	vst v63  }
0x23: {  	_ =	swait.ge [sflag:s19], $0x4000  }
0x24: {  	[sflag:s19] =	ssyncset.done $0x0  }
0x25: {  	s26 =	simm.s32 $0x1400;
	[sflag:s19] =	ssyncadd.s32 $0xFFFFC000  }
0x26: {  	[spmem:s2] =	stream.indirect.scatter.add.f32 [tilespmem:s17], [sflag:$0x3], $0x80, s26, s16, $0xb8;
	[tilespmem:$0x1E800] =	vst v63  }
0x27: {  	_ =	swait.ge [sflag:s20], $0x4000  }
0x28: {  	[sflag:s20] =	ssyncset.done $0x0  }
0x29: {  	s30 =	simm.s32 $0x1480;
	[sflag:s20] =	ssyncadd.s32 $0xFFFFC000  }
0x2a: {  	[spmem:s2] =	stream.indirect.scatter.add.f32 [tilespmem:s18], [sflag:$0x4], $0x80, s30, s16, $0xb8;
	[tilespmem:$0x1E800] =	vst v63  }
0x2b: {  	_ =	swait.ge [sflag:s21], $0x4000  }
0x2c: {  	[sflag:s21] =	ssyncset.done $0x0  }
0x2d: {  	s31 =	simm.s32 $0x100;
	[sflag:s21] =	ssyncadd.s32 $0xFFFFC000  }
0x2e: {  	[tilespmem:s17], [sflag:$0x1] =	stream.indirect.gather [hbm4b:s4+s16], $0x80, s31, s16, $0xb8;
	[tilespmem:$0x1E800] =	vst v63  }
0x2f: {  	_ =	swait.ge [sflag:s22], $0x4000  }
0x30: {  	[sflag:s22] =	ssyncset.done $0x0  }
0x31: {  	s28 =	simm.s32 $0x180;
	s26 =	simm.s32 $0x400;
	[sflag:s22] =	ssyncadd.s32 $0xFFFFC000  }
.LBB2_2:
0x32: {  	[tilespmem:s18], [sflag:$0x2] =	stream.indirect.gather [hbm4b:s4+s16], $0x80, s28, s16, $0xb8;
	[tilespmem:$0x1E800] =	vst v63  }
0x33: {  	s28 =	smov.u32 s26  }
0x34: {  	p0 =	sne.s32 s26, $0x4800;
	s26 =	sadd.s32 $0x400, s26;
	_ =	swait.ge [sflag:s19], $0x4000  }
0x35: {  	s28 =	sshra.s32 s28, $0x2;
	[sflag:s19] =	ssyncset.done $0x0  }
0x36: {  	s29 =	sadd.s32 $0x1400, s28;
	[sflag:s19] =	ssyncadd.s32 $0xFFFFC000  }
0x37: {  	[spmem:s2] =	stream.indirect.scatter.add.f32 [tilespmem:s17], [sflag:$0x3], $0x80, s29, s16, $0xb8;
	[tilespmem:$0x1E800] =	vst v63  }
0x38: {  	_ =	swait.ge [sflag:s20], $0x4000  }
0x39: {  	[sflag:s20] =	ssyncset.done $0x0  }
0x3a: {  	s29 =	sadd.s32 $0x1480, s28;
	[sflag:s20] =	ssyncadd.s32 $0xFFFFC000  }
0x3b: {  	[spmem:s2] =	stream.indirect.scatter.add.f32 [tilespmem:s18], [sflag:$0x4], $0x80, s29, s16, $0xb8;
	[tilespmem:$0x1E800] =	vst v63  }
0x3c: {  	_ =	swait.ge [sflag:s21], $0x4000  }
0x3d: {  	[sflag:s21] =	ssyncset.done $0x0  }
.Ltmp0:
0x3e: {  	s29 =	sadd.s32 $0x100, s28;
	[sflag:s21] =	ssyncadd.s32 $0xFFFFC000;
	(pc) =	sbr.rel @p0 .LBB2_2-.Ltmp0, $4  }
0x3f: {  	[tilespmem:s17], [sflag:$0x1] =	stream.indirect.gather [hbm4b:s4+s16], $0x80, s29, s16, $0xb8;
	[tilespmem:$0x1E800] =	vst v63  }
0x40: {  	_ =	swait.ge [sflag:s22], $0x4000  }
0x41: {  	[sflag:s22] =	ssyncset.done $0x0  }
0x42: {  	s28 =	sadd.s32 $0x180, s28;
	[sflag:s22] =	ssyncadd.s32 $0xFFFFC000  }
0x43: {  	[tilespmem:s18], [sflag:$0x2] =	stream.indirect.gather [hbm4b:s4+s16], $0x80, s28, s16, $0xb8;
	[tilespmem:$0x1E800] =	vst v63  }
0x44: {  	_ =	swait.ge [sflag:s19], $0x4000  }
0x45: {  	[sflag:s19] =	ssyncset.done $0x0  }
0x46: {  	[sflag:s19] =	ssyncadd.s32 $0xFFFFC000  }
0x47: {  	[spmem:s2] =	stream.indirect.scatter.add.f32 [tilespmem:s17], [sflag:$0x3], $0x80, s23, s16, $0xb8;
	[tilespmem:$0x1E800] =	vst v63  }
0x48: {  	_ =	swait.ge [sflag:s20], $0x4000  }
0x49: {  	[sflag:s20] =	ssyncset.done $0x0  }
0x4a: {  	[sflag:s20] =	ssyncadd.s32 $0xFFFFC000  }
0x4b: {  	[spmem:s2] =	stream.indirect.scatter.add.f32 [tilespmem:s18], [sflag:$0x4], $0x80, s24, s16, $0xb8;
	[tilespmem:$0x1E800] =	vst v63  }
0x4c: {  	_ =	swait.ge [sflag:s21], $0x4000  }
0x4d: {  	[sflag:s21] =	ssyncset.done $0x0  }
0x4e: {  	[sflag:s21] =	ssyncadd.s32 $0xFFFFC000  }
0x4f: {  	_ =	swait.ge [sflag:s22], $0x4000  }
0x50: {  	[sflag:s22] =	ssyncset.done $0x0  }
0x51: {  	s26 =	simm.s32 $0x0;
	[sflag:s22] =	ssyncadd.s32 $0xFFFFC000  }
0x52: {  	[tilespmem:s26], [sflag:$0x5] =	stream.linear.gather [hbm4b:s9+s26], $0x1400, $0x38;
	[tilespmem:$0x1E800] =	vst v63  }
0x53: {  	_ =	swait.ge [sflag:s14], $0x1400  }
0x54: {  	[sflag:s14] =	ssyncset.done $0x0  }
0x55: {  	[sflag:s14] =	ssyncadd.s32 $0xFFFFEC00  }
0x56: {  	[tilespmem:s15], [sflag:$0x5] =	stream.linear.gather [hbm4b:s10+s26], $0x1400, $0x38;
	[tilespmem:$0x1E800] =	vst v63  }
0x57: {  	_ =	swait.ge [sflag:s14], $0x1400  }
0x58: {  	[sflag:s14] =	ssyncset.done $0x0  }
0x59: {  	[sflag:s14] =	ssyncadd.s32 $0xFFFFEC00  }
0x5a: {  	[tilespmem:s17], [sflag:$0x1] =	stream.indirect.gather [hbm4b:s4+s16], $0x80, s26, s16, $0xb8;
	[tilespmem:$0x1E800] =	vst v63  }
0x5b: {  	_ = 	snop  }
0x5c: {  	[tilespmem:s18], [sflag:$0x2] =	stream.indirect.gather [hbm4b:s4+s16], $0x80, s16, s16, $0xb8;
	[tilespmem:$0x1E800] =	vst v63  }
0x5d: {  	_ =	swait.ge [sflag:s19], $0x4000  }
0x5e: {  	[sflag:s19] =	ssyncset.done $0x0  }
0x5f: {  	s29 =	simm.s32 $0x1400;
	[sflag:s19] =	ssyncadd.s32 $0xFFFFC000  }
0x60: {  	[spmem:s2] =	stream.indirect.scatter.add.f32 [tilespmem:s17], [sflag:$0x3], $0x80, s29, s16, $0xb8;
	[tilespmem:$0x1E800] =	vst v63  }
0x61: {  	_ =	swait.ge [sflag:s20], $0x4000  }
0x62: {  	[sflag:s20] =	ssyncset.done $0x0  }
0x63: {  	s30 =	simm.s32 $0x1480;
	[sflag:s20] =	ssyncadd.s32 $0xFFFFC000  }
0x64: {  	[spmem:s2] =	stream.indirect.scatter.add.f32 [tilespmem:s18], [sflag:$0x4], $0x80, s30, s16, $0xb8;
	[tilespmem:$0x1E800] =	vst v63  }
0x65: {  	_ =	swait.ge [sflag:s21], $0x4000  }
0x66: {  	[sflag:s21] =	ssyncset.done $0x0  }
0x67: {  	s31 =	simm.s32 $0x100;
	[sflag:s21] =	ssyncadd.s32 $0xFFFFC000  }
0x68: {  	[tilespmem:s17], [sflag:$0x1] =	stream.indirect.gather [hbm4b:s4+s16], $0x80, s31, s16, $0xb8;
	[tilespmem:$0x1E800] =	vst v63  }
0x69: {  	_ =	swait.ge [sflag:s22], $0x4000  }
0x6a: {  	[sflag:s22] =	ssyncset.done $0x0  }
0x6b: {  	s28 =	simm.s32 $0x180;
	s26 =	simm.s32 $0x400;
	[sflag:s22] =	ssyncadd.s32 $0xFFFFC000  }
.LBB2_4:
0x6c: {  	[tilespmem:s18], [sflag:$0x2] =	stream.indirect.gather [hbm4b:s4+s16], $0x80, s28, s16, $0xb8;
	[tilespmem:$0x1E800] =	vst v63  }
0x6d: {  	s28 =	smov.u32 s26  }
0x6e: {  	p0 =	sne.s32 s26, $0x4800;
	s26 =	sadd.s32 $0x400, s26;
	_ =	swait.ge [sflag:s19], $0x4000  }
0x6f: {  	s28 =	sshra.s32 s28, $0x2;
	[sflag:s19] =	ssyncset.done $0x0  }
0x70: {  	s29 =	sadd.s32 $0x1400, s28;
	[sflag:s19] =	ssyncadd.s32 $0xFFFFC000  }
0x71: {  	[spmem:s2] =	stream.indirect.scatter.add.f32 [tilespmem:s17], [sflag:$0x3], $0x80, s29, s16, $0xb8;
	[tilespmem:$0x1E800] =	vst v63  }
0x72: {  	_ =	swait.ge [sflag:s20], $0x4000  }
0x73: {  	[sflag:s20] =	ssyncset.done $0x0  }
0x74: {  	s29 =	sadd.s32 $0x1480, s28;
	[sflag:s20] =	ssyncadd.s32 $0xFFFFC000  }
0x75: {  	[spmem:s2] =	stream.indirect.scatter.add.f32 [tilespmem:s18], [sflag:$0x4], $0x80, s29, s16, $0xb8;
	[tilespmem:$0x1E800] =	vst v63  }
0x76: {  	_ =	swait.ge [sflag:s21], $0x4000  }
0x77: {  	[sflag:s21] =	ssyncset.done $0x0  }
.Ltmp1:
0x78: {  	s29 =	sadd.s32 $0x100, s28;
	[sflag:s21] =	ssyncadd.s32 $0xFFFFC000;
	(pc) =	sbr.rel @p0 .LBB2_4-.Ltmp1, $4  }
0x79: {  	[tilespmem:s17], [sflag:$0x1] =	stream.indirect.gather [hbm4b:s4+s16], $0x80, s29, s16, $0xb8;
	[tilespmem:$0x1E800] =	vst v63  }
0x7a: {  	_ =	swait.ge [sflag:s22], $0x4000  }
0x7b: {  	[sflag:s22] =	ssyncset.done $0x0  }
0x7c: {  	s28 =	sadd.s32 $0x180, s28;
	[sflag:s22] =	ssyncadd.s32 $0xFFFFC000  }
0x7d: {  	[tilespmem:s18], [sflag:$0x2] =	stream.indirect.gather [hbm4b:s4+s16], $0x80, s28, s16, $0xb8;
	[tilespmem:$0x1E800] =	vst v63  }
0x7e: {  	_ =	swait.ge [sflag:s19], $0x4000  }
0x7f: {  	[sflag:s19] =	ssyncset.done $0x0  }
0x80: {  	[sflag:s19] =	ssyncadd.s32 $0xFFFFC000  }
0x81: {  	[spmem:s2] =	stream.indirect.scatter.add.f32 [tilespmem:s17], [sflag:$0x3], $0x80, s23, s16, $0xb8;
	[tilespmem:$0x1E800] =	vst v63  }
0x82: {  	_ =	swait.ge [sflag:s20], $0x4000  }
0x83: {  	[sflag:s20] =	ssyncset.done $0x0  }
0x84: {  	[sflag:s20] =	ssyncadd.s32 $0xFFFFC000  }
0x85: {  	[spmem:s2] =	stream.indirect.scatter.add.f32 [tilespmem:s18], [sflag:$0x4], $0x80, s24, s16, $0xb8;
	[tilespmem:$0x1E800] =	vst v63  }
0x86: {  	_ =	swait.ge [sflag:s21], $0x4000  }
0x87: {  	[sflag:s21] =	ssyncset.done $0x0  }
0x88: {  	[sflag:s21] =	ssyncadd.s32 $0xFFFFC000  }
0x89: {  	_ =	swait.ge [sflag:s22], $0x4000  }
0x8a: {  	s25 =	sadd.s32 $0x1, s25;
	[sflag:s22] =	ssyncset.done $0x0  }
0x8b: {  	p0 =	sne.s32 s25, s12;
	[sflag:s22] =	ssyncadd.s32 $0xFFFFC000  }
.Ltmp2:
0x8c: {  	[bflag:$0x0] =	sbarrier.arrive $0xFFFF;
	(pc) =	sbr.rel @p0 .LBB2_1-.Ltmp2, $4  }
0x8d: {  	[hbm:s11], [sflag:s6] =	dma.local [spmem:s13], $0x2800  }
0x8e: {  	_ =	swait.ge [sflag:s14], $0x2800  }
0x8f: {  	[sflag:s14] =	ssyncset.done $0x0  }
0x90: {  	[sflag:s14] =	ssyncadd.s32 $0xFFFFD800  }
0x91: {  	_ =	sfence.sel $0x180000  }
0x92: {  	[bflag:$0x0] =	sbarrier.arrive $0xFFFF  }
0x93: {  	p0 =	sne.s32 s1, $0x0;
	_ =	strace $0x9000004A  }
0x94: {  	s0 =	sadd.s32 @!p0 $0x100000, s0;
	[bflag:$0x2] =	sbarrier.arrive $0xFFFF  }
0x95: {  	[sflag:s0] =	ssyncadd.tile.s32 @!p0 $0x1;
	_ =	shalt  }
.Lfunc_end2:
_tile_overlayer_lowered:
.L_overlay_start_2:
0x96: {  	(tag) =	ssettag $0x2  }
0x97: {  	s0 =	rddreg [dreg:$0x0];
	s2 =	stileid.u32  }
0x98: {  	s1 =	rddreg [dreg:$0x1];
	p0 =	sne.s32 s2, $0x0  }
0x99: {  	s3 =	rddreg [dreg:$0x2];
	[bflag:$0x3] =	sbarrier.arrive $0xFFFF;
	s2 =	simm.s32 @!p0 $0x1C05  }
0x9a: {  	[timem:s3], [sflag:s2] =	dma.local @!p0 [hbm:s0], s1  }
0x9b: {  	s0 =	simm.s32 @!p0 $0x5  }
0x9c: {  	_ =	swait.ge @!p0 [sflag:s0], s1  }
0x9d: {  	s1 =	ssub.s32 @!p0 $0x0, s1;
	[sflag:s0] =	ssyncset.done @!p0 $0x0  }
0x9e: {  	[sflag:s0] =	ssyncadd.s32 @!p0 s1  }
0x9f: {  	[bflag:$0x3] =	sbarrier.arrive $0xFFFF  }
0xa0: {  	_ =	shalt  }

// kernel: kernel.16.cloned.1.call-start
scs
__scs_entry_jumppad:
0x0: {  	(pc) =	sbr.rel $0x88, $3  }
0x1: {  	(tag) =	ssettag $0x0;
	lr =	simm.s32 $0x1  }
0x2: {  	[smem:$0x3F85] =	sst lr;
	_ =	strace $0xD0000000  }
0x3: {  	_ = 	snop  }
0x4: {  	_ = 	snop  }
0x5: {  	_ = 	snop  }
0x6: {  	_ = 	snop  }
0x7: {  	_ = 	snop  }
__scs_overlays_trampoline_lowered:
0x8: {  	[smem:$0x3F94] =	sst s0  }
0x9: {  	[smem:$0x3F95] =	sst s1  }
0xa: {  	[smem:$0x3F96] =	sst s2  }
0xb: {  	[smem:$0x3F97] =	sst s3  }
0xc: {  	[smem:$0x3F98] =	sst s4  }
0xd: {  	[smem:$0x3F99] =	sst s5  }
0xe: {  	[smem:$0x3F9A] =	sst s6  }
0xf: {  	[smem:$0x3F9B] =	sst s7  }
0x10: {  	[smem:$0x3F9C] =	sst s8  }
0x11: {  	[smem:$0x3F9D] =	sst s9;
	s0 =	simm.s32 @!p0 $0x0  }
0x12: {  	s1 =	sld [smem:$0x3F83];
	s0 =	simm.s32 @p0 $0x1  }
0x13: {  	[smem:$0x3F9E] =	sst s0;
	s0 =	simm.s32 @!p1 $0x0  }
0x14: {  	s2 =	sld [smem:$0x3F82];
	s0 =	simm.s32 @p1 $0x1  }
0x15: {  	[smem:$0x3F9F] =	sst s0;
	s0 =	simm.s32 @!p2 $0x0  }
0x16: {  	s3 =	sld [smem:$0x3FDB];
	s0 =	simm.s32 @p2 $0x1  }
0x17: {  	s4 =	simm.s32 $0x1BF5;
	[smem:$0x3FA1] =	sst s0  }
0x18: {  	s0 =	sld [smem:$0x3F84];
	_ =	swait.ge [sflag:s4], $0x0  }
0x19: {  	s7 =	sld [smem:$0x3F85]  }
0x1a: {  	s8 =	sadd.s32 $0xFFFFE003, lr  }
0x1b: {  	s9 =	sadd.s32 $0xFFFFFEF7, lr;
	s5 =	simm.s32 $0xFFFFFFFF;
	p2 =	slt.u32 s8, $0xFFFFF086  }
0x1c: {  	p1 =	slt.u32 s9, $0xF7A;
	s5 =	simm.s32 @!p2 $0x0  }
0x1d: {  	s5 =	simm.s32 @p1 $0x1;
	p0 =	seq.s32 s7, s2  }
0x1e: {  	s7 =	smul.u32 @!p0 $0xF7A, s2;
	p2 =	seq.s32 @!p0 s5, $0x0  }
0x1f: {  	s9 =	smul.u32 $0xF7A, s1;
	s8 =	simm.s32 @!p0 $0x1BF5;
	p2 =	por !p2, p0  }
0x20: {  	[sflag:s8] =	ssyncset.s32 @!p0 $0xFFFFF086;
	s6 =	sadd.s32 @!p0 s3, s7;
	s7 =	simm.s32 @!p0 $0x108  }
0x21: {  	s3 =	sadd.s32 s3, s9;
	s6 =	sadd.s32 @!p0 $0x88, s6;
	s7 =	simm.s32 @p2 $0x1082  }
0x22: {  	[simem:s7], [sflag:s8] =	dma.local @!p0 [hbm:s6], $0xF7A  }
0x23: {  	s9 =	sor.u32 $0xD0000000, s2;
	s6 =	simm.s32 $0x108;
	_ =	swait.ge @!p0 [sflag:s8], $0x0  }
0x24: {  	s3 =	sadd.s32 $0x88, s3;
	s6 =	simm.s32 @!p1 $0x1082;
	[sflag:s4] =	ssyncset.s32 $0xFFFFF086  }
0x25: {  	[simem:s6], [sflag:s4] =	dma.local [hbm:s3], $0xF7A  }
0x26: {  	[smem:$0x3F85] =	sst s1;
	(tag) =	ssettag s2;
	_ =	strace s9  }
0x27: {  	s1 =	sld [smem:$0x3F95]  }
0x28: {  	s2 =	sld [smem:$0x3F96]  }
0x29: {  	s4 =	sld [smem:$0x3F98]  }
0x2a: {  	p0 =	seq.s32 s5, $0x0;
	s5 =	sld [smem:$0x3F99]  }
0x2b: {  	s6 =	sld [smem:$0x3F9A]  }
0x2c: {  	s7 =	sld [smem:$0x3F9B]  }
0x2d: {  	s3 =	simm.s32 $0x108;
	s8 =	sld [smem:$0x3F9C]  }
0x2e: {  	s3 =	simm.s32 @!p0 $0x1082;
	s9 =	sld [smem:$0x3F9D]  }
0x2f: {  	lr =	sadd.s32 s0, s3;
	s0 =	sld [smem:$0x3F94]  }
0x30: {  	s3 =	sld [smem:$0x3F97]  }
0x31: {  	[smem:$0x3FA0] =	sst s10  }
0x32: {  	s10 =	sld [smem:$0x3F9E];
	_ =	sdelay $0x3  }
0x33: {  	p0 =	seq.s32 s10, $0x1;
	s10 =	sld [smem:$0x3FA0];
	_ =	sdelay $0x3  }
0x34: {  	[smem:$0x3FA0] =	sst s10  }
0x35: {  	s10 =	sld [smem:$0x3F9F];
	_ =	sdelay $0x3  }
0x36: {  	p1 =	seq.s32 s10, $0x1;
	s10 =	sld [smem:$0x3FA0];
	_ =	sdelay $0x3  }
0x37: {  	[smem:$0x3FA0] =	sst s10  }
0x38: {  	s10 =	sld [smem:$0x3FA1]  }
0x39: {  	_ = 	snop;
	(pc) =	sbr.ind lr, $3  }
0x3a: {  	_ = 	snop  }
0x3b: {  	_ = 	snop  }
0x3c: {  	p2 =	seq.s32 s10, $0x1;
	s10 =	sld [smem:$0x3FA0]  }
0x3d: {  	_ =	shalt  }
0x3e: {  	_ =	shalt  }
0x3f: {  	_ =	shalt  }
0x40: {  	_ =	shalt  }
0x41: {  	_ =	shalt  }
0x42: {  	_ =	shalt  }
0x43: {  	_ =	shalt  }
0x44: {  	_ =	shalt  }
0x45: {  	_ =	shalt  }
0x46: {  	_ =	shalt  }
0x47: {  	_ =	shalt  }
0x48: {  	_ =	shalt  }
0x49: {  	_ =	shalt  }
0x4a: {  	_ =	shalt  }
0x4b: {  	_ =	shalt  }
0x4c: {  	_ =	shalt  }
0x4d: {  	_ =	shalt  }
0x4e: {  	_ =	shalt  }
0x4f: {  	_ =	shalt  }
0x50: {  	_ =	shalt  }
0x51: {  	_ =	shalt  }
0x52: {  	_ =	shalt  }
0x53: {  	_ =	shalt  }
0x54: {  	_ =	shalt  }
0x55: {  	_ =	shalt  }
0x56: {  	_ =	shalt  }
0x57: {  	_ =	shalt  }
0x58: {  	_ =	shalt  }
0x59: {  	_ =	shalt  }
0x5a: {  	_ =	shalt  }
0x5b: {  	_ =	shalt  }
0x5c: {  	_ =	shalt  }
0x5d: {  	_ =	shalt  }
0x5e: {  	_ =	shalt  }
0x5f: {  	_ =	shalt  }
0x60: {  	_ =	shalt  }
0x61: {  	_ =	shalt  }
0x62: {  	_ =	shalt  }
0x63: {  	_ =	shalt  }
0x64: {  	_ =	shalt  }
0x65: {  	_ =	shalt  }
0x66: {  	_ =	shalt  }
0x67: {  	_ =	shalt  }
0x68: {  	_ =	shalt  }
0x69: {  	_ =	shalt  }
0x6a: {  	_ =	shalt  }
0x6b: {  	_ =	shalt  }
0x6c: {  	_ =	shalt  }
0x6d: {  	_ =	shalt  }
0x6e: {  	_ =	shalt  }
0x6f: {  	_ =	shalt  }
0x70: {  	_ =	shalt  }
0x71: {  	_ =	shalt  }
0x72: {  	_ =	shalt  }
0x73: {  	_ =	shalt  }
0x74: {  	_ =	shalt  }
0x75: {  	_ =	shalt  }
0x76: {  	_ =	shalt  }
0x77: {  	_ =	shalt  }
0x78: {  	_ =	shalt  }
0x79: {  	_ =	shalt  }
0x7a: {  	_ =	shalt  }
0x7b: {  	_ =	shalt  }
0x7c: {  	_ =	shalt  }
0x7d: {  	_ =	shalt  }
0x7e: {  	_ =	shalt  }
0x7f: {  	_ =	shalt  }
0x80: {  	_ =	shalt  }
0x81: {  	_ =	shalt  }
0x82: {  	_ =	shalt  }
0x83: {  	_ =	shalt  }
0x84: {  	_ =	shalt  }
0x85: {  	_ =	shalt  }
0x86: {  	_ =	shalt  }
0x87: {  	_ =	shalt  }
.Lfunc_end0:
.L_simem_size_0:
called_computation.2_lowered:
.L_overlay_start_0:
0x88: {  	s2 =	sld [smem:$0x3FD9]  }
0x89: {  	s3 =	sld [smem:$0x3FFE];
	_ =	sdelay $0x1  }
0x8a: {  	s1 =	srdreg.scid  }
0x8b: {  	s0 =	sand.u32 $0x1, s1  }
0x8c: {  	s16 =	sshll.u32 s0, $0xA;
	s2 =	sadd.s32 s3, s2  }
0x8d: {  	s2 =	sadd.s32 s2, s16  }
0x8e: {  	[smem:$0x3FAC] =	sst s2  }
0x8f: {  	_ = 	snop  }
0x90: {  	(tm) =	ssettm $0x1  }
0x91: {  	s17 =	sld [smem:$0x3FFB];
	_ =	sdelay $0x3  }
0x92: {  	_ =	strace s17  }
0x93: {  	s2 =	sld [smem:$0x3FFC];
	_ =	sdelay $0x3  }
0x94: {  	_ =	strace s2  }
0x95: {  	s2 =	sld [smem:$0x3FFD];
	_ =	sdelay $0x3  }
0x96: {  	_ =	strace s2  }
0x97: {  	_ =	strace $0x8FFFFFFF  }
0x98: {  	s18 =	sld [smem:$0x3FDB];
	_ =	sdelay $0x1  }
0x99: {  	s19 =	simm.s32 $_scs_section_size  }
0x9a: {  	s4 =	simm.s32 $_size__tile_overlayer_lowered;
	s5 =	simm.s32 $_tile_overlayer_lowered  }
0x9b: {  	s22 =	simm.s32 $0x1BFF;
	s21 =	sshll.u32 s5, $0x1;
	s2 =	sadd.s32 s19, s18  }
0x9c: {  	s6 =	simm.s32 $0x0;
	s20 =	sshll.u32 s4, $0x1;
	s4 =	sadd.s32 s21, s2  }
0x9d: {  	[timem:s6], [sflag:s22] =	dma.local [hbm:s4], s20  }
0x9e: {  	_ =	swait.ge [sflag:s22], s20  }
0x9f: {  	s3 =	ssub.s32 $0x0, s20;
	[sflag:s22] =	ssyncset.done $0x0  }
0xa0: {  	[sflag:s22] =	ssyncadd.s32 s3;
	_ =	sdelay $0x1  }
0xa1: {  	s23 =	simm.s32 $0x1B8B  }
0xa2: {  	_ =	swait.ge [sflag:s23], $0x1  }
0xa3: {  	[sflag:s23] =	ssyncset.done $0x0  }
0xa4: {  	s25 =	simm.s32 $0x1B8E;
	s24 =	sld [smem:$0x3FFE];
	[sflag:s23] =	ssyncadd.s32 $0xFFFFFFFF  }
0xa5: {  	s26 =	simm.s32 $execute0_lowered;
	[smem:$0x3FD2] =	sst s25  }
0xa6: {  	s4 =	sshll.u32 s26, $0x1;
	_ =	strace $0x8000004C;
	[dreg:$0x1] =	wrdreg $0xFFFFFFFF  }
0xa7: {  	s28 =	simm.s32 $_size_execute0_lowered;
	s2 =	sadd.s32 s2, s4;
	[dreg:$0x0] =	wrdreg $0x0  }
0xa8: {  	s4 =	sshll.u32 s28, $0x1;
	[dreg:$0x2] =	wrdreg s2  }
0xa9: {  	[dreg:$0x3] =	wrdreg s4  }
0xaa: {  	[dreg:$0x4] =	wrdreg $0xC0  }
0xab: {  	_ =	task [dreg:s6], $0x5FFFF  }
0xac: {  	[dreg:$0x1] =	wrdreg $0xFFFFFFFF  }
0xad: {  	[dreg:$0x0] =	wrdreg $0x60  }
0xae: {  	[dreg:$0x2] =	wrdreg s24  }
0xaf: {  	[dreg:$0x3] =	wrdreg $0xA8000  }
0xb0: {  	[dreg:$0x4] =	wrdreg $0x9  }
0xb1: {  	_ =	task.clear_ibuf [dreg:s6], $0x5FFFF;
	_ =	strace $0x9000004C  }
0xb2: {  	s29 =	simm.s32 $0x9;
	_ =	strace $0x8000004E  }
0xb3: {  	_ =	swait.ge [sflag:s29], $0x1  }
0xb4: {  	[sflag:s29] =	ssyncadd.s32 $0xFFFFFFFF  }
0xb5: {  	_ =	strace $0x9000004E  }
0xb6: {  	_ =	sfence  }
0xb7: {  	s30 =	sld [smem:$0x0];
	_ =	sdelay $0x2  }
0xb8: {  	s31 =	sshll.u32 s1, $0xD;
	s1 =	sshrl.u32 s1, $0x2  }
0xb9: {  	s3 =	sand.u32 $0x4000, s31;
	s1 =	sadd.s32 s1, s30  }
0xba: {  	s0 =	sor.u32 s3, s0;
	s1 =	sshll.u32 s1, $0x11  }
0xbb: {  	s0 =	sor.u32 s1, s0  }
0xbc: {  	s0 =	sadd.s32 $0x8F2B, s0  }
0xbd: {  	[sflag:s0] =	ssyncadd.remote.s32 $0x1  }
0xbe: {  	_ =	sfence.sel $0xFFFF  }
0xbf: {  	[dreg:$0x0] =	wrdreg $0xFFFFFFFF;
	(pc) =	sbr.abs _section_cstart, $3  }
0xc0: {  	[dreg:$0x1] =	wrdreg $0xFFFFFFFF  }
0xc1: {  	_ =	task.clear_ibuf [dreg:s6], $0x2FFFF;
	_ =	strace $0x9FFFFFFF  }
0xc2: {  	(tm) =	ssettm $0x7FFFFFFF  }
0xc3: {  	_ =	shalt  }
tec
execute0_lowered:
.L_overlay_start_1:
0x0: {  	(tag) =	ssettag $0x1  }
0x1: {  	s6 =	rddreg [dreg:$0x0]  }
0x2: {  	s2 =	rddreg [dreg:$0x1]  }
0x3: {  	s0 =	rddreg [dreg:$0x2];
	s3 =	simm.s32 $0x0;
	s4 =	srdreg.scid  }
0x4: {  	s1 =	stileid.u32;
	s16 =	simm.s32 $0x80;
	s17 =	simm.s32 $0x2800  }
0x5: {  	s18 =	simm.s32 $0x6800;
	s19 =	simm.s32 $0x1;
	s20 =	simm.s32 $0x2  }
0x6: {  	s21 =	simm.s32 $0x3;
	s22 =	simm.s32 $0x4;
	s23 =	simm.s32 $0x2700  }
0x7: {  	[smem:$0x7FF] =	sst s3;
	s7 =	sand.u32 $0x1, s4;
	s8 =	smul.u32 $0x2800, s1  }
0x8: {  	s4 =	sadd.s32 $0x1CC00, s6;
	s10 =	sadd.s32 $0x10400, s6;
	s11 =	sadd.s32 $0x6400, s6  }
0x9: {  	s5 =	sadd.s32 $0x1A400, s6;
	s24 =	sshll.u32 s1, $0x1;
	s25 =	smul.u32 $0x50000, s1  }
0xa: {  	s31 =	sshll.u32 s1, $0x6;
	_ =	strace $0x8000004D;
	s9 =	smul.u32 $0x28000, s7  }
0xb: {  	s12 =	ssub.s32 $0x2, s7;
	s7 =	sor.u32 s7, s24;
	s24 =	simm.s32 $0x2780  }
0xc: {  	s26 =	sshrl.u32 s12, $0x1;
	s28 =	smul.u32 $0x2800, s7;
	s29 =	sshrl.u32 s25, $0x2  }
0xd: {  	s30 =	smul.u32 $0x500, s7;
	s25 =	simm.s32 $0x0;
	s8 =	sadd.s32 s8, s9  }
0xe: {  	s12 =	ssub.s32 s12, s26;
	s14 =	sadd.s32 s29, s2;
	s13 =	sadd.s32 s8, s6  }
0xf: {  	s8 =	sshrl.u32 s28, $0x3;
	s6 =	sor.u32 $0x1C05, s31;
	s7 =	sadd.s32 s10, s30  }
0x10: {  	s12 =	smax.u32 s12, $0x1;
	s15 =	sadd.s32 $0x280, s8;
	s8 =	sadd.s32 s11, s30  }
0x11: {  	s9 =	sadd.s32 s10, s15;
	s10 =	sadd.s32 s11, s15;
	s11 =	sadd.s32 $0x44C00, s13  }
0x12: {  	s13 =	sshrl.u32 s14, $0x3;
	s14 =	simm.s32 $0x5;
	s15 =	simm.s32 $0x1400  }
.LBB2_1:
0x13: {  	[spmem:s13], [sflag:s6] =	dma.local [hbm:s5], $0x2800  }
0x14: {  	_ =	swait.ge [sflag:s14], $0x2800  }
0x15: {  	[sflag:s14] =	ssyncset.done $0x0  }
0x16: {  	[sflag:s14] =	ssyncadd.s32 $0xFFFFD800  }
0x17: {  	[bflag:$0x0] =	sbarrier.arrive $0xFFFF  }
0x18: {  	[tilespmem:s3], [sflag:$0x5] =	stream.linear.gather [hbm4b:s7+s3], $0x1400, $0x38;
	[tilespmem:$0x1E800] =	vst v63  }
0x19: {  	_ =	swait.ge [sflag:s14], $0x1400  }
0x1a: {  	[sflag:s14] =	ssyncset.done $0x0  }
0x1b: {  	[sflag:s14] =	ssyncadd.s32 $0xFFFFEC00  }
0x1c: {  	[tilespmem:s15], [sflag:$0x5] =	stream.linear.gather [hbm4b:s8+s3], $0x1400, $0x38;
	[tilespmem:$0x1E800] =	vst v63  }
0x1d: {  	_ =	swait.ge [sflag:s14], $0x1400  }
0x1e: {  	[sflag:s14] =	ssyncset.done $0x0  }
0x1f: {  	[sflag:s14] =	ssyncadd.s32 $0xFFFFEC00  }
0x20: {  	[tilespmem:s17], [sflag:$0x1] =	stream.indirect.gather [hbm4b:s4+s16], $0x80, s3, s16, $0xb8;
	[tilespmem:$0x1E800] =	vst v63  }
0x21: {  	_ = 	snop  }
0x22: {  	[tilespmem:s18], [sflag:$0x2] =	stream.indirect.gather [hbm4b:s4+s16], $0x80, s16, s16, $0xb8;
	[tilespmem:$0x1E800] =	vst v63  }
0x23: {  	_ =	swait.ge [sflag:s19], $0x4000  }
0x24: {  	[sflag:s19] =	ssyncset.done $0x0  }
0x25: {  	s26 =	simm.s32 $0x1400;
	[sflag:s19] =	ssyncadd.s32 $0xFFFFC000  }
0x26: {  	[spmem:s2] =	stream.indirect.scatter.add.f32 [tilespmem:s17], [sflag:$0x3], $0x80, s26, s16, $0xb8;
	[tilespmem:$0x1E800] =	vst v63  }
0x27: {  	_ =	swait.ge [sflag:s20], $0x4000  }
0x28: {  	[sflag:s20] =	ssyncset.done $0x0  }
0x29: {  	s30 =	simm.s32 $0x1480;
	[sflag:s20] =	ssyncadd.s32 $0xFFFFC000  }
0x2a: {  	[spmem:s2] =	stream.indirect.scatter.add.f32 [tilespmem:s18], [sflag:$0x4], $0x80, s30, s16, $0xb8;
	[tilespmem:$0x1E800] =	vst v63  }
0x2b: {  	_ =	swait.ge [sflag:s21], $0x4000  }
0x2c: {  	[sflag:s21] =	ssyncset.done $0x0  }
0x2d: {  	s31 =	simm.s32 $0x100;
	[sflag:s21] =	ssyncadd.s32 $0xFFFFC000  }
0x2e: {  	[tilespmem:s17], [sflag:$0x1] =	stream.indirect.gather [hbm4b:s4+s16], $0x80, s31, s16, $0xb8;
	[tilespmem:$0x1E800] =	vst v63  }
0x2f: {  	_ =	swait.ge [sflag:s22], $0x4000  }
0x30: {  	[sflag:s22] =	ssyncset.done $0x0  }
0x31: {  	s28 =	simm.s32 $0x180;
	s26 =	simm.s32 $0x400;
	[sflag:s22] =	ssyncadd.s32 $0xFFFFC000  }
.LBB2_2:
0x32: {  	[tilespmem:s18], [sflag:$0x2] =	stream.indirect.gather [hbm4b:s4+s16], $0x80, s28, s16, $0xb8;
	[tilespmem:$0x1E800] =	vst v63  }
0x33: {  	s28 =	smov.u32 s26  }
0x34: {  	p0 =	sne.s32 s26, $0x4800;
	s26 =	sadd.s32 $0x400, s26;
	_ =	swait.ge [sflag:s19], $0x4000  }
0x35: {  	s28 =	sshra.s32 s28, $0x2;
	[sflag:s19] =	ssyncset.done $0x0  }
0x36: {  	s29 =	sadd.s32 $0x1400, s28;
	[sflag:s19] =	ssyncadd.s32 $0xFFFFC000  }
0x37: {  	[spmem:s2] =	stream.indirect.scatter.add.f32 [tilespmem:s17], [sflag:$0x3], $0x80, s29, s16, $0xb8;
	[tilespmem:$0x1E800] =	vst v63  }
0x38: {  	_ =	swait.ge [sflag:s20], $0x4000  }
0x39: {  	[sflag:s20] =	ssyncset.done $0x0  }
0x3a: {  	s29 =	sadd.s32 $0x1480, s28;
	[sflag:s20] =	ssyncadd.s32 $0xFFFFC000  }
0x3b: {  	[spmem:s2] =	stream.indirect.scatter.add.f32 [tilespmem:s18], [sflag:$0x4], $0x80, s29, s16, $0xb8;
	[tilespmem:$0x1E800] =	vst v63  }
0x3c: {  	_ =	swait.ge [sflag:s21], $0x4000  }
0x3d: {  	[sflag:s21] =	ssyncset.done $0x0  }
.Ltmp0:
0x3e: {  	s29 =	sadd.s32 $0x100, s28;
	[sflag:s21] =	ssyncadd.s32 $0xFFFFC000;
	(pc) =	sbr.rel @p0 .LBB2_2-.Ltmp0, $4  }
0x3f: {  	[tilespmem:s17], [sflag:$0x1] =	stream.indirect.gather [hbm4b:s4+s16], $0x80, s29, s16, $0xb8;
	[tilespmem:$0x1E800] =	vst v63  }
0x40: {  	_ =	swait.ge [sflag:s22], $0x4000  }
0x41: {  	[sflag:s22] =	ssyncset.done $0x0  }
0x42: {  	s28 =	sadd.s32 $0x180, s28;
	[sflag:s22] =	ssyncadd.s32 $0xFFFFC000  }
0x43: {  	[tilespmem:s18], [sflag:$0x2] =	stream.indirect.gather [hbm4b:s4+s16], $0x80, s28, s16, $0xb8;
	[tilespmem:$0x1E800] =	vst v63  }
0x44: {  	_ =	swait.ge [sflag:s19], $0x4000  }
0x45: {  	[sflag:s19] =	ssyncset.done $0x0  }
0x46: {  	[sflag:s19] =	ssyncadd.s32 $0xFFFFC000  }
0x47: {  	[spmem:s2] =	stream.indirect.scatter.add.f32 [tilespmem:s17], [sflag:$0x3], $0x80, s23, s16, $0xb8;
	[tilespmem:$0x1E800] =	vst v63  }
0x48: {  	_ =	swait.ge [sflag:s20], $0x4000  }
0x49: {  	[sflag:s20] =	ssyncset.done $0x0  }
0x4a: {  	[sflag:s20] =	ssyncadd.s32 $0xFFFFC000  }
0x4b: {  	[spmem:s2] =	stream.indirect.scatter.add.f32 [tilespmem:s18], [sflag:$0x4], $0x80, s24, s16, $0xb8;
	[tilespmem:$0x1E800] =	vst v63  }
0x4c: {  	_ =	swait.ge [sflag:s21], $0x4000  }
0x4d: {  	[sflag:s21] =	ssyncset.done $0x0  }
0x4e: {  	[sflag:s21] =	ssyncadd.s32 $0xFFFFC000  }
0x4f: {  	_ =	swait.ge [sflag:s22], $0x4000  }
0x50: {  	[sflag:s22] =	ssyncset.done $0x0  }
0x51: {  	s26 =	simm.s32 $0x0;
	[sflag:s22] =	ssyncadd.s32 $0xFFFFC000  }
0x52: {  	[tilespmem:s26], [sflag:$0x5] =	stream.linear.gather [hbm4b:s9+s26], $0x1400, $0x38;
	[tilespmem:$0x1E800] =	vst v63  }
0x53: {  	_ =	swait.ge [sflag:s14], $0x1400  }
0x54: {  	[sflag:s14] =	ssyncset.done $0x0  }
0x55: {  	[sflag:s14] =	ssyncadd.s32 $0xFFFFEC00  }
0x56: {  	[tilespmem:s15], [sflag:$0x5] =	stream.linear.gather [hbm4b:s10+s26], $0x1400, $0x38;
	[tilespmem:$0x1E800] =	vst v63  }
0x57: {  	_ =	swait.ge [sflag:s14], $0x1400  }
0x58: {  	[sflag:s14] =	ssyncset.done $0x0  }
0x59: {  	[sflag:s14] =	ssyncadd.s32 $0xFFFFEC00  }
0x5a: {  	[tilespmem:s17], [sflag:$0x1] =	stream.indirect.gather [hbm4b:s4+s16], $0x80, s26, s16, $0xb8;
	[tilespmem:$0x1E800] =	vst v63  }
0x5b: {  	_ = 	snop  }
0x5c: {  	[tilespmem:s18], [sflag:$0x2] =	stream.indirect.gather [hbm4b:s4+s16], $0x80, s16, s16, $0xb8;
	[tilespmem:$0x1E800] =	vst v63  }
0x5d: {  	_ =	swait.ge [sflag:s19], $0x4000  }
0x5e: {  	[sflag:s19] =	ssyncset.done $0x0  }
0x5f: {  	s29 =	simm.s32 $0x1400;
	[sflag:s19] =	ssyncadd.s32 $0xFFFFC000  }
0x60: {  	[spmem:s2] =	stream.indirect.scatter.add.f32 [tilespmem:s17], [sflag:$0x3], $0x80, s29, s16, $0xb8;
	[tilespmem:$0x1E800] =	vst v63  }
0x61: {  	_ =	swait.ge [sflag:s20], $0x4000  }
0x62: {  	[sflag:s20] =	ssyncset.done $0x0  }
0x63: {  	s30 =	simm.s32 $0x1480;
	[sflag:s20] =	ssyncadd.s32 $0xFFFFC000  }
0x64: {  	[spmem:s2] =	stream.indirect.scatter.add.f32 [tilespmem:s18], [sflag:$0x4], $0x80, s30, s16, $0xb8;
	[tilespmem:$0x1E800] =	vst v63  }
0x65: {  	_ =	swait.ge [sflag:s21], $0x4000  }
0x66: {  	[sflag:s21] =	ssyncset.done $0x0  }
0x67: {  	s31 =	simm.s32 $0x100;
	[sflag:s21] =	ssyncadd.s32 $0xFFFFC000  }
0x68: {  	[tilespmem:s17], [sflag:$0x1] =	stream.indirect.gather [hbm4b:s4+s16], $0x80, s31, s16, $0xb8;
	[tilespmem:$0x1E800] =	vst v63  }
0x69: {  	_ =	swait.ge [sflag:s22], $0x4000  }
0x6a: {  	[sflag:s22] =	ssyncset.done $0x0  }
0x6b: {  	s28 =	simm.s32 $0x180;
	s26 =	simm.s32 $0x400;
	[sflag:s22] =	ssyncadd.s32 $0xFFFFC000  }
.LBB2_4:
0x6c: {  	[tilespmem:s18], [sflag:$0x2] =	stream.indirect.gather [hbm4b:s4+s16], $0x80, s28, s16, $0xb8;
	[tilespmem:$0x1E800] =	vst v63  }
0x6d: {  	s28 =	smov.u32 s26  }
0x6e: {  	p0 =	sne.s32 s26, $0x4800;
	s26 =	sadd.s32 $0x400, s26;
	_ =	swait.ge [sflag:s19], $0x4000  }
0x6f: {  	s28 =	sshra.s32 s28, $0x2;
	[sflag:s19] =	ssyncset.done $0x0  }
0x70: {  	s29 =	sadd.s32 $0x1400, s28;
	[sflag:s19] =	ssyncadd.s32 $0xFFFFC000  }
0x71: {  	[spmem:s2] =	stream.indirect.scatter.add.f32 [tilespmem:s17], [sflag:$0x3], $0x80, s29, s16, $0xb8;
	[tilespmem:$0x1E800] =	vst v63  }
0x72: {  	_ =	swait.ge [sflag:s20], $0x4000  }
0x73: {  	[sflag:s20] =	ssyncset.done $0x0  }
0x74: {  	s29 =	sadd.s32 $0x1480, s28;
	[sflag:s20] =	ssyncadd.s32 $0xFFFFC000  }
0x75: {  	[spmem:s2] =	stream.indirect.scatter.add.f32 [tilespmem:s18], [sflag:$0x4], $0x80, s29, s16, $0xb8;
	[tilespmem:$0x1E800] =	vst v63  }
0x76: {  	_ =	swait.ge [sflag:s21], $0x4000  }
0x77: {  	[sflag:s21] =	ssyncset.done $0x0  }
.Ltmp1:
0x78: {  	s29 =	sadd.s32 $0x100, s28;
	[sflag:s21] =	ssyncadd.s32 $0xFFFFC000;
	(pc) =	sbr.rel @p0 .LBB2_4-.Ltmp1, $4  }
0x79: {  	[tilespmem:s17], [sflag:$0x1] =	stream.indirect.gather [hbm4b:s4+s16], $0x80, s29, s16, $0xb8;
	[tilespmem:$0x1E800] =	vst v63  }
0x7a: {  	_ =	swait.ge [sflag:s22], $0x4000  }
0x7b: {  	[sflag:s22] =	ssyncset.done $0x0  }
0x7c: {  	s28 =	sadd.s32 $0x180, s28;
	[sflag:s22] =	ssyncadd.s32 $0xFFFFC000  }
0x7d: {  	[tilespmem:s18], [sflag:$0x2] =	stream.indirect.gather [hbm4b:s4+s16], $0x80, s28, s16, $0xb8;
	[tilespmem:$0x1E800] =	vst v63  }
0x7e: {  	_ =	swait.ge [sflag:s19], $0x4000  }
0x7f: {  	[sflag:s19] =	ssyncset.done $0x0  }
0x80: {  	[sflag:s19] =	ssyncadd.s32 $0xFFFFC000  }
0x81: {  	[spmem:s2] =	stream.indirect.scatter.add.f32 [tilespmem:s17], [sflag:$0x3], $0x80, s23, s16, $0xb8;
	[tilespmem:$0x1E800] =	vst v63  }
0x82: {  	_ =	swait.ge [sflag:s20], $0x4000  }
0x83: {  	[sflag:s20] =	ssyncset.done $0x0  }
0x84: {  	[sflag:s20] =	ssyncadd.s32 $0xFFFFC000  }
0x85: {  	[spmem:s2] =	stream.indirect.scatter.add.f32 [tilespmem:s18], [sflag:$0x4], $0x80, s24, s16, $0xb8;
	[tilespmem:$0x1E800] =	vst v63  }
0x86: {  	_ =	swait.ge [sflag:s21], $0x4000  }
0x87: {  	[sflag:s21] =	ssyncset.done $0x0  }
0x88: {  	[sflag:s21] =	ssyncadd.s32 $0xFFFFC000  }
0x89: {  	_ =	swait.ge [sflag:s22], $0x4000  }
0x8a: {  	s25 =	sadd.s32 $0x1, s25;
	[sflag:s22] =	ssyncset.done $0x0  }
0x8b: {  	p0 =	sne.s32 s25, s12;
	[sflag:s22] =	ssyncadd.s32 $0xFFFFC000  }
.Ltmp2:
0x8c: {  	[bflag:$0x0] =	sbarrier.arrive $0xFFFF;
	(pc) =	sbr.rel @p0 .LBB2_1-.Ltmp2, $4  }
0x8d: {  	[hbm:s11], [sflag:s6] =	dma.local [spmem:s13], $0x2800  }
0x8e: {  	_ =	swait.ge [sflag:s14], $0x2800  }
0x8f: {  	[sflag:s14] =	ssyncset.done $0x0  }
0x90: {  	[sflag:s14] =	ssyncadd.s32 $0xFFFFD800  }
0x91: {  	_ =	sfence.sel $0x180000  }
0x92: {  	[bflag:$0x0] =	sbarrier.arrive $0xFFFF  }
0x93: {  	p0 =	sne.s32 s1, $0x0;
	_ =	strace $0x9000004D  }
0x94: {  	s0 =	sadd.s32 @!p0 $0x100000, s0;
	[bflag:$0x2] =	sbarrier.arrive $0xFFFF  }
0x95: {  	[sflag:s0] =	ssyncadd.tile.s32 @!p0 $0x1;
	_ =	shalt  }
.Lfunc_end2:
_tile_overlayer_lowered:
.L_overlay_start_2:
0x96: {  	(tag) =	ssettag $0x2  }
0x97: {  	s0 =	rddreg [dreg:$0x0];
	s2 =	stileid.u32  }
0x98: {  	s1 =	rddreg [dreg:$0x1];
	p0 =	sne.s32 s2, $0x0  }
0x99: {  	s3 =	rddreg [dreg:$0x2];
	[bflag:$0x3] =	sbarrier.arrive $0xFFFF;
	s2 =	simm.s32 @!p0 $0x1C05  }
0x9a: {  	[timem:s3], [sflag:s2] =	dma.local @!p0 [hbm:s0], s1  }
0x9b: {  	s0 =	simm.s32 @!p0 $0x5  }
0x9c: {  	_ =	swait.ge @!p0 [sflag:s0], s1  }
0x9d: {  	s1 =	ssub.s32 @!p0 $0x0, s1;
	[sflag:s0] =	ssyncset.done @!p0 $0x0  }
0x9e: {  	[sflag:s0] =	ssyncadd.s32 @!p0 s1  }
0x9f: {  	[bflag:$0x3] =	sbarrier.arrive $0xFFFF  }
0xa0: {  	_ =	shalt  }

// kernel: kernel.19.cloned.1.call-start
scs
__scs_entry_jumppad:
0x0: {  	(pc) =	sbr.rel $0x88, $3  }
0x1: {  	(tag) =	ssettag $0x0;
	lr =	simm.s32 $0x1  }
0x2: {  	[smem:$0x3F85] =	sst lr;
	_ =	strace $0xD0000000  }
0x3: {  	_ = 	snop  }
0x4: {  	_ = 	snop  }
0x5: {  	_ = 	snop  }
0x6: {  	_ = 	snop  }
0x7: {  	_ = 	snop  }
__scs_overlays_trampoline_lowered:
0x8: {  	[smem:$0x3F94] =	sst s0  }
0x9: {  	[smem:$0x3F95] =	sst s1  }
0xa: {  	[smem:$0x3F96] =	sst s2  }
0xb: {  	[smem:$0x3F97] =	sst s3  }
0xc: {  	[smem:$0x3F98] =	sst s4  }
0xd: {  	[smem:$0x3F99] =	sst s5  }
0xe: {  	[smem:$0x3F9A] =	sst s6  }
0xf: {  	[smem:$0x3F9B] =	sst s7  }
0x10: {  	[smem:$0x3F9C] =	sst s8  }
0x11: {  	[smem:$0x3F9D] =	sst s9;
	s0 =	simm.s32 @!p0 $0x0  }
0x12: {  	s1 =	sld [smem:$0x3F83];
	s0 =	simm.s32 @p0 $0x1  }
0x13: {  	[smem:$0x3F9E] =	sst s0;
	s0 =	simm.s32 @!p1 $0x0  }
0x14: {  	s2 =	sld [smem:$0x3F82];
	s0 =	simm.s32 @p1 $0x1  }
0x15: {  	[smem:$0x3F9F] =	sst s0;
	s0 =	simm.s32 @!p2 $0x0  }
0x16: {  	s3 =	sld [smem:$0x3FDB];
	s0 =	simm.s32 @p2 $0x1  }
0x17: {  	s4 =	simm.s32 $0x1BF5;
	[smem:$0x3FA1] =	sst s0  }
0x18: {  	s0 =	sld [smem:$0x3F84];
	_ =	swait.ge [sflag:s4], $0x0  }
0x19: {  	s7 =	sld [smem:$0x3F85]  }
0x1a: {  	s8 =	sadd.s32 $0xFFFFE003, lr  }
0x1b: {  	s9 =	sadd.s32 $0xFFFFFEF7, lr;
	s5 =	simm.s32 $0xFFFFFFFF;
	p2 =	slt.u32 s8, $0xFFFFF086  }
0x1c: {  	p1 =	slt.u32 s9, $0xF7A;
	s5 =	simm.s32 @!p2 $0x0  }
0x1d: {  	s5 =	simm.s32 @p1 $0x1;
	p0 =	seq.s32 s7, s2  }
0x1e: {  	s7 =	smul.u32 @!p0 $0xF7A, s2;
	p2 =	seq.s32 @!p0 s5, $0x0  }
0x1f: {  	s9 =	smul.u32 $0xF7A, s1;
	s8 =	simm.s32 @!p0 $0x1BF5;
	p2 =	por !p2, p0  }
0x20: {  	[sflag:s8] =	ssyncset.s32 @!p0 $0xFFFFF086;
	s6 =	sadd.s32 @!p0 s3, s7;
	s7 =	simm.s32 @!p0 $0x108  }
0x21: {  	s3 =	sadd.s32 s3, s9;
	s6 =	sadd.s32 @!p0 $0x88, s6;
	s7 =	simm.s32 @p2 $0x1082  }
0x22: {  	[simem:s7], [sflag:s8] =	dma.local @!p0 [hbm:s6], $0xF7A  }
0x23: {  	s9 =	sor.u32 $0xD0000000, s2;
	s6 =	simm.s32 $0x108;
	_ =	swait.ge @!p0 [sflag:s8], $0x0  }
0x24: {  	s3 =	sadd.s32 $0x88, s3;
	s6 =	simm.s32 @!p1 $0x1082;
	[sflag:s4] =	ssyncset.s32 $0xFFFFF086  }
0x25: {  	[simem:s6], [sflag:s4] =	dma.local [hbm:s3], $0xF7A  }
0x26: {  	[smem:$0x3F85] =	sst s1;
	(tag) =	ssettag s2;
	_ =	strace s9  }
0x27: {  	s1 =	sld [smem:$0x3F95]  }
0x28: {  	s2 =	sld [smem:$0x3F96]  }
0x29: {  	s4 =	sld [smem:$0x3F98]  }
0x2a: {  	p0 =	seq.s32 s5, $0x0;
	s5 =	sld [smem:$0x3F99]  }
0x2b: {  	s6 =	sld [smem:$0x3F9A]  }
0x2c: {  	s7 =	sld [smem:$0x3F9B]  }
0x2d: {  	s3 =	simm.s32 $0x108;
	s8 =	sld [smem:$0x3F9C]  }
0x2e: {  	s3 =	simm.s32 @!p0 $0x1082;
	s9 =	sld [smem:$0x3F9D]  }
0x2f: {  	lr =	sadd.s32 s0, s3;
	s0 =	sld [smem:$0x3F94]  }
0x30: {  	s3 =	sld [smem:$0x3F97]  }
0x31: {  	[smem:$0x3FA0] =	sst s10  }
0x32: {  	s10 =	sld [smem:$0x3F9E];
	_ =	sdelay $0x3  }
0x33: {  	p0 =	seq.s32 s10, $0x1;
	s10 =	sld [smem:$0x3FA0];
	_ =	sdelay $0x3  }
0x34: {  	[smem:$0x3FA0] =	sst s10  }
0x35: {  	s10 =	sld [smem:$0x3F9F];
	_ =	sdelay $0x3  }
0x36: {  	p1 =	seq.s32 s10, $0x1;
	s10 =	sld [smem:$0x3FA0];
	_ =	sdelay $0x3  }
0x37: {  	[smem:$0x3FA0] =	sst s10  }
0x38: {  	s10 =	sld [smem:$0x3FA1]  }
0x39: {  	_ = 	snop;
	(pc) =	sbr.ind lr, $3  }
0x3a: {  	_ = 	snop  }
0x3b: {  	_ = 	snop  }
0x3c: {  	p2 =	seq.s32 s10, $0x1;
	s10 =	sld [smem:$0x3FA0]  }
0x3d: {  	_ =	shalt  }
0x3e: {  	_ =	shalt  }
0x3f: {  	_ =	shalt  }
0x40: {  	_ =	shalt  }
0x41: {  	_ =	shalt  }
0x42: {  	_ =	shalt  }
0x43: {  	_ =	shalt  }
0x44: {  	_ =	shalt  }
0x45: {  	_ =	shalt  }
0x46: {  	_ =	shalt  }
0x47: {  	_ =	shalt  }
0x48: {  	_ =	shalt  }
0x49: {  	_ =	shalt  }
0x4a: {  	_ =	shalt  }
0x4b: {  	_ =	shalt  }
0x4c: {  	_ =	shalt  }
0x4d: {  	_ =	shalt  }
0x4e: {  	_ =	shalt  }
0x4f: {  	_ =	shalt  }
0x50: {  	_ =	shalt  }
0x51: {  	_ =	shalt  }
0x52: {  	_ =	shalt  }
0x53: {  	_ =	shalt  }
0x54: {  	_ =	shalt  }
0x55: {  	_ =	shalt  }
0x56: {  	_ =	shalt  }
0x57: {  	_ =	shalt  }
0x58: {  	_ =	shalt  }
0x59: {  	_ =	shalt  }
0x5a: {  	_ =	shalt  }
0x5b: {  	_ =	shalt  }
0x5c: {  	_ =	shalt  }
0x5d: {  	_ =	shalt  }
0x5e: {  	_ =	shalt  }
0x5f: {  	_ =	shalt  }
0x60: {  	_ =	shalt  }
0x61: {  	_ =	shalt  }
0x62: {  	_ =	shalt  }
0x63: {  	_ =	shalt  }
0x64: {  	_ =	shalt  }
0x65: {  	_ =	shalt  }
0x66: {  	_ =	shalt  }
0x67: {  	_ =	shalt  }
0x68: {  	_ =	shalt  }
0x69: {  	_ =	shalt  }
0x6a: {  	_ =	shalt  }
0x6b: {  	_ =	shalt  }
0x6c: {  	_ =	shalt  }
0x6d: {  	_ =	shalt  }
0x6e: {  	_ =	shalt  }
0x6f: {  	_ =	shalt  }
0x70: {  	_ =	shalt  }
0x71: {  	_ =	shalt  }
0x72: {  	_ =	shalt  }
0x73: {  	_ =	shalt  }
0x74: {  	_ =	shalt  }
0x75: {  	_ =	shalt  }
0x76: {  	_ =	shalt  }
0x77: {  	_ =	shalt  }
0x78: {  	_ =	shalt  }
0x79: {  	_ =	shalt  }
0x7a: {  	_ =	shalt  }
0x7b: {  	_ =	shalt  }
0x7c: {  	_ =	shalt  }
0x7d: {  	_ =	shalt  }
0x7e: {  	_ =	shalt  }
0x7f: {  	_ =	shalt  }
0x80: {  	_ =	shalt  }
0x81: {  	_ =	shalt  }
0x82: {  	_ =	shalt  }
0x83: {  	_ =	shalt  }
0x84: {  	_ =	shalt  }
0x85: {  	_ =	shalt  }
0x86: {  	_ =	shalt  }
0x87: {  	_ =	shalt  }
.Lfunc_end0:
.L_simem_size_0:
called_computation.3_lowered:
.L_overlay_start_0:
0x88: {  	s2 =	sld [smem:$0x3FD9]  }
0x89: {  	s3 =	sld [smem:$0x3FFE];
	_ =	sdelay $0x1  }
0x8a: {  	s1 =	srdreg.scid  }
0x8b: {  	s0 =	sand.u32 $0x1, s1  }
0x8c: {  	s16 =	sshll.u32 s0, $0xA;
	s2 =	sadd.s32 s3, s2  }
0x8d: {  	s2 =	sadd.s32 s2, s16  }
0x8e: {  	[smem:$0x3FAC] =	sst s2  }
0x8f: {  	_ = 	snop  }
0x90: {  	(tm) =	ssettm $0x1  }
0x91: {  	s17 =	sld [smem:$0x3FFB];
	_ =	sdelay $0x3  }
0x92: {  	_ =	strace s17  }
0x93: {  	s2 =	sld [smem:$0x3FFC];
	_ =	sdelay $0x3  }
0x94: {  	_ =	strace s2  }
0x95: {  	s2 =	sld [smem:$0x3FFD];
	_ =	sdelay $0x3  }
0x96: {  	_ =	strace s2  }
0x97: {  	_ =	strace $0x8FFFFFFF  }
0x98: {  	s18 =	sld [smem:$0x3FDB];
	_ =	sdelay $0x1  }
0x99: {  	s19 =	simm.s32 $_scs_section_size  }
0x9a: {  	s4 =	simm.s32 $_size__tile_overlayer_lowered;
	s5 =	simm.s32 $_tile_overlayer_lowered  }
0x9b: {  	s22 =	simm.s32 $0x1BFF;
	s21 =	sshll.u32 s5, $0x1;
	s2 =	sadd.s32 s19, s18  }
0x9c: {  	s6 =	simm.s32 $0x0;
	s20 =	sshll.u32 s4, $0x1;
	s4 =	sadd.s32 s21, s2  }
0x9d: {  	[timem:s6], [sflag:s22] =	dma.local [hbm:s4], s20  }
0x9e: {  	_ =	swait.ge [sflag:s22], s20  }
0x9f: {  	s3 =	ssub.s32 $0x0, s20;
	[sflag:s22] =	ssyncset.done $0x0  }
0xa0: {  	[sflag:s22] =	ssyncadd.s32 s3;
	_ =	sdelay $0x1  }
0xa1: {  	s23 =	simm.s32 $0x1B8B  }
0xa2: {  	_ =	swait.ge [sflag:s23], $0x1  }
0xa3: {  	[sflag:s23] =	ssyncset.done $0x0  }
0xa4: {  	s25 =	simm.s32 $0x1B8E;
	s24 =	sld [smem:$0x3FFE];
	[sflag:s23] =	ssyncadd.s32 $0xFFFFFFFF  }
0xa5: {  	s26 =	simm.s32 $execute0_lowered;
	[smem:$0x3FD2] =	sst s25  }
0xa6: {  	s4 =	sshll.u32 s26, $0x1;
	_ =	strace $0x8000004F;
	[dreg:$0x1] =	wrdreg $0xFFFFFFFF  }
0xa7: {  	s28 =	simm.s32 $_size_execute0_lowered;
	s2 =	sadd.s32 s2, s4;
	[dreg:$0x0] =	wrdreg $0x0  }
0xa8: {  	s4 =	sshll.u32 s28, $0x1;
	[dreg:$0x2] =	wrdreg s2  }
0xa9: {  	[dreg:$0x3] =	wrdreg s4  }
0xaa: {  	[dreg:$0x4] =	wrdreg $0xC0  }
0xab: {  	_ =	task [dreg:s6], $0x5FFFF  }
0xac: {  	[dreg:$0x1] =	wrdreg $0xFFFFFFFF  }
0xad: {  	[dreg:$0x0] =	wrdreg $0x60  }
0xae: {  	[dreg:$0x2] =	wrdreg s24  }
0xaf: {  	[dreg:$0x3] =	wrdreg $0xA8000  }
0xb0: {  	[dreg:$0x4] =	wrdreg $0x9  }
0xb1: {  	_ =	task.clear_ibuf [dreg:s6], $0x5FFFF;
	_ =	strace $0x9000004F  }
0xb2: {  	s29 =	simm.s32 $0x9;
	_ =	strace $0x80000051  }
0xb3: {  	_ =	swait.ge [sflag:s29], $0x1  }
0xb4: {  	[sflag:s29] =	ssyncadd.s32 $0xFFFFFFFF  }
0xb5: {  	_ =	strace $0x90000051  }
0xb6: {  	_ =	sfence  }
0xb7: {  	s30 =	sld [smem:$0x0];
	_ =	sdelay $0x2  }
0xb8: {  	s31 =	sshll.u32 s1, $0xD;
	s1 =	sshrl.u32 s1, $0x2  }
0xb9: {  	s3 =	sand.u32 $0x4000, s31;
	s1 =	sadd.s32 s1, s30  }
0xba: {  	s0 =	sor.u32 s3, s0;
	s1 =	sshll.u32 s1, $0x11  }
0xbb: {  	s0 =	sor.u32 s1, s0  }
0xbc: {  	s0 =	sadd.s32 $0x8F2B, s0  }
0xbd: {  	[sflag:s0] =	ssyncadd.remote.s32 $0x1  }
0xbe: {  	_ =	sfence.sel $0xFFFF  }
0xbf: {  	[dreg:$0x0] =	wrdreg $0xFFFFFFFF;
	(pc) =	sbr.abs _section_cstart, $3  }
0xc0: {  	[dreg:$0x1] =	wrdreg $0xFFFFFFFF  }
0xc1: {  	_ =	task.clear_ibuf [dreg:s6], $0x2FFFF;
	_ =	strace $0x9FFFFFFF  }
0xc2: {  	(tm) =	ssettm $0x7FFFFFFF  }
0xc3: {  	_ =	shalt  }
tec
execute0_lowered:
.L_overlay_start_1:
0x0: {  	(tag) =	ssettag $0x1  }
0x1: {  	s6 =	rddreg [dreg:$0x0]  }
0x2: {  	s2 =	rddreg [dreg:$0x1]  }
0x3: {  	s0 =	rddreg [dreg:$0x2];
	s3 =	simm.s32 $0x0;
	s4 =	srdreg.scid  }
0x4: {  	s1 =	stileid.u32;
	s16 =	simm.s32 $0x80;
	s17 =	simm.s32 $0x2800  }
0x5: {  	s18 =	simm.s32 $0x6800;
	s19 =	simm.s32 $0x1;
	s20 =	simm.s32 $0x2  }
0x6: {  	s21 =	simm.s32 $0x3;
	s22 =	simm.s32 $0x4;
	s23 =	simm.s32 $0x2700  }
0x7: {  	[smem:$0x7FF] =	sst s3;
	s7 =	sand.u32 $0x1, s4;
	s8 =	smul.u32 $0x2800, s1  }
0x8: {  	s4 =	sadd.s32 $0x1CC00, s6;
	s10 =	sadd.s32 $0x10400, s6;
	s11 =	sadd.s32 $0x6400, s6  }
0x9: {  	s5 =	sadd.s32 $0x1A400, s6;
	s24 =	sshll.u32 s1, $0x1;
	s25 =	smul.u32 $0x50000, s1  }
0xa: {  	s31 =	sshll.u32 s1, $0x6;
	_ =	strace $0x80000050;
	s9 =	smul.u32 $0x28000, s7  }
0xb: {  	s12 =	ssub.s32 $0x2, s7;
	s7 =	sor.u32 s7, s24;
	s24 =	simm.s32 $0x2780  }
0xc: {  	s26 =	sshrl.u32 s12, $0x1;
	s28 =	smul.u32 $0x2800, s7;
	s29 =	sshrl.u32 s25, $0x2  }
0xd: {  	s30 =	smul.u32 $0x500, s7;
	s25 =	simm.s32 $0x0;
	s8 =	sadd.s32 s8, s9  }
0xe: {  	s12 =	ssub.s32 s12, s26;
	s14 =	sadd.s32 s29, s2;
	s13 =	sadd.s32 s8, s6  }
0xf: {  	s8 =	sshrl.u32 s28, $0x3;
	s6 =	sor.u32 $0x1C05, s31;
	s7 =	sadd.s32 s10, s30  }
0x10: {  	s12 =	smax.u32 s12, $0x1;
	s15 =	sadd.s32 $0x280, s8;
	s8 =	sadd.s32 s11, s30  }
0x11: {  	s9 =	sadd.s32 s10, s15;
	s10 =	sadd.s32 s11, s15;
	s11 =	sadd.s32 $0x44C00, s13  }
0x12: {  	s13 =	sshrl.u32 s14, $0x3;
	s14 =	simm.s32 $0x5;
	s15 =	simm.s32 $0x1400  }
.LBB2_1:
0x13: {  	[spmem:s13], [sflag:s6] =	dma.local [hbm:s5], $0x2800  }
0x14: {  	_ =	swait.ge [sflag:s14], $0x2800  }
0x15: {  	[sflag:s14] =	ssyncset.done $0x0  }
0x16: {  	[sflag:s14] =	ssyncadd.s32 $0xFFFFD800  }
0x17: {  	[bflag:$0x0] =	sbarrier.arrive $0xFFFF  }
0x18: {  	[tilespmem:s3], [sflag:$0x5] =	stream.linear.gather [hbm4b:s7+s3], $0x1400, $0x38;
	[tilespmem:$0x1E800] =	vst v63  }
0x19: {  	_ =	swait.ge [sflag:s14], $0x1400  }
0x1a: {  	[sflag:s14] =	ssyncset.done $0x0  }
0x1b: {  	[sflag:s14] =	ssyncadd.s32 $0xFFFFEC00  }
0x1c: {  	[tilespmem:s15], [sflag:$0x5] =	stream.linear.gather [hbm4b:s8+s3], $0x1400, $0x38;
	[tilespmem:$0x1E800] =	vst v63  }
0x1d: {  	_ =	swait.ge [sflag:s14], $0x1400  }
0x1e: {  	[sflag:s14] =	ssyncset.done $0x0  }
0x1f: {  	[sflag:s14] =	ssyncadd.s32 $0xFFFFEC00  }
0x20: {  	[tilespmem:s17], [sflag:$0x1] =	stream.indirect.gather [hbm4b:s4+s16], $0x80, s3, s16, $0xb8;
	[tilespmem:$0x1E800] =	vst v63  }
0x21: {  	_ = 	snop  }
0x22: {  	[tilespmem:s18], [sflag:$0x2] =	stream.indirect.gather [hbm4b:s4+s16], $0x80, s16, s16, $0xb8;
	[tilespmem:$0x1E800] =	vst v63  }
0x23: {  	_ =	swait.ge [sflag:s19], $0x4000  }
0x24: {  	[sflag:s19] =	ssyncset.done $0x0  }
0x25: {  	s26 =	simm.s32 $0x1400;
	[sflag:s19] =	ssyncadd.s32 $0xFFFFC000  }
0x26: {  	[spmem:s2] =	stream.indirect.scatter.add.f32 [tilespmem:s17], [sflag:$0x3], $0x80, s26, s16, $0xb8;
	[tilespmem:$0x1E800] =	vst v63  }
0x27: {  	_ =	swait.ge [sflag:s20], $0x4000  }
0x28: {  	[sflag:s20] =	ssyncset.done $0x0  }
0x29: {  	s30 =	simm.s32 $0x1480;
	[sflag:s20] =	ssyncadd.s32 $0xFFFFC000  }
0x2a: {  	[spmem:s2] =	stream.indirect.scatter.add.f32 [tilespmem:s18], [sflag:$0x4], $0x80, s30, s16, $0xb8;
	[tilespmem:$0x1E800] =	vst v63  }
0x2b: {  	_ =	swait.ge [sflag:s21], $0x4000  }
0x2c: {  	[sflag:s21] =	ssyncset.done $0x0  }
0x2d: {  	s31 =	simm.s32 $0x100;
	[sflag:s21] =	ssyncadd.s32 $0xFFFFC000  }
0x2e: {  	[tilespmem:s17], [sflag:$0x1] =	stream.indirect.gather [hbm4b:s4+s16], $0x80, s31, s16, $0xb8;
	[tilespmem:$0x1E800] =	vst v63  }
0x2f: {  	_ =	swait.ge [sflag:s22], $0x4000  }
0x30: {  	[sflag:s22] =	ssyncset.done $0x0  }
0x31: {  	s28 =	simm.s32 $0x180;
	s26 =	simm.s32 $0x400;
	[sflag:s22] =	ssyncadd.s32 $0xFFFFC000  }
.LBB2_2:
0x32: {  	[tilespmem:s18], [sflag:$0x2] =	stream.indirect.gather [hbm4b:s4+s16], $0x80, s28, s16, $0xb8;
	[tilespmem:$0x1E800] =	vst v63  }
0x33: {  	s28 =	smov.u32 s26  }
0x34: {  	p0 =	sne.s32 s26, $0x4800;
	s26 =	sadd.s32 $0x400, s26;
	_ =	swait.ge [sflag:s19], $0x4000  }
0x35: {  	s28 =	sshra.s32 s28, $0x2;
	[sflag:s19] =	ssyncset.done $0x0  }
0x36: {  	s29 =	sadd.s32 $0x1400, s28;
	[sflag:s19] =	ssyncadd.s32 $0xFFFFC000  }
0x37: {  	[spmem:s2] =	stream.indirect.scatter.add.f32 [tilespmem:s17], [sflag:$0x3], $0x80, s29, s16, $0xb8;
	[tilespmem:$0x1E800] =	vst v63  }
0x38: {  	_ =	swait.ge [sflag:s20], $0x4000  }
0x39: {  	[sflag:s20] =	ssyncset.done $0x0  }
0x3a: {  	s29 =	sadd.s32 $0x1480, s28;
	[sflag:s20] =	ssyncadd.s32 $0xFFFFC000  }
0x3b: {  	[spmem:s2] =	stream.indirect.scatter.add.f32 [tilespmem:s18], [sflag:$0x4], $0x80, s29, s16, $0xb8;
	[tilespmem:$0x1E800] =	vst v63  }
0x3c: {  	_ =	swait.ge [sflag:s21], $0x4000  }
0x3d: {  	[sflag:s21] =	ssyncset.done $0x0  }
.Ltmp0:
0x3e: {  	s29 =	sadd.s32 $0x100, s28;
	[sflag:s21] =	ssyncadd.s32 $0xFFFFC000;
	(pc) =	sbr.rel @p0 .LBB2_2-.Ltmp0, $4  }
0x3f: {  	[tilespmem:s17], [sflag:$0x1] =	stream.indirect.gather [hbm4b:s4+s16], $0x80, s29, s16, $0xb8;
	[tilespmem:$0x1E800] =	vst v63  }
0x40: {  	_ =	swait.ge [sflag:s22], $0x4000  }
0x41: {  	[sflag:s22] =	ssyncset.done $0x0  }
0x42: {  	s28 =	sadd.s32 $0x180, s28;
	[sflag:s22] =	ssyncadd.s32 $0xFFFFC000  }
0x43: {  	[tilespmem:s18], [sflag:$0x2] =	stream.indirect.gather [hbm4b:s4+s16], $0x80, s28, s16, $0xb8;
	[tilespmem:$0x1E800] =	vst v63  }
0x44: {  	_ =	swait.ge [sflag:s19], $0x4000  }
0x45: {  	[sflag:s19] =	ssyncset.done $0x0  }
0x46: {  	[sflag:s19] =	ssyncadd.s32 $0xFFFFC000  }
0x47: {  	[spmem:s2] =	stream.indirect.scatter.add.f32 [tilespmem:s17], [sflag:$0x3], $0x80, s23, s16, $0xb8;
	[tilespmem:$0x1E800] =	vst v63  }
0x48: {  	_ =	swait.ge [sflag:s20], $0x4000  }
0x49: {  	[sflag:s20] =	ssyncset.done $0x0  }
0x4a: {  	[sflag:s20] =	ssyncadd.s32 $0xFFFFC000  }
0x4b: {  	[spmem:s2] =	stream.indirect.scatter.add.f32 [tilespmem:s18], [sflag:$0x4], $0x80, s24, s16, $0xb8;
	[tilespmem:$0x1E800] =	vst v63  }
0x4c: {  	_ =	swait.ge [sflag:s21], $0x4000  }
0x4d: {  	[sflag:s21] =	ssyncset.done $0x0  }
0x4e: {  	[sflag:s21] =	ssyncadd.s32 $0xFFFFC000  }
0x4f: {  	_ =	swait.ge [sflag:s22], $0x4000  }
0x50: {  	[sflag:s22] =	ssyncset.done $0x0  }
0x51: {  	s26 =	simm.s32 $0x0;
	[sflag:s22] =	ssyncadd.s32 $0xFFFFC000  }
0x52: {  	[tilespmem:s26], [sflag:$0x5] =	stream.linear.gather [hbm4b:s9+s26], $0x1400, $0x38;
	[tilespmem:$0x1E800] =	vst v63  }
0x53: {  	_ =	swait.ge [sflag:s14], $0x1400  }
0x54: {  	[sflag:s14] =	ssyncset.done $0x0  }
0x55: {  	[sflag:s14] =	ssyncadd.s32 $0xFFFFEC00  }
0x56: {  	[tilespmem:s15], [sflag:$0x5] =	stream.linear.gather [hbm4b:s10+s26], $0x1400, $0x38;
	[tilespmem:$0x1E800] =	vst v63  }
0x57: {  	_ =	swait.ge [sflag:s14], $0x1400  }
0x58: {  	[sflag:s14] =	ssyncset.done $0x0  }
0x59: {  	[sflag:s14] =	ssyncadd.s32 $0xFFFFEC00  }
0x5a: {  	[tilespmem:s17], [sflag:$0x1] =	stream.indirect.gather [hbm4b:s4+s16], $0x80, s26, s16, $0xb8;
	[tilespmem:$0x1E800] =	vst v63  }
0x5b: {  	_ = 	snop  }
0x5c: {  	[tilespmem:s18], [sflag:$0x2] =	stream.indirect.gather [hbm4b:s4+s16], $0x80, s16, s16, $0xb8;
	[tilespmem:$0x1E800] =	vst v63  }
0x5d: {  	_ =	swait.ge [sflag:s19], $0x4000  }
0x5e: {  	[sflag:s19] =	ssyncset.done $0x0  }
0x5f: {  	s29 =	simm.s32 $0x1400;
	[sflag:s19] =	ssyncadd.s32 $0xFFFFC000  }
0x60: {  	[spmem:s2] =	stream.indirect.scatter.add.f32 [tilespmem:s17], [sflag:$0x3], $0x80, s29, s16, $0xb8;
	[tilespmem:$0x1E800] =	vst v63  }
0x61: {  	_ =	swait.ge [sflag:s20], $0x4000  }
0x62: {  	[sflag:s20] =	ssyncset.done $0x0  }
0x63: {  	s30 =	simm.s32 $0x1480;
	[sflag:s20] =	ssyncadd.s32 $0xFFFFC000  }
0x64: {  	[spmem:s2] =	stream.indirect.scatter.add.f32 [tilespmem:s18], [sflag:$0x4], $0x80, s30, s16, $0xb8;
	[tilespmem:$0x1E800] =	vst v63  }
0x65: {  	_ =	swait.ge [sflag:s21], $0x4000  }
0x66: {  	[sflag:s21] =	ssyncset.done $0x0  }
0x67: {  	s31 =	simm.s32 $0x100;
	[sflag:s21] =	ssyncadd.s32 $0xFFFFC000  }
0x68: {  	[tilespmem:s17], [sflag:$0x1] =	stream.indirect.gather [hbm4b:s4+s16], $0x80, s31, s16, $0xb8;
	[tilespmem:$0x1E800] =	vst v63  }
0x69: {  	_ =	swait.ge [sflag:s22], $0x4000  }
0x6a: {  	[sflag:s22] =	ssyncset.done $0x0  }
0x6b: {  	s28 =	simm.s32 $0x180;
	s26 =	simm.s32 $0x400;
	[sflag:s22] =	ssyncadd.s32 $0xFFFFC000  }
.LBB2_4:
0x6c: {  	[tilespmem:s18], [sflag:$0x2] =	stream.indirect.gather [hbm4b:s4+s16], $0x80, s28, s16, $0xb8;
	[tilespmem:$0x1E800] =	vst v63  }
0x6d: {  	s28 =	smov.u32 s26  }
0x6e: {  	p0 =	sne.s32 s26, $0x4800;
	s26 =	sadd.s32 $0x400, s26;
	_ =	swait.ge [sflag:s19], $0x4000  }
0x6f: {  	s28 =	sshra.s32 s28, $0x2;
	[sflag:s19] =	ssyncset.done $0x0  }
0x70: {  	s29 =	sadd.s32 $0x1400, s28;
	[sflag:s19] =	ssyncadd.s32 $0xFFFFC000  }
0x71: {  	[spmem:s2] =	stream.indirect.scatter.add.f32 [tilespmem:s17], [sflag:$0x3], $0x80, s29, s16, $0xb8;
	[tilespmem:$0x1E800] =	vst v63  }
0x72: {  	_ =	swait.ge [sflag:s20], $0x4000  }
0x73: {  	[sflag:s20] =	ssyncset.done $0x0  }
0x74: {  	s29 =	sadd.s32 $0x1480, s28;
	[sflag:s20] =	ssyncadd.s32 $0xFFFFC000  }
0x75: {  	[spmem:s2] =	stream.indirect.scatter.add.f32 [tilespmem:s18], [sflag:$0x4], $0x80, s29, s16, $0xb8;
	[tilespmem:$0x1E800] =	vst v63  }
0x76: {  	_ =	swait.ge [sflag:s21], $0x4000  }
0x77: {  	[sflag:s21] =	ssyncset.done $0x0  }
.Ltmp1:
0x78: {  	s29 =	sadd.s32 $0x100, s28;
	[sflag:s21] =	ssyncadd.s32 $0xFFFFC000;
	(pc) =	sbr.rel @p0 .LBB2_4-.Ltmp1, $4  }
0x79: {  	[tilespmem:s17], [sflag:$0x1] =	stream.indirect.gather [hbm4b:s4+s16], $0x80, s29, s16, $0xb8;
	[tilespmem:$0x1E800] =	vst v63  }
0x7a: {  	_ =	swait.ge [sflag:s22], $0x4000  }
0x7b: {  	[sflag:s22] =	ssyncset.done $0x0  }
0x7c: {  	s28 =	sadd.s32 $0x180, s28;
	[sflag:s22] =	ssyncadd.s32 $0xFFFFC000  }
0x7d: {  	[tilespmem:s18], [sflag:$0x2] =	stream.indirect.gather [hbm4b:s4+s16], $0x80, s28, s16, $0xb8;
	[tilespmem:$0x1E800] =	vst v63  }
0x7e: {  	_ =	swait.ge [sflag:s19], $0x4000  }
0x7f: {  	[sflag:s19] =	ssyncset.done $0x0  }
0x80: {  	[sflag:s19] =	ssyncadd.s32 $0xFFFFC000  }
0x81: {  	[spmem:s2] =	stream.indirect.scatter.add.f32 [tilespmem:s17], [sflag:$0x3], $0x80, s23, s16, $0xb8;
	[tilespmem:$0x1E800] =	vst v63  }
0x82: {  	_ =	swait.ge [sflag:s20], $0x4000  }
0x83: {  	[sflag:s20] =	ssyncset.done $0x0  }
0x84: {  	[sflag:s20] =	ssyncadd.s32 $0xFFFFC000  }
0x85: {  	[spmem:s2] =	stream.indirect.scatter.add.f32 [tilespmem:s18], [sflag:$0x4], $0x80, s24, s16, $0xb8;
	[tilespmem:$0x1E800] =	vst v63  }
0x86: {  	_ =	swait.ge [sflag:s21], $0x4000  }
0x87: {  	[sflag:s21] =	ssyncset.done $0x0  }
0x88: {  	[sflag:s21] =	ssyncadd.s32 $0xFFFFC000  }
0x89: {  	_ =	swait.ge [sflag:s22], $0x4000  }
0x8a: {  	s25 =	sadd.s32 $0x1, s25;
	[sflag:s22] =	ssyncset.done $0x0  }
0x8b: {  	p0 =	sne.s32 s25, s12;
	[sflag:s22] =	ssyncadd.s32 $0xFFFFC000  }
.Ltmp2:
0x8c: {  	[bflag:$0x0] =	sbarrier.arrive $0xFFFF;
	(pc) =	sbr.rel @p0 .LBB2_1-.Ltmp2, $4  }
0x8d: {  	[hbm:s11], [sflag:s6] =	dma.local [spmem:s13], $0x2800  }
0x8e: {  	_ =	swait.ge [sflag:s14], $0x2800  }
0x8f: {  	[sflag:s14] =	ssyncset.done $0x0  }
0x90: {  	[sflag:s14] =	ssyncadd.s32 $0xFFFFD800  }
0x91: {  	_ =	sfence.sel $0x180000  }
0x92: {  	[bflag:$0x0] =	sbarrier.arrive $0xFFFF  }
0x93: {  	p0 =	sne.s32 s1, $0x0;
	_ =	strace $0x90000050  }
0x94: {  	s0 =	sadd.s32 @!p0 $0x100000, s0;
	[bflag:$0x2] =	sbarrier.arrive $0xFFFF  }
0x95: {  	[sflag:s0] =	ssyncadd.tile.s32 @!p0 $0x1;
	_ =	shalt  }
.Lfunc_end2:
_tile_overlayer_lowered:
.L_overlay_start_2:
0x96: {  	(tag) =	ssettag $0x2  }
0x97: {  	s0 =	rddreg [dreg:$0x0];
	s2 =	stileid.u32  }
0x98: {  	s1 =	rddreg [dreg:$0x1];
	p0 =	sne.s32 s2, $0x0  }
0x99: {  	s3 =	rddreg [dreg:$0x2];
	[bflag:$0x3] =	sbarrier.arrive $0xFFFF;
	s2 =	simm.s32 @!p0 $0x1C05  }
0x9a: {  	[timem:s3], [sflag:s2] =	dma.local @!p0 [hbm:s0], s1  }
0x9b: {  	s0 =	simm.s32 @!p0 $0x5  }
0x9c: {  	_ =	swait.ge @!p0 [sflag:s0], s1  }
0x9d: {  	s1 =	ssub.s32 @!p0 $0x0, s1;
	[sflag:s0] =	ssyncset.done @!p0 $0x0  }
0x9e: {  	[sflag:s0] =	ssyncadd.s32 @!p0 s1  }
0x9f: {  	[bflag:$0x3] =	sbarrier.arrive $0xFFFF  }
0xa0: {  	_ =	shalt  }

</sc_bundles>
